<compile_context>
chip_gen: v7x
topology: tpu7x:2x2x1
jax: 0.10.2.dev20260603
libtpu: 0.0.44.dev20260713+nightly
codegen_flags: <defaults>
</compile_context>

<pallas_src>
import functools

import jax
import jax.numpy as jnp
from jax import lax
from jax.experimental import pallas as pl
from jax.experimental.pallas import tpu as pltpu
from jax.experimental.pallas import tpu_sc as plsc

N_NODE = 10000
E = 320000
D = 128

NC = 2
NS = 16
LANES = 16
NPAD = 10240
ROWS_PER_TILE = NPAD // NS
CH = 80
EDGES_PER_TILE = E // (NC * NS)
N_CHUNK = EDGES_PER_TILE // CH
IB = 25
ZR = 64


def _sc_aggregate(h_user, h_item, e_uci3, e_icu3):
    mesh = plsc.VectorSubcoreMesh(
        core_axis_name="c", subcore_axis_name="s",
        num_cores=NC, num_subcores=NS)

    out_type = (
        jax.ShapeDtypeStruct((NC, NPAD, D), jnp.float32),
        jax.ShapeDtypeStruct((NC, NPAD, LANES), jnp.float32),
        jax.ShapeDtypeStruct((NC, NPAD, D), jnp.float32),
        jax.ShapeDtypeStruct((NC, NPAD, LANES), jnp.float32),
    )

    @functools.partial(
        pl.kernel, mesh=mesh, out_type=out_type,
        compiler_params=pltpu.CompilerParams(use_tc_tiling_on_sc=False),
        scratch_types=[
            pltpu.VMEM_SHARED((NPAD, D), jnp.float32),
            pltpu.VMEM_SHARED((NPAD, LANES), jnp.float32),
            pltpu.VMEM((2, IB, CH), jnp.int32),
            pltpu.VMEM((2, CH, D), jnp.float32),
            pltpu.VMEM((CH, LANES), jnp.float32),
            pltpu.VMEM((ZR, D), jnp.float32),
            pltpu.VMEM((ZR, LANES), jnp.float32),
            pltpu.SemaphoreType.DMA,
            pltpu.SemaphoreType.DMA,
            pltpu.SemaphoreType.DMA,
        ],
    )
    def sc_kernel(hu, hi, e_uci, e_icu,
                  agg_item, cnt_item, agg_user, cnt_user,
                  agg_sh, cnt_sh, eidx_v, rows_v,
                  ones_v, zagg_v, zcnt_v, gsemA, gsemB, ssem):
        c = lax.axis_index("c")
        s = lax.axis_index("s")
        row0 = s * ROWS_PER_TILE

        zeros16 = jnp.zeros((LANES,), jnp.float32)
        ones16 = jnp.ones((LANES,), jnp.float32)

        def _fill_rows(ref, nrows, val):
            def row_body(r, _):
                def col_body(cc, __):
                    ref[r, pl.ds(cc * LANES, LANES)] = val
                    return __
                return lax.fori_loop(0, ref.shape[1] // LANES, col_body, _)
            lax.fori_loop(0, nrows, row_body, 0)

        _fill_rows(zagg_v, ZR, zeros16)
        _fill_rows(zcnt_v, ZR, zeros16)
        _fill_rows(ones_v, CH, ones16)

        for h, edges, agg_out, cnt_out in (
                (hu, e_uci, agg_item, cnt_item),
                (hi, e_icu, agg_user, cnt_user)):
            zcopies = []
            for j in range(ROWS_PER_TILE // ZR):
                zcopies.append(pltpu.async_copy(
                    zagg_v, agg_sh.at[pl.ds(row0 + j * ZR, ZR)], gsemA))
                zcopies.append(pltpu.async_copy(
                    zcnt_v, cnt_sh.at[pl.ds(row0 + j * ZR, ZR)], gsemA))
            for dsc in zcopies:
                dsc.wait()
            plsc.subcore_barrier()

            r0 = c * (E // NC // CH) + s * N_CHUNK

            def scatter_pair(i, p):
                return ((rows_v.at[p], agg_sh.at[eidx_v.at[1, i]]),
                        (ones_v, cnt_sh.at[eidx_v.at[1, i]]))

            def drain_scatters(i, p):
                (rs, rd), (os_, od) = scatter_pair(i, p)
                pltpu.make_async_copy(rs, rd, ssem).wait()
                pltpu.make_async_copy(os_, od, ssem).wait()

            def issue_scatters(i, p):
                (rs, rd), (os_, od) = scatter_pair(i, p)
                pltpu.async_copy(rs, rd, ssem, add=True)
                pltpu.async_copy(os_, od, ssem, add=True)

            def block_body(blk, carry):
                brow = r0 + blk * IB
                pltpu.sync_copy(edges.at[:, pl.ds(brow, IB)], eidx_v)

                pltpu.async_copy(h.at[eidx_v.at[0, 0]], rows_v.at[0], gsemA)

                def pair_body(k, carry2):
                    i0 = 2 * k
                    i1 = 2 * k + 1

                    @pl.when(k >= 1)
                    def _():
                        drain_scatters(i0 - 1, 1)
                    pltpu.async_copy(h.at[eidx_v.at[0, i1]], rows_v.at[1], gsemB)
                    pltpu.make_async_copy(h.at[eidx_v.at[0, i0]],
                                          rows_v.at[0], gsemA).wait()
                    issue_scatters(i0, 0)
                    pltpu.make_async_copy(h.at[eidx_v.at[0, i1]],
                                          rows_v.at[1], gsemB).wait()
                    drain_scatters(i0, 0)
                    pltpu.async_copy(h.at[eidx_v.at[0, i0 + 2]],
                                     rows_v.at[0], gsemA)
                    issue_scatters(i1, 1)
                    return carry2

                lax.fori_loop(0, IB // 2, pair_body, 0)

                drain_scatters(jnp.int32(IB - 2), 1)
                pltpu.make_async_copy(h.at[eidx_v.at[0, IB - 1]],
                                      rows_v.at[0], gsemA).wait()
                issue_scatters(jnp.int32(IB - 1), 0)
                drain_scatters(jnp.int32(IB - 1), 0)
                return carry

            lax.fori_loop(0, N_CHUNK // IB, block_body, 0)
            plsc.subcore_barrier()

            pltpu.sync_copy(agg_sh.at[pl.ds(row0, ROWS_PER_TILE)],
                            agg_out.at[c, pl.ds(row0, ROWS_PER_TILE)])
            pltpu.sync_copy(cnt_sh.at[pl.ds(row0, ROWS_PER_TILE)],
                            cnt_out.at[c, pl.ds(row0, ROWS_PER_TILE)])

    return sc_kernel(h_user, h_item, e_uci3, e_icu3)


_BLK = 1000
_GRID = N_NODE // _BLK


def _pre_body(xu_ref, xi_ref, wu_ref, wi_ref, hu_ref, hi_ref):
    dn = (((1,), (1,)), ((), ()))
    hu_ref[...] = lax.dot_general(xu_ref[...], wu_ref[...], dn,
                                  preferred_element_type=jnp.float32)
    hi_ref[...] = lax.dot_general(xi_ref[...], wi_ref[...], dn,
                                  preferred_element_type=jnp.float32)


def _tc_pre(x_user, x_item, w_uci, w_icu):
    blk_x = pl.BlockSpec((_BLK, D), lambda i: (i, 0))
    blk_w = pl.BlockSpec((D, D), lambda i: (0, 0))
    return pl.pallas_call(
        _pre_body,
        grid=(_GRID,),
        in_specs=[blk_x, blk_x, blk_w, blk_w],
        out_specs=[blk_x, blk_x],
        out_shape=[jax.ShapeDtypeStruct((N_NODE, D), jnp.float32)] * 2,
    )(x_user, x_item, w_uci, w_icu)


def _post_body(xu_ref, wu_ref, bsu_ref, bnu_ref, pu_ref, cu_ref,
               xi_ref, wi_ref, bsi_ref, bni_ref, pi_ref, ci_ref,
               ou_ref, oi_ref):
    dn = (((1,), (1,)), ((), ()))
    for x_ref, w_ref, bs_ref, bn_ref, p_ref, c_ref, o_ref in (
            (xu_ref, wu_ref, bsu_ref, bnu_ref, pu_ref, cu_ref, ou_ref),
            (xi_ref, wi_ref, bsi_ref, bni_ref, pi_ref, ci_ref, oi_ref)):
        agg = p_ref[0] + p_ref[1]
        cnt = jnp.maximum(c_ref[0, :, :1] + c_ref[1, :, :1], 1.0)
        self_t = lax.dot_general(x_ref[...], w_ref[...], dn,
                                 preferred_element_type=jnp.float32)
        o_ref[...] = jnp.maximum(
            self_t + bs_ref[...] + agg / cnt + bn_ref[...], 0.0)


def _tc_post(x_user, w_self_user, b_self_user, b_neigh_icu, p_user, c_user,
             x_item, w_self_item, b_self_item, b_neigh_uci, p_item, c_item):
    blk_x = pl.BlockSpec((_BLK, D), lambda i: (i, 0))
    blk_w = pl.BlockSpec((D, D), lambda i: (0, 0))
    blk_b = pl.BlockSpec((1, D), lambda i: (0, 0))
    blk_p = pl.BlockSpec((NC, _BLK, D), lambda i: (0, i, 0))
    blk_c = pl.BlockSpec((NC, _BLK, LANES), lambda i: (0, i, 0))
    return pl.pallas_call(
        _post_body,
        grid=(_GRID,),
        in_specs=[blk_x, blk_w, blk_b, blk_b, blk_p, blk_c,
                  blk_x, blk_w, blk_b, blk_b, blk_p, blk_c],
        out_specs=[blk_x, blk_x],
        out_shape=[jax.ShapeDtypeStruct((N_NODE, D), jnp.float32)] * 2,
    )(x_user, w_self_user, b_self_user, b_neigh_icu, p_user, c_user,
      x_item, w_self_item, b_self_item, b_neigh_uci, p_item, c_item)


def kernel(x_user, x_item, edge_index_user_clicks_item,
           edge_index_item_rev_clicks_user,
           W_self_user, b_self_user, W_self_item, b_self_item,
           W_neigh_uci, b_neigh_uci, W_neigh_icu, b_neigh_icu):
    h_user, h_item = _tc_pre(x_user, x_item, W_neigh_uci, W_neigh_icu)

    agg_item, cnt_item, agg_user, cnt_user = _sc_aggregate(
        h_user, h_item,
        edge_index_user_clicks_item.reshape(2, E // CH, CH),
        edge_index_item_rev_clicks_user.reshape(2, E // CH, CH))

    out_user, out_item = _tc_post(
        x_user, W_self_user, b_self_user.reshape(1, D), b_neigh_icu.reshape(1, D),
        agg_user, cnt_user,
        x_item, W_self_item, b_self_item.reshape(1, D), b_neigh_uci.reshape(1, D),
        agg_item, cnt_item)
    return out_user, out_item

# --- scband reference (transcript-rebuilt; emitter-appended) ---
"""Pipeline reference for scband-hetero-graph-sagelayer-764504178904 (READ-ONLY COPY).

The authoritative reference and input builder live on the scoring server;
editing this copy changes nothing except your own understanding.
"""

import jax, jax.numpy as jnp
import numpy as np

N_USER = 10000
N_ITEM = 10000
E = 320000
D_IN = 128
D_OUT = 128


def setup_inputs(seed: int = 0) -> dict:
    key = jax.random.key(seed)
    ks = jax.random.split(key, 12)
    x_user = jax.random.normal(ks[0], (N_USER, D_IN), dtype=jnp.float32)
    x_item = jax.random.normal(ks[1], (N_ITEM, D_IN), dtype=jnp.float32)
    edge_index_user_clicks_item = jax.random.randint(ks[2], (2, E), 0, N_ITEM, dtype=jnp.int64) if False else jax.random.randint(ks[2], (2, E), 0, N_ITEM).astype(jnp.int32)
    edge_index_item_rev_clicks_user = jax.random.randint(ks[3], (2, E), 0, N_USER).astype(jnp.int32)
    s = 0.05
    W_self_user = jax.random.normal(ks[4], (D_OUT, D_IN), dtype=jnp.float32) * s
    b_self_user = jax.random.normal(ks[5], (D_OUT,), dtype=jnp.float32) * s
    W_self_item = jax.random.normal(ks[6], (D_OUT, D_IN), dtype=jnp.float32) * s
    b_self_item = jax.random.normal(ks[7], (D_OUT,), dtype=jnp.float32) * s
    W_neigh_uci = jax.random.normal(ks[8], (D_OUT, D_IN), dtype=jnp.float32) * s
    b_neigh_uci = jax.random.normal(ks[9], (D_OUT,), dtype=jnp.float32) * s
    W_neigh_icu = jax.random.normal(ks[10], (D_OUT, D_IN), dtype=jnp.float32) * s
    b_neigh_icu = jax.random.normal(ks[11], (D_OUT,), dtype=jnp.float32) * s
    return {
        'x_user': x_user,
        'x_item': x_item,
        'edge_index_user_clicks_item': edge_index_user_clicks_item,
        'edge_index_item_rev_clicks_user': edge_index_item_rev_clicks_user,
        'W_self_user': W_self_user, 'b_self_user': b_self_user,
        'W_self_item': W_self_item, 'b_self_item': b_self_item,
        'W_neigh_uci': W_neigh_uci, 'b_neigh_uci': b_neigh_uci,
        'W_neigh_icu': W_neigh_icu, 'b_neigh_icu': b_neigh_icu,
    }


def reference(x_user, x_item, edge_index_user_clicks_item, edge_index_item_rev_clicks_user,
              W_self_user, b_self_user, W_self_item, b_self_item,
              W_neigh_uci, b_neigh_uci, W_neigh_icu, b_neigh_icu):
    # self transforms (nn.Linear: x @ W.T + b)
    out_user = x_user @ W_self_user.T + b_self_user
    out_item = x_item @ W_self_item.T + b_self_item

    # edge type (user, clicks, item): aggregate user feats into item nodes (mean)
    src = edge_index_user_clicks_item[0]
    dst = edge_index_user_clicks_item[1]
    msgs = jnp.take(x_user, src, axis=0)
    agg = jax.ops.segment_sum(msgs, dst, num_segments=N_ITEM)
    cnt = jax.ops.segment_sum(jnp.ones((E, 1), dtype=jnp.float32), dst, num_segments=N_ITEM)
    cnt = jnp.clip(cnt, 1.0)
    agg = agg / cnt
    out_item = out_item + (agg @ W_neigh_uci.T + b_neigh_uci)

    # edge type (item, rev_clicks, user): aggregate item feats into user nodes (mean)
    src2 = edge_index_item_rev_clicks_user[0]
    dst2 = edge_index_item_rev_clicks_user[1]
    msgs2 = jnp.take(x_item, src2, axis=0)
    agg2 = jax.ops.segment_sum(msgs2, dst2, num_segments=N_USER)
    cnt2 = jax.ops.segment_sum(jnp.ones((E, 1), dtype=jnp.float32), dst2, num_segments=N_USER)
    cnt2 = jnp.clip(cnt2, 1.0)
    agg2 = agg2 / cnt2
    out_user = out_user + (agg2 @ W_neigh_icu.T + b_neigh_icu)

    return (jax.nn.relu(out_user), jax.nn.relu(out_item))

if __name__ == "__main__":
    import jax
    _d = setup_inputs()
    print(jax.jit(kernel)(*tuple(_d.values())))

</pallas_src>

<mosaic_0001>
#map = affine_map<(d0, d1) -> (0, 0)>
#map1 = affine_map<(d0, d1) -> (0, 0, 0)>
module attributes {stable_mosaic.version = 14 : i64} {
  func.func @sc_kernel(%arg0: i32, %arg1: i32, %arg2: memref<10000x128xf32, #tpu.memory_space<hbm>>, %arg3: memref<10000x128xf32, #tpu.memory_space<hbm>>, %arg4: memref<2x4000x80xi32, #tpu.memory_space<hbm>>, %arg5: memref<2x4000x80xi32, #tpu.memory_space<hbm>>, %arg6: memref<2x10240x128xf32, #tpu.memory_space<hbm>>, %arg7: memref<2x10240x16xf32, #tpu.memory_space<hbm>>, %arg8: memref<2x10240x128xf32, #tpu.memory_space<hbm>>, %arg9: memref<2x10240x16xf32, #tpu.memory_space<hbm>>, %arg10: memref<10240x128xf32, #tpu.memory_space<vmem_shared>>, %arg11: memref<10240x16xf32, #tpu.memory_space<vmem_shared>>, %arg12: memref<2x25x80xi32, #tpu.memory_space<vmem>>, %arg13: memref<2x80x128xf32, #tpu.memory_space<vmem>>, %arg14: memref<80x16xf32, #tpu.memory_space<vmem>>, %arg15: memref<64x128xf32, #tpu.memory_space<vmem>>, %arg16: memref<64x16xf32, #tpu.memory_space<vmem>>, %arg17: memref<!tpu.dma_semaphore, #tpu.memory_space<semaphore_mem>>, %arg18: memref<!tpu.dma_semaphore, #tpu.memory_space<semaphore_mem>>, %arg19: memref<!tpu.dma_semaphore, #tpu.memory_space<semaphore_mem>>) attributes {dimension_semantics = [#tpu.dimension_semantics<core_parallel>, #tpu.dimension_semantics<subcore_parallel>], iteration_bounds = array<i64: 2, 16>, scalar_prefetch = 0 : i64, scratch_operands = 10 : i64, tpu.core_type = #tpu.core_type<sc_vector_subcore>, window_params = [{transform_indices = #map}, {transform_indices = #map}, {transform_indices = #map1}, {transform_indices = #map1}, {transform_indices = #map1}, {transform_indices = #map1}, {transform_indices = #map1}, {transform_indices = #map1}]} {
    %mul3A = arith.constant 640 : i32
    %mul3A_0 = arith.muli %arg1, %mul3A : i32
    %broadcast_in_dim3A = arith.constant 0.000000e+00 : f32
    %broadcast_in_dim3A_1 = vector.broadcast %broadcast_in_dim3A : f32 to vector<16xf32>
    %broadcast_in_dim3A_2 = arith.constant 1.000000e+00 : f32
    %broadcast_in_dim3A_3 = vector.broadcast %broadcast_in_dim3A_2 : f32 to vector<16xf32>
    %scan3A = arith.constant 0 : i32
    %scan3A_4 = arith.constant 0 : i32
    %scan3A_5 = arith.constant 64 : i32
    %scan3A_6 = arith.addi %scan3A_4, %scan3A_5 : i32
    %scan3A_7 = arith.constant 1 : i32
    scf.for %scan3A_443 = %scan3A_4 to %scan3A_6 step %scan3A_7  : i32 {
      %scan3A_444 = arith.constant 0 : i32
      %scan3A_445 = arith.constant 8 : i32
      %scan3A_446 = arith.addi %scan3A_444, %scan3A_445 : i32
      %scan3A_447 = arith.constant 1 : i32
      scf.for %scan3A_449 = %scan3A_444 to %scan3A_446 step %scan3A_447  : i32 {
        %mul3A_450 = arith.constant 16 : i32
        %mul3A_451 = arith.muli %scan3A_449, %mul3A_450 : i32
        %swap3A = arith.index_cast %scan3A_443 : i32 to index
        %swap3A_452 = arith.index_cast %mul3A_451 : i32 to index
        %swap3A_453 = tpu.vector_load %arg15[%swap3A, %swap3A_452] {strides = array<i32>} : memref<64x128xf32, #tpu.memory_space<vmem>>, vector<1x16xf32>,
        %swap3A_454 = vector.shape_cast %swap3A_453 : vector<1x16xf32> to vector<16xf32>
        %swap3A_455 = vector.shape_cast %broadcast_in_dim3A_1 : vector<16xf32> to vector<1x16xf32>
        tpu.vector_store %arg15[%swap3A, %swap3A_452], %swap3A_455 {strides = array<i32>} : memref<64x128xf32, #tpu.memory_space<vmem>>, vector<1x16xf32>,
      }
      %scan3A_448 = arith.constant 8 : i32
    }
    %scan3A_8 = arith.constant 64 : i32
    %scan3A_9 = arith.constant 0 : i32
    %scan3A_10 = arith.constant 0 : i32
    %scan3A_11 = arith.constant 64 : i32
    %scan3A_12 = arith.addi %scan3A_10, %scan3A_11 : i32
    %scan3A_13 = arith.constant 1 : i32
    scf.for %scan3A_443 = %scan3A_10 to %scan3A_12 step %scan3A_13  : i32 {
      %scan3A_444 = arith.constant 0 : i32
      %mul3A_445 = arith.constant 16 : i32
      %mul3A_446 = arith.muli %scan3A_444, %mul3A_445 : i32
      %swap3A = arith.index_cast %scan3A_443 : i32 to index
      %swap3A_447 = arith.index_cast %mul3A_446 : i32 to index
      %swap3A_448 = tpu.vector_load %arg16[%swap3A, %swap3A_447] {strides = array<i32>} : memref<64x16xf32, #tpu.memory_space<vmem>>, vector<1x16xf32>,
      %swap3A_449 = vector.shape_cast %swap3A_448 : vector<1x16xf32> to vector<16xf32>
      %swap3A_450 = vector.shape_cast %broadcast_in_dim3A_1 : vector<16xf32> to vector<1x16xf32>
      tpu.vector_store %arg16[%swap3A, %swap3A_447], %swap3A_450 {strides = array<i32>} : memref<64x16xf32, #tpu.memory_space<vmem>>, vector<1x16xf32>,
      %scan3A_451 = arith.constant 1 : i32
    }
    %scan3A_14 = arith.constant 64 : i32
    %scan3A_15 = arith.constant 0 : i32
    %scan3A_16 = arith.constant 0 : i32
    %scan3A_17 = arith.constant 80 : i32
    %scan3A_18 = arith.addi %scan3A_16, %scan3A_17 : i32
    %scan3A_19 = arith.constant 1 : i32
    scf.for %scan3A_443 = %scan3A_16 to %scan3A_18 step %scan3A_19  : i32 {
      %scan3A_444 = arith.constant 0 : i32
      %mul3A_445 = arith.constant 16 : i32
      %mul3A_446 = arith.muli %scan3A_444, %mul3A_445 : i32
      %swap3A = arith.index_cast %scan3A_443 : i32 to index
      %swap3A_447 = arith.index_cast %mul3A_446 : i32 to index
      %swap3A_448 = tpu.vector_load %arg14[%swap3A, %swap3A_447] {strides = array<i32>} : memref<80x16xf32, #tpu.memory_space<vmem>>, vector<1x16xf32>,
      %swap3A_449 = vector.shape_cast %swap3A_448 : vector<1x16xf32> to vector<16xf32>
      %swap3A_450 = vector.shape_cast %broadcast_in_dim3A_3 : vector<16xf32> to vector<1x16xf32>
      tpu.vector_store %arg14[%swap3A, %swap3A_447], %swap3A_450 {strides = array<i32>} : memref<80x16xf32, #tpu.memory_space<vmem>>, vector<1x16xf32>,
      %scan3A_451 = arith.constant 1 : i32
    }
    %scan3A_20 = arith.constant 80 : i32
    %add3A = arith.constant 0 : i32
    %add3A_21 = arith.addi %mul3A_0, %add3A : i32
    %dma_start3A = arith.constant 0 : i32
    %dma_start3A_22 = tpu.memref_slice %arg10[%add3A_21, %dma_start3A] : memref<10240x128xf32, #tpu.memory_space<vmem_shared>> -> memref<64x128xf32, #tpu.memory_space<vmem_shared>>
    %dma_start3A_23 = arith.constant 0 : i32
    %dma_start3A_24 = tpu.memref_slice %arg10[%add3A_21, %dma_start3A_23] : memref<10240x128xf32, #tpu.memory_space<vmem_shared>> -> memref<64x128xf32, #tpu.memory_space<vmem_shared>>
    tpu.enqueue_dma source(%arg15 : memref<64x128xf32, #tpu.memory_space<vmem>>) target(%dma_start3A_24 : memref<64x128xf32, #tpu.memory_space<vmem_shared>>) target_semaphore(%arg17 : memref<!tpu.dma_semaphore, #tpu.memory_space<semaphore_mem>>)
    %add3A_25 = arith.constant 0 : i32
    %add3A_26 = arith.addi %mul3A_0, %add3A_25 : i32
    %dma_start3A_27 = arith.constant 0 : i32
    %dma_start3A_28 = tpu.memref_slice %arg11[%add3A_26, %dma_start3A_27] : memref<10240x16xf32, #tpu.memory_space<vmem_shared>> -> memref<64x16xf32, #tpu.memory_space<vmem_shared>>
    %dma_start3A_29 = arith.constant 0 : i32
    %dma_start3A_30 = tpu.memref_slice %arg11[%add3A_26, %dma_start3A_29] : memref<10240x16xf32, #tpu.memory_space<vmem_shared>> -> memref<64x16xf32, #tpu.memory_space<vmem_shared>>
    tpu.enqueue_dma source(%arg16 : memref<64x16xf32, #tpu.memory_space<vmem>>) target(%dma_start3A_30 : memref<64x16xf32, #tpu.memory_space<vmem_shared>>) target_semaphore(%arg17 : memref<!tpu.dma_semaphore, #tpu.memory_space<semaphore_mem>>)
    %add3A_31 = arith.constant 64 : i32
    %add3A_32 = arith.addi %mul3A_0, %add3A_31 : i32
    %dma_start3A_33 = arith.constant 0 : i32
    %dma_start3A_34 = tpu.memref_slice %arg10[%add3A_32, %dma_start3A_33] : memref<10240x128xf32, #tpu.memory_space<vmem_shared>> -> memref<64x128xf32, #tpu.memory_space<vmem_shared>>
    %dma_start3A_35 = arith.constant 0 : i32
    %dma_start3A_36 = tpu.memref_slice %arg10[%add3A_32, %dma_start3A_35] : memref<10240x128xf32, #tpu.memory_space<vmem_shared>> -> memref<64x128xf32, #tpu.memory_space<vmem_shared>>
    tpu.enqueue_dma source(%arg15 : memref<64x128xf32, #tpu.memory_space<vmem>>) target(%dma_start3A_36 : memref<64x128xf32, #tpu.memory_space<vmem_shared>>) target_semaphore(%arg17 : memref<!tpu.dma_semaphore, #tpu.memory_space<semaphore_mem>>)
    %add3A_37 = arith.constant 64 : i32
    %add3A_38 = arith.addi %mul3A_0, %add3A_37 : i32
    %dma_start3A_39 = arith.constant 0 : i32
    %dma_start3A_40 = tpu.memref_slice %arg11[%add3A_38, %dma_start3A_39] : memref<10240x16xf32, #tpu.memory_space<vmem_shared>> -> memref<64x16xf32, #tpu.memory_space<vmem_shared>>
    %dma_start3A_41 = arith.constant 0 : i32
    %dma_start3A_42 = tpu.memref_slice %arg11[%add3A_38, %dma_start3A_41] : memref<10240x16xf32, #tpu.memory_space<vmem_shared>> -> memref<64x16xf32, #tpu.memory_space<vmem_shared>>
    tpu.enqueue_dma source(%arg16 : memref<64x16xf32, #tpu.memory_space<vmem>>) target(%dma_start3A_42 : memref<64x16xf32, #tpu.memory_space<vmem_shared>>) target_semaphore(%arg17 : memref<!tpu.dma_semaphore, #tpu.memory_space<semaphore_mem>>)
    %add3A_43 = arith.constant 128 : i32
    %add3A_44 = arith.addi %mul3A_0, %add3A_43 : i32
    %dma_start3A_45 = arith.constant 0 : i32
    %dma_start3A_46 = tpu.memref_slice %arg10[%add3A_44, %dma_start3A_45] : memref<10240x128xf32, #tpu.memory_space<vmem_shared>> -> memref<64x128xf32, #tpu.memory_space<vmem_shared>>
    %dma_start3A_47 = arith.constant 0 : i32
    %dma_start3A_48 = tpu.memref_slice %arg10[%add3A_44, %dma_start3A_47] : memref<10240x128xf32, #tpu.memory_space<vmem_shared>> -> memref<64x128xf32, #tpu.memory_space<vmem_shared>>
    tpu.enqueue_dma source(%arg15 : memref<64x128xf32, #tpu.memory_space<vmem>>) target(%dma_start3A_48 : memref<64x128xf32, #tpu.memory_space<vmem_shared>>) target_semaphore(%arg17 : memref<!tpu.dma_semaphore, #tpu.memory_space<semaphore_mem>>)
    %add3A_49 = arith.constant 128 : i32
    %add3A_50 = arith.addi %mul3A_0, %add3A_49 : i32
    %dma_start3A_51 = arith.constant 0 : i32
    %dma_start3A_52 = tpu.memref_slice %arg11[%add3A_50, %dma_start3A_51] : memref<10240x16xf32, #tpu.memory_space<vmem_shared>> -> memref<64x16xf32, #tpu.memory_space<vmem_shared>>
    %dma_start3A_53 = arith.constant 0 : i32
    %dma_start3A_54 = tpu.memref_slice %arg11[%add3A_50, %dma_start3A_53] : memref<10240x16xf32, #tpu.memory_space<vmem_shared>> -> memref<64x16xf32, #tpu.memory_space<vmem_shared>>
    tpu.enqueue_dma source(%arg16 : memref<64x16xf32, #tpu.memory_space<vmem>>) target(%dma_start3A_54 : memref<64x16xf32, #tpu.memory_space<vmem_shared>>) target_semaphore(%arg17 : memref<!tpu.dma_semaphore, #tpu.memory_space<semaphore_mem>>)
    %add3A_55 = arith.constant 192 : i32
    %add3A_56 = arith.addi %mul3A_0, %add3A_55 : i32
    %dma_start3A_57 = arith.constant 0 : i32
    %dma_start3A_58 = tpu.memref_slice %arg10[%add3A_56, %dma_start3A_57] : memref<10240x128xf32, #tpu.memory_space<vmem_shared>> -> memref<64x128xf32, #tpu.memory_space<vmem_shared>>
    %dma_start3A_59 = arith.constant 0 : i32
    %dma_start3A_60 = tpu.memref_slice %arg10[%add3A_56, %dma_start3A_59] : memref<10240x128xf32, #tpu.memory_space<vmem_shared>> -> memref<64x128xf32, #tpu.memory_space<vmem_shared>>
    tpu.enqueue_dma source(%arg15 : memref<64x128xf32, #tpu.memory_space<vmem>>) target(%dma_start3A_60 : memref<64x128xf32, #tpu.memory_space<vmem_shared>>) target_semaphore(%arg17 : memref<!tpu.dma_semaphore, #tpu.memory_space<semaphore_mem>>)
    %add3A_61 = arith.constant 192 : i32
    %add3A_62 = arith.addi %mul3A_0, %add3A_61 : i32
    %dma_start3A_63 = arith.constant 0 : i32
    %dma_start3A_64 = tpu.memref_slice %arg11[%add3A_62, %dma_start3A_63] : memref<10240x16xf32, #tpu.memory_space<vmem_shared>> -> memref<64x16xf32, #tpu.memory_space<vmem_shared>>
    %dma_start3A_65 = arith.constant 0 : i32
    %dma_start3A_66 = tpu.memref_slice %arg11[%add3A_62, %dma_start3A_65] : memref<10240x16xf32, #tpu.memory_space<vmem_shared>> -> memref<64x16xf32, #tpu.memory_space<vmem_shared>>
    tpu.enqueue_dma source(%arg16 : memref<64x16xf32, #tpu.memory_space<vmem>>) target(%dma_start3A_66 : memref<64x16xf32, #tpu.memory_space<vmem_shared>>) target_semaphore(%arg17 : memref<!tpu.dma_semaphore, #tpu.memory_space<semaphore_mem>>)
    %add3A_67 = arith.constant 256 : i32
    %add3A_68 = arith.addi %mul3A_0, %add3A_67 : i32
    %dma_start3A_69 = arith.constant 0 : i32
    %dma_start3A_70 = tpu.memref_slice %arg10[%add3A_68, %dma_start3A_69] : memref<10240x128xf32, #tpu.memory_space<vmem_shared>> -> memref<64x128xf32, #tpu.memory_space<vmem_shared>>
    %dma_start3A_71 = arith.constant 0 : i32
    %dma_start3A_72 = tpu.memref_slice %arg10[%add3A_68, %dma_start3A_71] : memref<10240x128xf32, #tpu.memory_space<vmem_shared>> -> memref<64x128xf32, #tpu.memory_space<vmem_shared>>
    tpu.enqueue_dma source(%arg15 : memref<64x128xf32, #tpu.memory_space<vmem>>) target(%dma_start3A_72 : memref<64x128xf32, #tpu.memory_space<vmem_shared>>) target_semaphore(%arg17 : memref<!tpu.dma_semaphore, #tpu.memory_space<semaphore_mem>>)
    %add3A_73 = arith.constant 256 : i32
    %add3A_74 = arith.addi %mul3A_0, %add3A_73 : i32
    %dma_start3A_75 = arith.constant 0 : i32
    %dma_start3A_76 = tpu.memref_slice %arg11[%add3A_74, %dma_start3A_75] : memref<10240x16xf32, #tpu.memory_space<vmem_shared>> -> memref<64x16xf32, #tpu.memory_space<vmem_shared>>
    %dma_start3A_77 = arith.constant 0 : i32
    %dma_start3A_78 = tpu.memref_slice %arg11[%add3A_74, %dma_start3A_77] : memref<10240x16xf32, #tpu.memory_space<vmem_shared>> -> memref<64x16xf32, #tpu.memory_space<vmem_shared>>
    tpu.enqueue_dma source(%arg16 : memref<64x16xf32, #tpu.memory_space<vmem>>) target(%dma_start3A_78 : memref<64x16xf32, #tpu.memory_space<vmem_shared>>) target_semaphore(%arg17 : memref<!tpu.dma_semaphore, #tpu.memory_space<semaphore_mem>>)
    %add3A_79 = arith.constant 320 : i32
    %add3A_80 = arith.addi %mul3A_0, %add3A_79 : i32
    %dma_start3A_81 = arith.constant 0 : i32
    %dma_start3A_82 = tpu.memref_slice %arg10[%add3A_80, %dma_start3A_81] : memref<10240x128xf32, #tpu.memory_space<vmem_shared>> -> memref<64x128xf32, #tpu.memory_space<vmem_shared>>
    %dma_start3A_83 = arith.constant 0 : i32
    %dma_start3A_84 = tpu.memref_slice %arg10[%add3A_80, %dma_start3A_83] : memref<10240x128xf32, #tpu.memory_space<vmem_shared>> -> memref<64x128xf32, #tpu.memory_space<vmem_shared>>
    tpu.enqueue_dma source(%arg15 : memref<64x128xf32, #tpu.memory_space<vmem>>) target(%dma_start3A_84 : memref<64x128xf32, #tpu.memory_space<vmem_shared>>) target_semaphore(%arg17 : memref<!tpu.dma_semaphore, #tpu.memory_space<semaphore_mem>>)
    %add3A_85 = arith.constant 320 : i32
    %add3A_86 = arith.addi %mul3A_0, %add3A_85 : i32
    %dma_start3A_87 = arith.constant 0 : i32
    %dma_start3A_88 = tpu.memref_slice %arg11[%add3A_86, %dma_start3A_87] : memref<10240x16xf32, #tpu.memory_space<vmem_shared>> -> memref<64x16xf32, #tpu.memory_space<vmem_shared>>
    %dma_start3A_89 = arith.constant 0 : i32
    %dma_start3A_90 = tpu.memref_slice %arg11[%add3A_86, %dma_start3A_89] : memref<10240x16xf32, #tpu.memory_space<vmem_shared>> -> memref<64x16xf32, #tpu.memory_space<vmem_shared>>
    tpu.enqueue_dma source(%arg16 : memref<64x16xf32, #tpu.memory_space<vmem>>) target(%dma_start3A_90 : memref<64x16xf32, #tpu.memory_space<vmem_shared>>) target_semaphore(%arg17 : memref<!tpu.dma_semaphore, #tpu.memory_space<semaphore_mem>>)
    %add3A_91 = arith.constant 384 : i32
    %add3A_92 = arith.addi %mul3A_0, %add3A_91 : i32
    %dma_start3A_93 = arith.constant 0 : i32
    %dma_start3A_94 = tpu.memref_slice %arg10[%add3A_92, %dma_start3A_93] : memref<10240x128xf32, #tpu.memory_space<vmem_shared>> -> memref<64x128xf32, #tpu.memory_space<vmem_shared>>
    %dma_start3A_95 = arith.constant 0 : i32
    %dma_start3A_96 = tpu.memref_slice %arg10[%add3A_92, %dma_start3A_95] : memref<10240x128xf32, #tpu.memory_space<vmem_shared>> -> memref<64x128xf32, #tpu.memory_space<vmem_shared>>
    tpu.enqueue_dma source(%arg15 : memref<64x128xf32, #tpu.memory_space<vmem>>) target(%dma_start3A_96 : memref<64x128xf32, #tpu.memory_space<vmem_shared>>) target_semaphore(%arg17 : memref<!tpu.dma_semaphore, #tpu.memory_space<semaphore_mem>>)
    %add3A_97 = arith.constant 384 : i32
    %add3A_98 = arith.addi %mul3A_0, %add3A_97 : i32
    %dma_start3A_99 = arith.constant 0 : i32
    %dma_start3A_100 = tpu.memref_slice %arg11[%add3A_98, %dma_start3A_99] : memref<10240x16xf32, #tpu.memory_space<vmem_shared>> -> memref<64x16xf32, #tpu.memory_space<vmem_shared>>
    %dma_start3A_101 = arith.constant 0 : i32
    %dma_start3A_102 = tpu.memref_slice %arg11[%add3A_98, %dma_start3A_101] : memref<10240x16xf32, #tpu.memory_space<vmem_shared>> -> memref<64x16xf32, #tpu.memory_space<vmem_shared>>
    tpu.enqueue_dma source(%arg16 : memref<64x16xf32, #tpu.memory_space<vmem>>) target(%dma_start3A_102 : memref<64x16xf32, #tpu.memory_space<vmem_shared>>) target_semaphore(%arg17 : memref<!tpu.dma_semaphore, #tpu.memory_space<semaphore_mem>>)
    %add3A_103 = arith.constant 448 : i32
    %add3A_104 = arith.addi %mul3A_0, %add3A_103 : i32
    %dma_start3A_105 = arith.constant 0 : i32
    %dma_start3A_106 = tpu.memref_slice %arg10[%add3A_104, %dma_start3A_105] : memref<10240x128xf32, #tpu.memory_space<vmem_shared>> -> memref<64x128xf32, #tpu.memory_space<vmem_shared>>
    %dma_start3A_107 = arith.constant 0 : i32
    %dma_start3A_108 = tpu.memref_slice %arg10[%add3A_104, %dma_start3A_107] : memref<10240x128xf32, #tpu.memory_space<vmem_shared>> -> memref<64x128xf32, #tpu.memory_space<vmem_shared>>
    tpu.enqueue_dma source(%arg15 : memref<64x128xf32, #tpu.memory_space<vmem>>) target(%dma_start3A_108 : memref<64x128xf32, #tpu.memory_space<vmem_shared>>) target_semaphore(%arg17 : memref<!tpu.dma_semaphore, #tpu.memory_space<semaphore_mem>>)
    %add3A_109 = arith.constant 448 : i32
    %add3A_110 = arith.addi %mul3A_0, %add3A_109 : i32
    %dma_start3A_111 = arith.constant 0 : i32
    %dma_start3A_112 = tpu.memref_slice %arg11[%add3A_110, %dma_start3A_111] : memref<10240x16xf32, #tpu.memory_space<vmem_shared>> -> memref<64x16xf32, #tpu.memory_space<vmem_shared>>
    %dma_start3A_113 = arith.constant 0 : i32
    %dma_start3A_114 = tpu.memref_slice %arg11[%add3A_110, %dma_start3A_113] : memref<10240x16xf32, #tpu.memory_space<vmem_shared>> -> memref<64x16xf32, #tpu.memory_space<vmem_shared>>
    tpu.enqueue_dma source(%arg16 : memref<64x16xf32, #tpu.memory_space<vmem>>) target(%dma_start3A_114 : memref<64x16xf32, #tpu.memory_space<vmem_shared>>) target_semaphore(%arg17 : memref<!tpu.dma_semaphore, #tpu.memory_space<semaphore_mem>>)
    %add3A_115 = arith.constant 512 : i32
    %add3A_116 = arith.addi %mul3A_0, %add3A_115 : i32
    %dma_start3A_117 = arith.constant 0 : i32
    %dma_start3A_118 = tpu.memref_slice %arg10[%add3A_116, %dma_start3A_117] : memref<10240x128xf32, #tpu.memory_space<vmem_shared>> -> memref<64x128xf32, #tpu.memory_space<vmem_shared>>
    %dma_start3A_119 = arith.constant 0 : i32
    %dma_start3A_120 = tpu.memref_slice %arg10[%add3A_116, %dma_start3A_119] : memref<10240x128xf32, #tpu.memory_space<vmem_shared>> -> memref<64x128xf32, #tpu.memory_space<vmem_shared>>
    tpu.enqueue_dma source(%arg15 : memref<64x128xf32, #tpu.memory_space<vmem>>) target(%dma_start3A_120 : memref<64x128xf32, #tpu.memory_space<vmem_shared>>) target_semaphore(%arg17 : memref<!tpu.dma_semaphore, #tpu.memory_space<semaphore_mem>>)
    %add3A_121 = arith.constant 512 : i32
    %add3A_122 = arith.addi %mul3A_0, %add3A_121 : i32
    %dma_start3A_123 = arith.constant 0 : i32
    %dma_start3A_124 = tpu.memref_slice %arg11[%add3A_122, %dma_start3A_123] : memref<10240x16xf32, #tpu.memory_space<vmem_shared>> -> memref<64x16xf32, #tpu.memory_space<vmem_shared>>
    %dma_start3A_125 = arith.constant 0 : i32
    %dma_start3A_126 = tpu.memref_slice %arg11[%add3A_122, %dma_start3A_125] : memref<10240x16xf32, #tpu.memory_space<vmem_shared>> -> memref<64x16xf32, #tpu.memory_space<vmem_shared>>
    tpu.enqueue_dma source(%arg16 : memref<64x16xf32, #tpu.memory_space<vmem>>) target(%dma_start3A_126 : memref<64x16xf32, #tpu.memory_space<vmem_shared>>) target_semaphore(%arg17 : memref<!tpu.dma_semaphore, #tpu.memory_space<semaphore_mem>>)
    %add3A_127 = arith.constant 576 : i32
    %add3A_128 = arith.addi %mul3A_0, %add3A_127 : i32
    %dma_start3A_129 = arith.constant 0 : i32
    %dma_start3A_130 = tpu.memref_slice %arg10[%add3A_128, %dma_start3A_129] : memref<10240x128xf32, #tpu.memory_space<vmem_shared>> -> memref<64x128xf32, #tpu.memory_space<vmem_shared>>
    %dma_start3A_131 = arith.constant 0 : i32
    %dma_start3A_132 = tpu.memref_slice %arg10[%add3A_128, %dma_start3A_131] : memref<10240x128xf32, #tpu.memory_space<vmem_shared>> -> memref<64x128xf32, #tpu.memory_space<vmem_shared>>
    tpu.enqueue_dma source(%arg15 : memref<64x128xf32, #tpu.memory_space<vmem>>) target(%dma_start3A_132 : memref<64x128xf32, #tpu.memory_space<vmem_shared>>) target_semaphore(%arg17 : memref<!tpu.dma_semaphore, #tpu.memory_space<semaphore_mem>>)
    %add3A_133 = arith.constant 576 : i32
    %add3A_134 = arith.addi %mul3A_0, %add3A_133 : i32
    %dma_start3A_135 = arith.constant 0 : i32
    %dma_start3A_136 = tpu.memref_slice %arg11[%add3A_134, %dma_start3A_135] : memref<10240x16xf32, #tpu.memory_space<vmem_shared>> -> memref<64x16xf32, #tpu.memory_space<vmem_shared>>
    %dma_start3A_137 = arith.constant 0 : i32
    %dma_start3A_138 = tpu.memref_slice %arg11[%add3A_134, %dma_start3A_137] : memref<10240x16xf32, #tpu.memory_space<vmem_shared>> -> memref<64x16xf32, #tpu.memory_space<vmem_shared>>
    tpu.enqueue_dma source(%arg16 : memref<64x16xf32, #tpu.memory_space<vmem>>) target(%dma_start3A_138 : memref<64x16xf32, #tpu.memory_space<vmem_shared>>) target_semaphore(%arg17 : memref<!tpu.dma_semaphore, #tpu.memory_space<semaphore_mem>>)
    %dma_wait3A = arith.constant 0 : i32
    %dma_wait3A_139 = tpu.memref_slice %arg10[%add3A_21, %dma_wait3A] : memref<10240x128xf32, #tpu.memory_space<vmem_shared>> -> memref<64x128xf32, #tpu.memory_space<vmem_shared>>
    %dma_wait3A_140 = arith.constant 0 : i32
    %dma_wait3A_141 = tpu.memref_slice %arg10[%add3A_21, %dma_wait3A_140] : memref<10240x128xf32, #tpu.memory_space<vmem_shared>> -> memref<64x128xf32, #tpu.memory_space<vmem_shared>>
    tpu.wait_dma2 semaphore(%arg17 : memref<!tpu.dma_semaphore, #tpu.memory_space<semaphore_mem>>) src(%arg15 : memref<64x128xf32, #tpu.memory_space<vmem>>) dst(%dma_wait3A_141 : memref<64x128xf32, #tpu.memory_space<vmem_shared>>)
    %dma_wait3A_142 = arith.constant 0 : i32
    %dma_wait3A_143 = tpu.memref_slice %arg11[%add3A_26, %dma_wait3A_142] : memref<10240x16xf32, #tpu.memory_space<vmem_shared>> -> memref<64x16xf32, #tpu.memory_space<vmem_shared>>
    %dma_wait3A_144 = arith.constant 0 : i32
    %dma_wait3A_145 = tpu.memref_slice %arg11[%add3A_26, %dma_wait3A_144] : memref<10240x16xf32, #tpu.memory_space<vmem_shared>> -> memref<64x16xf32, #tpu.memory_space<vmem_shared>>
    tpu.wait_dma2 semaphore(%arg17 : memref<!tpu.dma_semaphore, #tpu.memory_space<semaphore_mem>>) src(%arg16 : memref<64x16xf32, #tpu.memory_space<vmem>>) dst(%dma_wait3A_145 : memref<64x16xf32, #tpu.memory_space<vmem_shared>>)
    %dma_wait3A_146 = arith.constant 0 : i32
    %dma_wait3A_147 = tpu.memref_slice %arg10[%add3A_32, %dma_wait3A_146] : memref<10240x128xf32, #tpu.memory_space<vmem_shared>> -> memref<64x128xf32, #tpu.memory_space<vmem_shared>>
    %dma_wait3A_148 = arith.constant 0 : i32
    %dma_wait3A_149 = tpu.memref_slice %arg10[%add3A_32, %dma_wait3A_148] : memref<10240x128xf32, #tpu.memory_space<vmem_shared>> -> memref<64x128xf32, #tpu.memory_space<vmem_shared>>
    tpu.wait_dma2 semaphore(%arg17 : memref<!tpu.dma_semaphore, #tpu.memory_space<semaphore_mem>>) src(%arg15 : memref<64x128xf32, #tpu.memory_space<vmem>>) dst(%dma_wait3A_149 : memref<64x128xf32, #tpu.memory_space<vmem_shared>>)
    %dma_wait3A_150 = arith.constant 0 : i32
    %dma_wait3A_151 = tpu.memref_slice %arg11[%add3A_38, %dma_wait3A_150] : memref<10240x16xf32, #tpu.memory_space<vmem_shared>> -> memref<64x16xf32, #tpu.memory_space<vmem_shared>>
    %dma_wait3A_152 = arith.constant 0 : i32
    %dma_wait3A_153 = tpu.memref_slice %arg11[%add3A_38, %dma_wait3A_152] : memref<10240x16xf32, #tpu.memory_space<vmem_shared>> -> memref<64x16xf32, #tpu.memory_space<vmem_shared>>
    tpu.wait_dma2 semaphore(%arg17 : memref<!tpu.dma_semaphore, #tpu.memory_space<semaphore_mem>>) src(%arg16 : memref<64x16xf32, #tpu.memory_space<vmem>>) dst(%dma_wait3A_153 : memref<64x16xf32, #tpu.memory_space<vmem_shared>>)
    %dma_wait3A_154 = arith.constant 0 : i32
    %dma_wait3A_155 = tpu.memref_slice %arg10[%add3A_44, %dma_wait3A_154] : memref<10240x128xf32, #tpu.memory_space<vmem_shared>> -> memref<64x128xf32, #tpu.memory_space<vmem_shared>>
    %dma_wait3A_156 = arith.constant 0 : i32
    %dma_wait3A_157 = tpu.memref_slice %arg10[%add3A_44, %dma_wait3A_156] : memref<10240x128xf32, #tpu.memory_space<vmem_shared>> -> memref<64x128xf32, #tpu.memory_space<vmem_shared>>
    tpu.wait_dma2 semaphore(%arg17 : memref<!tpu.dma_semaphore, #tpu.memory_space<semaphore_mem>>) src(%arg15 : memref<64x128xf32, #tpu.memory_space<vmem>>) dst(%dma_wait3A_157 : memref<64x128xf32, #tpu.memory_space<vmem_shared>>)
    %dma_wait3A_158 = arith.constant 0 : i32
    %dma_wait3A_159 = tpu.memref_slice %arg11[%add3A_50, %dma_wait3A_158] : memref<10240x16xf32, #tpu.memory_space<vmem_shared>> -> memref<64x16xf32, #tpu.memory_space<vmem_shared>>
    %dma_wait3A_160 = arith.constant 0 : i32
    %dma_wait3A_161 = tpu.memref_slice %arg11[%add3A_50, %dma_wait3A_160] : memref<10240x16xf32, #tpu.memory_space<vmem_shared>> -> memref<64x16xf32, #tpu.memory_space<vmem_shared>>
    tpu.wait_dma2 semaphore(%arg17 : memref<!tpu.dma_semaphore, #tpu.memory_space<semaphore_mem>>) src(%arg16 : memref<64x16xf32, #tpu.memory_space<vmem>>) dst(%dma_wait3A_161 : memref<64x16xf32, #tpu.memory_space<vmem_shared>>)
    %dma_wait3A_162 = arith.constant 0 : i32
    %dma_wait3A_163 = tpu.memref_slice %arg10[%add3A_56, %dma_wait3A_162] : memref<10240x128xf32, #tpu.memory_space<vmem_shared>> -> memref<64x128xf32, #tpu.memory_space<vmem_shared>>
    %dma_wait3A_164 = arith.constant 0 : i32
    %dma_wait3A_165 = tpu.memref_slice %arg10[%add3A_56, %dma_wait3A_164] : memref<10240x128xf32, #tpu.memory_space<vmem_shared>> -> memref<64x128xf32, #tpu.memory_space<vmem_shared>>
    tpu.wait_dma2 semaphore(%arg17 : memref<!tpu.dma_semaphore, #tpu.memory_space<semaphore_mem>>) src(%arg15 : memref<64x128xf32, #tpu.memory_space<vmem>>) dst(%dma_wait3A_165 : memref<64x128xf32, #tpu.memory_space<vmem_shared>>)
    %dma_wait3A_166 = arith.constant 0 : i32
    %dma_wait3A_167 = tpu.memref_slice %arg11[%add3A_62, %dma_wait3A_166] : memref<10240x16xf32, #tpu.memory_space<vmem_shared>> -> memref<64x16xf32, #tpu.memory_space<vmem_shared>>
    %dma_wait3A_168 = arith.constant 0 : i32
    %dma_wait3A_169 = tpu.memref_slice %arg11[%add3A_62, %dma_wait3A_168] : memref<10240x16xf32, #tpu.memory_space<vmem_shared>> -> memref<64x16xf32, #tpu.memory_space<vmem_shared>>
    tpu.wait_dma2 semaphore(%arg17 : memref<!tpu.dma_semaphore, #tpu.memory_space<semaphore_mem>>) src(%arg16 : memref<64x16xf32, #tpu.memory_space<vmem>>) dst(%dma_wait3A_169 : memref<64x16xf32, #tpu.memory_space<vmem_shared>>)
    %dma_wait3A_170 = arith.constant 0 : i32
    %dma_wait3A_171 = tpu.memref_slice %arg10[%add3A_68, %dma_wait3A_170] : memref<10240x128xf32, #tpu.memory_space<vmem_shared>> -> memref<64x128xf32, #tpu.memory_space<vmem_shared>>
    %dma_wait3A_172 = arith.constant 0 : i32
    %dma_wait3A_173 = tpu.memref_slice %arg10[%add3A_68, %dma_wait3A_172] : memref<10240x128xf32, #tpu.memory_space<vmem_shared>> -> memref<64x128xf32, #tpu.memory_space<vmem_shared>>
    tpu.wait_dma2 semaphore(%arg17 : memref<!tpu.dma_semaphore, #tpu.memory_space<semaphore_mem>>) src(%arg15 : memref<64x128xf32, #tpu.memory_space<vmem>>) dst(%dma_wait3A_173 : memref<64x128xf32, #tpu.memory_space<vmem_shared>>)
    %dma_wait3A_174 = arith.constant 0 : i32
    %dma_wait3A_175 = tpu.memref_slice %arg11[%add3A_74, %dma_wait3A_174] : memref<10240x16xf32, #tpu.memory_space<vmem_shared>> -> memref<64x16xf32, #tpu.memory_space<vmem_shared>>
    %dma_wait3A_176 = arith.constant 0 : i32
    %dma_wait3A_177 = tpu.memref_slice %arg11[%add3A_74, %dma_wait3A_176] : memref<10240x16xf32, #tpu.memory_space<vmem_shared>> -> memref<64x16xf32, #tpu.memory_space<vmem_shared>>
    tpu.wait_dma2 semaphore(%arg17 : memref<!tpu.dma_semaphore, #tpu.memory_space<semaphore_mem>>) src(%arg16 : memref<64x16xf32, #tpu.memory_space<vmem>>) dst(%dma_wait3A_177 : memref<64x16xf32, #tpu.memory_space<vmem_shared>>)
    %dma_wait3A_178 = arith.constant 0 : i32
    %dma_wait3A_179 = tpu.memref_slice %arg10[%add3A_80, %dma_wait3A_178] : memref<10240x128xf32, #tpu.memory_space<vmem_shared>> -> memref<64x128xf32, #tpu.memory_space<vmem_shared>>
    %dma_wait3A_180 = arith.constant 0 : i32
    %dma_wait3A_181 = tpu.memref_slice %arg10[%add3A_80, %dma_wait3A_180] : memref<10240x128xf32, #tpu.memory_space<vmem_shared>> -> memref<64x128xf32, #tpu.memory_space<vmem_shared>>
    tpu.wait_dma2 semaphore(%arg17 : memref<!tpu.dma_semaphore, #tpu.memory_space<semaphore_mem>>) src(%arg15 : memref<64x128xf32, #tpu.memory_space<vmem>>) dst(%dma_wait3A_181 : memref<64x128xf32, #tpu.memory_space<vmem_shared>>)
    %dma_wait3A_182 = arith.constant 0 : i32
    %dma_wait3A_183 = tpu.memref_slice %arg11[%add3A_86, %dma_wait3A_182] : memref<10240x16xf32, #tpu.memory_space<vmem_shared>> -> memref<64x16xf32, #tpu.memory_space<vmem_shared>>
    %dma_wait3A_184 = arith.constant 0 : i32
    %dma_wait3A_185 = tpu.memref_slice %arg11[%add3A_86, %dma_wait3A_184] : memref<10240x16xf32, #tpu.memory_space<vmem_shared>> -> memref<64x16xf32, #tpu.memory_space<vmem_shared>>
    tpu.wait_dma2 semaphore(%arg17 : memref<!tpu.dma_semaphore, #tpu.memory_space<semaphore_mem>>) src(%arg16 : memref<64x16xf32, #tpu.memory_space<vmem>>) dst(%dma_wait3A_185 : memref<64x16xf32, #tpu.memory_space<vmem_shared>>)
    %dma_wait3A_186 = arith.constant 0 : i32
    %dma_wait3A_187 = tpu.memref_slice %arg10[%add3A_92, %dma_wait3A_186] : memref<10240x128xf32, #tpu.memory_space<vmem_shared>> -> memref<64x128xf32, #tpu.memory_space<vmem_shared>>
    %dma_wait3A_188 = arith.constant 0 : i32
    %dma_wait3A_189 = tpu.memref_slice %arg10[%add3A_92, %dma_wait3A_188] : memref<10240x128xf32, #tpu.memory_space<vmem_shared>> -> memref<64x128xf32, #tpu.memory_space<vmem_shared>>
    tpu.wait_dma2 semaphore(%arg17 : memref<!tpu.dma_semaphore, #tpu.memory_space<semaphore_mem>>) src(%arg15 : memref<64x128xf32, #tpu.memory_space<vmem>>) dst(%dma_wait3A_189 : memref<64x128xf32, #tpu.memory_space<vmem_shared>>)
    %dma_wait3A_190 = arith.constant 0 : i32
    %dma_wait3A_191 = tpu.memref_slice %arg11[%add3A_98, %dma_wait3A_190] : memref<10240x16xf32, #tpu.memory_space<vmem_shared>> -> memref<64x16xf32, #tpu.memory_space<vmem_shared>>
    %dma_wait3A_192 = arith.constant 0 : i32
    %dma_wait3A_193 = tpu.memref_slice %arg11[%add3A_98, %dma_wait3A_192] : memref<10240x16xf32, #tpu.memory_space<vmem_shared>> -> memref<64x16xf32, #tpu.memory_space<vmem_shared>>
    tpu.wait_dma2 semaphore(%arg17 : memref<!tpu.dma_semaphore, #tpu.memory_space<semaphore_mem>>) src(%arg16 : memref<64x16xf32, #tpu.memory_space<vmem>>) dst(%dma_wait3A_193 : memref<64x16xf32, #tpu.memory_space<vmem_shared>>)
    %dma_wait3A_194 = arith.constant 0 : i32
    %dma_wait3A_195 = tpu.memref_slice %arg10[%add3A_104, %dma_wait3A_194] : memref<10240x128xf32, #tpu.memory_space<vmem_shared>> -> memref<64x128xf32, #tpu.memory_space<vmem_shared>>
    %dma_wait3A_196 = arith.constant 0 : i32
    %dma_wait3A_197 = tpu.memref_slice %arg10[%add3A_104, %dma_wait3A_196] : memref<10240x128xf32, #tpu.memory_space<vmem_shared>> -> memref<64x128xf32, #tpu.memory_space<vmem_shared>>
    tpu.wait_dma2 semaphore(%arg17 : memref<!tpu.dma_semaphore, #tpu.memory_space<semaphore_mem>>) src(%arg15 : memref<64x128xf32, #tpu.memory_space<vmem>>) dst(%dma_wait3A_197 : memref<64x128xf32, #tpu.memory_space<vmem_shared>>)
    %dma_wait3A_198 = arith.constant 0 : i32
    %dma_wait3A_199 = tpu.memref_slice %arg11[%add3A_110, %dma_wait3A_198] : memref<10240x16xf32, #tpu.memory_space<vmem_shared>> -> memref<64x16xf32, #tpu.memory_space<vmem_shared>>
    %dma_wait3A_200 = arith.constant 0 : i32
    %dma_wait3A_201 = tpu.memref_slice %arg11[%add3A_110, %dma_wait3A_200] : memref<10240x16xf32, #tpu.memory_space<vmem_shared>> -> memref<64x16xf32, #tpu.memory_space<vmem_shared>>
    tpu.wait_dma2 semaphore(%arg17 : memref<!tpu.dma_semaphore, #tpu.memory_space<semaphore_mem>>) src(%arg16 : memref<64x16xf32, #tpu.memory_space<vmem>>) dst(%dma_wait3A_201 : memref<64x16xf32, #tpu.memory_space<vmem_shared>>)
    %dma_wait3A_202 = arith.constant 0 : i32
    %dma_wait3A_203 = tpu.memref_slice %arg10[%add3A_116, %dma_wait3A_202] : memref<10240x128xf32, #tpu.memory_space<vmem_shared>> -> memref<64x128xf32, #tpu.memory_space<vmem_shared>>
    %dma_wait3A_204 = arith.constant 0 : i32
    %dma_wait3A_205 = tpu.memref_slice %arg10[%add3A_116, %dma_wait3A_204] : memref<10240x128xf32, #tpu.memory_space<vmem_shared>> -> memref<64x128xf32, #tpu.memory_space<vmem_shared>>
    tpu.wait_dma2 semaphore(%arg17 : memref<!tpu.dma_semaphore, #tpu.memory_space<semaphore_mem>>) src(%arg15 : memref<64x128xf32, #tpu.memory_space<vmem>>) dst(%dma_wait3A_205 : memref<64x128xf32, #tpu.memory_space<vmem_shared>>)
    %dma_wait3A_206 = arith.constant 0 : i32
    %dma_wait3A_207 = tpu.memref_slice %arg11[%add3A_122, %dma_wait3A_206] : memref<10240x16xf32, #tpu.memory_space<vmem_shared>> -> memref<64x16xf32, #tpu.memory_space<vmem_shared>>
    %dma_wait3A_208 = arith.constant 0 : i32
    %dma_wait3A_209 = tpu.memref_slice %arg11[%add3A_122, %dma_wait3A_208] : memref<10240x16xf32, #tpu.memory_space<vmem_shared>> -> memref<64x16xf32, #tpu.memory_space<vmem_shared>>
    tpu.wait_dma2 semaphore(%arg17 : memref<!tpu.dma_semaphore, #tpu.memory_space<semaphore_mem>>) src(%arg16 : memref<64x16xf32, #tpu.memory_space<vmem>>) dst(%dma_wait3A_209 : memref<64x16xf32, #tpu.memory_space<vmem_shared>>)
    %dma_wait3A_210 = arith.constant 0 : i32
    %dma_wait3A_211 = tpu.memref_slice %arg10[%add3A_128, %dma_wait3A_210] : memref<10240x128xf32, #tpu.memory_space<vmem_shared>> -> memref<64x128xf32, #tpu.memory_space<vmem_shared>>
    %dma_wait3A_212 = arith.constant 0 : i32
    %dma_wait3A_213 = tpu.memref_slice %arg10[%add3A_128, %dma_wait3A_212] : memref<10240x128xf32, #tpu.memory_space<vmem_shared>> -> memref<64x128xf32, #tpu.memory_space<vmem_shared>>
    tpu.wait_dma2 semaphore(%arg17 : memref<!tpu.dma_semaphore, #tpu.memory_space<semaphore_mem>>) src(%arg15 : memref<64x128xf32, #tpu.memory_space<vmem>>) dst(%dma_wait3A_213 : memref<64x128xf32, #tpu.memory_space<vmem_shared>>)
    %dma_wait3A_214 = arith.constant 0 : i32
    %dma_wait3A_215 = tpu.memref_slice %arg11[%add3A_134, %dma_wait3A_214] : memref<10240x16xf32, #tpu.memory_space<vmem_shared>> -> memref<64x16xf32, #tpu.memory_space<vmem_shared>>
    %dma_wait3A_216 = arith.constant 0 : i32
    %dma_wait3A_217 = tpu.memref_slice %arg11[%add3A_134, %dma_wait3A_216] : memref<10240x16xf32, #tpu.memory_space<vmem_shared>> -> memref<64x16xf32, #tpu.memory_space<vmem_shared>>
    tpu.wait_dma2 semaphore(%arg17 : memref<!tpu.dma_semaphore, #tpu.memory_space<semaphore_mem>>) src(%arg16 : memref<64x16xf32, #tpu.memory_space<vmem>>) dst(%dma_wait3A_217 : memref<64x16xf32, #tpu.memory_space<vmem_shared>>)
    %barrier3A = arith.constant 0 : index
    tpu.barrier barrier_id(%barrier3A)
    %mul3A_218 = arith.constant 2000 : i32
    %mul3A_219 = arith.muli %arg0, %mul3A_218 : i32
    %mul3A_220 = arith.constant 125 : i32
    %mul3A_221 = arith.muli %arg1, %mul3A_220 : i32
    %add3A_222 = arith.addi %mul3A_219, %mul3A_221 : i32
    %scan3A_223 = arith.constant 0 : i32
    %scan3A_224 = arith.constant 0 : i32
    %scan3A_225 = arith.constant 5 : i32
    %scan3A_226 = arith.addi %scan3A_224, %scan3A_225 : i32
    %scan3A_227 = arith.constant 1 : i32
    scf.for %scan3A_443 = %scan3A_224 to %scan3A_226 step %scan3A_227  : i32 {
      %mul3A_444 = arith.constant 25 : i32
      %mul3A_445 = arith.muli %scan3A_443, %mul3A_444 : i32
      %add3A_446 = arith.addi %add3A_222, %mul3A_445 : i32
      "tpu.region"() ({
        %run_scoped3A = tpu.sem_alloc : memref<!tpu.dma_semaphore, #tpu.memory_space<semaphore_mem>>
        %dma_start3A_542 = arith.constant 0 : i32
        %dma_start3A_543 = arith.constant 0 : i32
        %dma_start3A_544 = tpu.memref_slice %arg4[%dma_start3A_542, %add3A_446, %dma_start3A_543] : memref<2x4000x80xi32, #tpu.memory_space<hbm>> -> memref<2x25x80xi32, #tpu.memory_space<hbm>>
        %dma_start3A_545 = arith.constant 0 : i32
        %dma_start3A_546 = arith.constant 0 : i32
        %dma_start3A_547 = tpu.memref_slice %arg4[%dma_start3A_545, %add3A_446, %dma_start3A_546] : memref<2x4000x80xi32, #tpu.memory_space<hbm>> -> memref<2x25x80xi32, #tpu.memory_space<hbm>>
        tpu.enqueue_dma source(%dma_start3A_547 : memref<2x25x80xi32, #tpu.memory_space<hbm>>) target(%arg12 : memref<2x25x80xi32, #tpu.memory_space<vmem>>) target_semaphore(%run_scoped3A : memref<!tpu.dma_semaphore, #tpu.memory_space<semaphore_mem>>)
        %dma_wait3A_548 = arith.constant 0 : i32
        %dma_wait3A_549 = arith.constant 0 : i32
        %dma_wait3A_550 = tpu.memref_slice %arg4[%dma_wait3A_548, %add3A_446, %dma_wait3A_549] : memref<2x4000x80xi32, #tpu.memory_space<hbm>> -> memref<2x25x80xi32, #tpu.memory_space<hbm>>
        %dma_wait3A_551 = arith.constant 0 : i32
        %dma_wait3A_552 = arith.constant 0 : i32
        %dma_wait3A_553 = tpu.memref_slice %arg4[%dma_wait3A_551, %add3A_446, %dma_wait3A_552] : memref<2x4000x80xi32, #tpu.memory_space<hbm>> -> memref<2x25x80xi32, #tpu.memory_space<hbm>>
        tpu.wait_dma2 semaphore(%run_scoped3A : memref<!tpu.dma_semaphore, #tpu.memory_space<semaphore_mem>>) src(%dma_wait3A_553 : memref<2x25x80xi32, #tpu.memory_space<hbm>>) dst(%arg12 : memref<2x25x80xi32, #tpu.memory_space<vmem>>)
        tpu.yield
      }) : () -> ()
      %dma_start3A_447 = arith.constant 0 : i32
      %dma_start3A_448 = arith.constant 0 : i32
      %dma_start3A_449 = arith.constant 0 : i32
      %dma_start3A_450 = arith.constant 0 : i32
      %dma_start3A_451 = arith.constant 0 : i32
      %dma_start3A_452 = tpu.memref_slice %arg13[%dma_start3A_449, %dma_start3A_450, %dma_start3A_451] : memref<2x80x128xf32, #tpu.memory_space<vmem>> -> memref<1x80x128xf32, #tpu.memory_space<vmem>>
      %dma_start3A_453 = tpu.memref_squeeze %dma_start3A_452 : memref<1x80x128xf32, #tpu.memory_space<vmem>> -> memref<80x128xf32, #tpu.memory_space<vmem>>
      %dma_start3A_454 = arith.constant 0 : i32
      %dma_start3A_455 = tpu.memref_slice %arg12[%dma_start3A_447, %dma_start3A_448, %dma_start3A_454] : memref<2x25x80xi32, #tpu.memory_space<vmem>> -> memref<1x1x80xi32, #tpu.memory_space<vmem>>
      %dma_start3A_456 = tpu.memref_squeeze %dma_start3A_455 : memref<1x1x80xi32, #tpu.memory_space<vmem>> -> memref<80xi32, #tpu.memory_space<vmem>>
      %dma_start3A_457 = arith.constant 0 : i32
      %dma_start3A_458 = arith.constant 0 : i32
      %dma_start3A_459 = tpu.memref_slice %arg2[%dma_start3A_457, %dma_start3A_458] : memref<10000x128xf32, #tpu.memory_space<hbm>> -> memref<10000x128xf32, #tpu.memory_space<hbm>>
      tpu.enqueue_indirect_dma source(%dma_start3A_459 : memref<10000x128xf32, #tpu.memory_space<hbm>>) target(%dma_start3A_453 : memref<80x128xf32, #tpu.memory_space<vmem>>) offsets(%dma_start3A_456 : memref<80xi32, #tpu.memory_space<vmem>>) semaphore(%arg17 : memref<!tpu.dma_semaphore, #tpu.memory_space<semaphore_mem>>)
      %scan3A_460 = arith.constant 0 : i32
      %scan3A_461 = arith.constant 0 : i32
      %scan3A_462 = arith.constant 12 : i32
      %scan3A_463 = arith.addi %scan3A_461, %scan3A_462 : i32
      %scan3A_464 = arith.constant 1 : i32
      scf.for %scan3A_542 = %scan3A_461 to %scan3A_463 step %scan3A_464  : i32 {
        %mul3A_543 = arith.constant 2 : i32
        %mul3A_544 = arith.muli %mul3A_543, %scan3A_542 : i32
        %mul3A_545 = arith.constant 2 : i32
        %mul3A_546 = arith.muli %mul3A_545, %scan3A_542 : i32
        %add3A_547 = arith.constant 1 : i32
        %add3A_548 = arith.addi %mul3A_546, %add3A_547 : i32
        %ge3A = arith.constant 1 : i32
        %ge3A_549 = arith.cmpi sge, %scan3A_542, %ge3A : i32
        %convert_element_type3A = arith.extui %ge3A_549 : i1 to i32
        %cond3A = arith.constant 0 : i32
        %cond3A_550 = arith.cmpi ne, %convert_element_type3A, %cond3A : i32
        scf.if %cond3A_550 {
          %sub3A = arith.constant 1 : i32
          %sub3A_658 = arith.subi %mul3A_544, %sub3A : i32
          %dma_wait3A_659 = arith.constant 1 : i32
          %dma_wait3A_660 = arith.constant 1 : i32
          %dma_wait3A_661 = arith.constant 0 : i32
          %dma_wait3A_662 = arith.constant 0 : i32
          %dma_wait3A_663 = tpu.memref_slice %arg13[%dma_wait3A_659, %dma_wait3A_661, %dma_wait3A_662] : memref<2x80x128xf32, #tpu.memory_space<vmem>> -> memref<1x80x128xf32, #tpu.memory_space<vmem>>
          %dma_wait3A_664 = tpu.memref_squeeze %dma_wait3A_663 : memref<1x80x128xf32, #tpu.memory_space<vmem>> -> memref<80x128xf32, #tpu.memory_space<vmem>>
          %dma_wait3A_665 = arith.constant 0 : i32
          %dma_wait3A_666 = tpu.memref_slice %arg12[%dma_wait3A_660, %sub3A_658, %dma_wait3A_665] : memref<2x25x80xi32, #tpu.memory_space<vmem>> -> memref<1x1x80xi32, #tpu.memory_space<vmem>>
          %dma_wait3A_667 = tpu.memref_squeeze %dma_wait3A_666 : memref<1x1x80xi32, #tpu.memory_space<vmem>> -> memref<80xi32, #tpu.memory_space<vmem>>
          %dma_wait3A_668 = arith.constant 0 : i32
          %dma_wait3A_669 = arith.constant 0 : i32
          %dma_wait3A_670 = tpu.memref_slice %arg10[%dma_wait3A_668, %dma_wait3A_669] : memref<10240x128xf32, #tpu.memory_space<vmem_shared>> -> memref<10240x128xf32, #tpu.memory_space<vmem_shared>>
          tpu.wait_indirect_dma semaphore(%arg19 : memref<!tpu.dma_semaphore, #tpu.memory_space<semaphore_mem>>) src(%dma_wait3A_664 : memref<80x128xf32, #tpu.memory_space<vmem>>) dst(%dma_wait3A_670 : memref<10240x128xf32, #tpu.memory_space<vmem_shared>>)
          %dma_wait3A_671 = arith.constant 1 : i32
          %dma_wait3A_672 = arith.constant 0 : i32
          %dma_wait3A_673 = tpu.memref_slice %arg12[%dma_wait3A_671, %sub3A_658, %dma_wait3A_672] : memref<2x25x80xi32, #tpu.memory_space<vmem>> -> memref<1x1x80xi32, #tpu.memory_space<vmem>>
          %dma_wait3A_674 = tpu.memref_squeeze %dma_wait3A_673 : memref<1x1x80xi32, #tpu.memory_space<vmem>> -> memref<80xi32, #tpu.memory_space<vmem>>
          %dma_wait3A_675 = arith.constant 0 : i32
          %dma_wait3A_676 = arith.constant 0 : i32
          %dma_wait3A_677 = tpu.memref_slice %arg11[%dma_wait3A_675, %dma_wait3A_676] : memref<10240x16xf32, #tpu.memory_space<vmem_shared>> -> memref<10240x16xf32, #tpu.memory_space<vmem_shared>>
          tpu.wait_indirect_dma semaphore(%arg19 : memref<!tpu.dma_semaphore, #tpu.memory_space<semaphore_mem>>) src(%arg14 : memref<80x16xf32, #tpu.memory_space<vmem>>) dst(%dma_wait3A_677 : memref<10240x16xf32, #tpu.memory_space<vmem_shared>>)
        } else {
        }
        %dma_start3A_551 = arith.constant 0 : i32
        %dma_start3A_552 = arith.constant 1 : i32
        %dma_start3A_553 = arith.constant 0 : i32
        %dma_start3A_554 = arith.constant 0 : i32
        %dma_start3A_555 = tpu.memref_slice %arg13[%dma_start3A_552, %dma_start3A_553, %dma_start3A_554] : memref<2x80x128xf32, #tpu.memory_space<vmem>> -> memref<1x80x128xf32, #tpu.memory_space<vmem>>
        %dma_start3A_556 = tpu.memref_squeeze %dma_start3A_555 : memref<1x80x128xf32, #tpu.memory_space<vmem>> -> memref<80x128xf32, #tpu.memory_space<vmem>>
        %dma_start3A_557 = arith.constant 0 : i32
        %dma_start3A_558 = tpu.memref_slice %arg12[%dma_start3A_551, %add3A_548, %dma_start3A_557] : memref<2x25x80xi32, #tpu.memory_space<vmem>> -> memref<1x1x80xi32, #tpu.memory_space<vmem>>
        %dma_start3A_559 = tpu.memref_squeeze %dma_start3A_558 : memref<1x1x80xi32, #tpu.memory_space<vmem>> -> memref<80xi32, #tpu.memory_space<vmem>>
        %dma_start3A_560 = arith.constant 0 : i32
        %dma_start3A_561 = arith.constant 0 : i32
        %dma_start3A_562 = tpu.memref_slice %arg2[%dma_start3A_560, %dma_start3A_561] : memref<10000x128xf32, #tpu.memory_space<hbm>> -> memref<10000x128xf32, #tpu.memory_space<hbm>>
        tpu.enqueue_indirect_dma source(%dma_start3A_562 : memref<10000x128xf32, #tpu.memory_space<hbm>>) target(%dma_start3A_556 : memref<80x128xf32, #tpu.memory_space<vmem>>) offsets(%dma_start3A_559 : memref<80xi32, #tpu.memory_space<vmem>>) semaphore(%arg18 : memref<!tpu.dma_semaphore, #tpu.memory_space<semaphore_mem>>)
        %dma_wait3A_563 = arith.constant 0 : i32
        %dma_wait3A_564 = arith.constant 0 : i32
        %dma_wait3A_565 = arith.constant 0 : i32
        %dma_wait3A_566 = arith.constant 0 : i32
        %dma_wait3A_567 = tpu.memref_slice %arg13[%dma_wait3A_564, %dma_wait3A_565, %dma_wait3A_566] : memref<2x80x128xf32, #tpu.memory_space<vmem>> -> memref<1x80x128xf32, #tpu.memory_space<vmem>>
        %dma_wait3A_568 = tpu.memref_squeeze %dma_wait3A_567 : memref<1x80x128xf32, #tpu.memory_space<vmem>> -> memref<80x128xf32, #tpu.memory_space<vmem>>
        %dma_wait3A_569 = arith.constant 0 : i32
        %dma_wait3A_570 = tpu.memref_slice %arg12[%dma_wait3A_563, %mul3A_544, %dma_wait3A_569] : memref<2x25x80xi32, #tpu.memory_space<vmem>> -> memref<1x1x80xi32, #tpu.memory_space<vmem>>
        %dma_wait3A_571 = tpu.memref_squeeze %dma_wait3A_570 : memref<1x1x80xi32, #tpu.memory_space<vmem>> -> memref<80xi32, #tpu.memory_space<vmem>>
        %dma_wait3A_572 = arith.constant 0 : i32
        %dma_wait3A_573 = arith.constant 0 : i32
        %dma_wait3A_574 = tpu.memref_slice %arg2[%dma_wait3A_572, %dma_wait3A_573] : memref<10000x128xf32, #tpu.memory_space<hbm>> -> memref<10000x128xf32, #tpu.memory_space<hbm>>
        tpu.wait_indirect_dma semaphore(%arg17 : memref<!tpu.dma_semaphore, #tpu.memory_space<semaphore_mem>>) src(%dma_wait3A_574 : memref<10000x128xf32, #tpu.memory_space<hbm>>) dst(%dma_wait3A_568 : memref<80x128xf32, #tpu.memory_space<vmem>>)
        %dma_start3A_575 = arith.constant 0 : i32
        %dma_start3A_576 = arith.constant 1 : i32
        %dma_start3A_577 = arith.constant 0 : i32
        %dma_start3A_578 = arith.constant 0 : i32
        %dma_start3A_579 = tpu.memref_slice %arg13[%dma_start3A_575, %dma_start3A_577, %dma_start3A_578] : memref<2x80x128xf32, #tpu.memory_space<vmem>> -> memref<1x80x128xf32, #tpu.memory_space<vmem>>
        %dma_start3A_580 = tpu.memref_squeeze %dma_start3A_579 : memref<1x80x128xf32, #tpu.memory_space<vmem>> -> memref<80x128xf32, #tpu.memory_space<vmem>>
        %dma_start3A_581 = arith.constant 0 : i32
        %dma_start3A_582 = tpu.memref_slice %arg12[%dma_start3A_576, %mul3A_544, %dma_start3A_581] : memref<2x25x80xi32, #tpu.memory_space<vmem>> -> memref<1x1x80xi32, #tpu.memory_space<vmem>>
        %dma_start3A_583 = tpu.memref_squeeze %dma_start3A_582 : memref<1x1x80xi32, #tpu.memory_space<vmem>> -> memref<80xi32, #tpu.memory_space<vmem>>
        %dma_start3A_584 = arith.constant 0 : i32
        %dma_start3A_585 = arith.constant 0 : i32
        %dma_start3A_586 = tpu.memref_slice %arg10[%dma_start3A_584, %dma_start3A_585] : memref<10240x128xf32, #tpu.memory_space<vmem_shared>> -> memref<10240x128xf32, #tpu.memory_space<vmem_shared>>
        tpu.enqueue_indirect_dma source(%dma_start3A_580 : memref<80x128xf32, #tpu.memory_space<vmem>>) target(%dma_start3A_586 : memref<10240x128xf32, #tpu.memory_space<vmem_shared>>) offsets(%dma_start3A_583 : memref<80xi32, #tpu.memory_space<vmem>>) semaphore(%arg19 : memref<!tpu.dma_semaphore, #tpu.memory_space<semaphore_mem>>) {add = true}
        %dma_start3A_587 = arith.constant 1 : i32
        %dma_start3A_588 = arith.constant 0 : i32
        %dma_start3A_589 = tpu.memref_slice %arg12[%dma_start3A_587, %mul3A_544, %dma_start3A_588] : memref<2x25x80xi32, #tpu.memory_space<vmem>> -> memref<1x1x80xi32, #tpu.memory_space<vmem>>
        %dma_start3A_590 = tpu.memref_squeeze %dma_start3A_589 : memref<1x1x80xi32, #tpu.memory_space<vmem>> -> memref<80xi32, #tpu.memory_space<vmem>>
        %dma_start3A_591 = arith.constant 0 : i32
        %dma_start3A_592 = arith.constant 0 : i32
        %dma_start3A_593 = tpu.memref_slice %arg11[%dma_start3A_591, %dma_start3A_592] : memref<10240x16xf32, #tpu.memory_space<vmem_shared>> -> memref<10240x16xf32, #tpu.memory_space<vmem_shared>>
        tpu.enqueue_indirect_dma source(%arg14 : memref<80x16xf32, #tpu.memory_space<vmem>>) target(%dma_start3A_593 : memref<10240x16xf32, #tpu.memory_space<vmem_shared>>) offsets(%dma_start3A_590 : memref<80xi32, #tpu.memory_space<vmem>>) semaphore(%arg19 : memref<!tpu.dma_semaphore, #tpu.memory_space<semaphore_mem>>) {add = true}
        %dma_wait3A_594 = arith.constant 0 : i32
        %dma_wait3A_595 = arith.constant 1 : i32
        %dma_wait3A_596 = arith.constant 0 : i32
        %dma_wait3A_597 = arith.constant 0 : i32
        %dma_wait3A_598 = tpu.memref_slice %arg13[%dma_wait3A_595, %dma_wait3A_596, %dma_wait3A_597] : memref<2x80x128xf32, #tpu.memory_space<vmem>> -> memref<1x80x128xf32, #tpu.memory_space<vmem>>
        %dma_wait3A_599 = tpu.memref_squeeze %dma_wait3A_598 : memref<1x80x128xf32, #tpu.memory_space<vmem>> -> memref<80x128xf32, #tpu.memory_space<vmem>>
        %dma_wait3A_600 = arith.constant 0 : i32
        %dma_wait3A_601 = tpu.memref_slice %arg12[%dma_wait3A_594, %add3A_548, %dma_wait3A_600] : memref<2x25x80xi32, #tpu.memory_space<vmem>> -> memref<1x1x80xi32, #tpu.memory_space<vmem>>
        %dma_wait3A_602 = tpu.memref_squeeze %dma_wait3A_601 : memref<1x1x80xi32, #tpu.memory_space<vmem>> -> memref<80xi32, #tpu.memory_space<vmem>>
        %dma_wait3A_603 = arith.constant 0 : i32
        %dma_wait3A_604 = arith.constant 0 : i32
        %dma_wait3A_605 = tpu.memref_slice %arg2[%dma_wait3A_603, %dma_wait3A_604] : memref<10000x128xf32, #tpu.memory_space<hbm>> -> memref<10000x128xf32, #tpu.memory_space<hbm>>
        tpu.wait_indirect_dma semaphore(%arg18 : memref<!tpu.dma_semaphore, #tpu.memory_space<semaphore_mem>>) src(%dma_wait3A_605 : memref<10000x128xf32, #tpu.memory_space<hbm>>) dst(%dma_wait3A_599 : memref<80x128xf32, #tpu.memory_space<vmem>>)
        %dma_wait3A_606 = arith.constant 0 : i32
        %dma_wait3A_607 = arith.constant 1 : i32
        %dma_wait3A_608 = arith.constant 0 : i32
        %dma_wait3A_609 = arith.constant 0 : i32
        %dma_wait3A_610 = tpu.memref_slice %arg13[%dma_wait3A_606, %dma_wait3A_608, %dma_wait3A_609] : memref<2x80x128xf32, #tpu.memory_space<vmem>> -> memref<1x80x128xf32, #tpu.memory_space<vmem>>
        %dma_wait3A_611 = tpu.memref_squeeze %dma_wait3A_610 : memref<1x80x128xf32, #tpu.memory_space<vmem>> -> memref<80x128xf32, #tpu.memory_space<vmem>>
        %dma_wait3A_612 = arith.constant 0 : i32
        %dma_wait3A_613 = tpu.memref_slice %arg12[%dma_wait3A_607, %mul3A_544, %dma_wait3A_612] : memref<2x25x80xi32, #tpu.memory_space<vmem>> -> memref<1x1x80xi32, #tpu.memory_space<vmem>>
        %dma_wait3A_614 = tpu.memref_squeeze %dma_wait3A_613 : memref<1x1x80xi32, #tpu.memory_space<vmem>> -> memref<80xi32, #tpu.memory_space<vmem>>
        %dma_wait3A_615 = arith.constant 0 : i32
        %dma_wait3A_616 = arith.constant 0 : i32
        %dma_wait3A_617 = tpu.memref_slice %arg10[%dma_wait3A_615, %dma_wait3A_616] : memref<10240x128xf32, #tpu.memory_space<vmem_shared>> -> memref<10240x128xf32, #tpu.memory_space<vmem_shared>>
        tpu.wait_indirect_dma semaphore(%arg19 : memref<!tpu.dma_semaphore, #tpu.memory_space<semaphore_mem>>) src(%dma_wait3A_611 : memref<80x128xf32, #tpu.memory_space<vmem>>) dst(%dma_wait3A_617 : memref<10240x128xf32, #tpu.memory_space<vmem_shared>>)
        %dma_wait3A_618 = arith.constant 1 : i32
        %dma_wait3A_619 = arith.constant 0 : i32
        %dma_wait3A_620 = tpu.memref_slice %arg12[%dma_wait3A_618, %mul3A_544, %dma_wait3A_619] : memref<2x25x80xi32, #tpu.memory_space<vmem>> -> memref<1x1x80xi32, #tpu.memory_space<vmem>>
        %dma_wait3A_621 = tpu.memref_squeeze %dma_wait3A_620 : memref<1x1x80xi32, #tpu.memory_space<vmem>> -> memref<80xi32, #tpu.memory_space<vmem>>
        %dma_wait3A_622 = arith.constant 0 : i32
        %dma_wait3A_623 = arith.constant 0 : i32
        %dma_wait3A_624 = tpu.memref_slice %arg11[%dma_wait3A_622, %dma_wait3A_623] : memref<10240x16xf32, #tpu.memory_space<vmem_shared>> -> memref<10240x16xf32, #tpu.memory_space<vmem_shared>>
        tpu.wait_indirect_dma semaphore(%arg19 : memref<!tpu.dma_semaphore, #tpu.memory_space<semaphore_mem>>) src(%arg14 : memref<80x16xf32, #tpu.memory_space<vmem>>) dst(%dma_wait3A_624 : memref<10240x16xf32, #tpu.memory_space<vmem_shared>>)
        %add3A_625 = arith.constant 2 : i32
        %add3A_626 = arith.addi %mul3A_544, %add3A_625 : i32
        %dma_start3A_627 = arith.constant 0 : i32
        %dma_start3A_628 = arith.constant 0 : i32
        %dma_start3A_629 = arith.constant 0 : i32
        %dma_start3A_630 = arith.constant 0 : i32
        %dma_start3A_631 = tpu.memref_slice %arg13[%dma_start3A_628, %dma_start3A_629, %dma_start3A_630] : memref<2x80x128xf32, #tpu.memory_space<vmem>> -> memref<1x80x128xf32, #tpu.memory_space<vmem>>
        %dma_start3A_632 = tpu.memref_squeeze %dma_start3A_631 : memref<1x80x128xf32, #tpu.memory_space<vmem>> -> memref<80x128xf32, #tpu.memory_space<vmem>>
        %dma_start3A_633 = arith.constant 0 : i32
        %dma_start3A_634 = tpu.memref_slice %arg12[%dma_start3A_627, %add3A_626, %dma_start3A_633] : memref<2x25x80xi32, #tpu.memory_space<vmem>> -> memref<1x1x80xi32, #tpu.memory_space<vmem>>
        %dma_start3A_635 = tpu.memref_squeeze %dma_start3A_634 : memref<1x1x80xi32, #tpu.memory_space<vmem>> -> memref<80xi32, #tpu.memory_space<vmem>>
        %dma_start3A_636 = arith.constant 0 : i32
        %dma_start3A_637 = arith.constant 0 : i32
        %dma_start3A_638 = tpu.memref_slice %arg2[%dma_start3A_636, %dma_start3A_637] : memref<10000x128xf32, #tpu.memory_space<hbm>> -> memref<10000x128xf32, #tpu.memory_space<hbm>>
        tpu.enqueue_indirect_dma source(%dma_start3A_638 : memref<10000x128xf32, #tpu.memory_space<hbm>>) target(%dma_start3A_632 : memref<80x128xf32, #tpu.memory_space<vmem>>) offsets(%dma_start3A_635 : memref<80xi32, #tpu.memory_space<vmem>>) semaphore(%arg17 : memref<!tpu.dma_semaphore, #tpu.memory_space<semaphore_mem>>)
        %dma_start3A_639 = arith.constant 1 : i32
        %dma_start3A_640 = arith.constant 1 : i32
        %dma_start3A_641 = arith.constant 0 : i32
        %dma_start3A_642 = arith.constant 0 : i32
        %dma_start3A_643 = tpu.memref_slice %arg13[%dma_start3A_639, %dma_start3A_641, %dma_start3A_642] : memref<2x80x128xf32, #tpu.memory_space<vmem>> -> memref<1x80x128xf32, #tpu.memory_space<vmem>>
        %dma_start3A_644 = tpu.memref_squeeze %dma_start3A_643 : memref<1x80x128xf32, #tpu.memory_space<vmem>> -> memref<80x128xf32, #tpu.memory_space<vmem>>
        %dma_start3A_645 = arith.constant 0 : i32
        %dma_start3A_646 = tpu.memref_slice %arg12[%dma_start3A_640, %add3A_548, %dma_start3A_645] : memref<2x25x80xi32, #tpu.memory_space<vmem>> -> memref<1x1x80xi32, #tpu.memory_space<vmem>>
        %dma_start3A_647 = tpu.memref_squeeze %dma_start3A_646 : memref<1x1x80xi32, #tpu.memory_space<vmem>> -> memref<80xi32, #tpu.memory_space<vmem>>
        %dma_start3A_648 = arith.constant 0 : i32
        %dma_start3A_649 = arith.constant 0 : i32
        %dma_start3A_650 = tpu.memref_slice %arg10[%dma_start3A_648, %dma_start3A_649] : memref<10240x128xf32, #tpu.memory_space<vmem_shared>> -> memref<10240x128xf32, #tpu.memory_space<vmem_shared>>
        tpu.enqueue_indirect_dma source(%dma_start3A_644 : memref<80x128xf32, #tpu.memory_space<vmem>>) target(%dma_start3A_650 : memref<10240x128xf32, #tpu.memory_space<vmem_shared>>) offsets(%dma_start3A_647 : memref<80xi32, #tpu.memory_space<vmem>>) semaphore(%arg19 : memref<!tpu.dma_semaphore, #tpu.memory_space<semaphore_mem>>) {add = true}
        %dma_start3A_651 = arith.constant 1 : i32
        %dma_start3A_652 = arith.constant 0 : i32
        %dma_start3A_653 = tpu.memref_slice %arg12[%dma_start3A_651, %add3A_548, %dma_start3A_652] : memref<2x25x80xi32, #tpu.memory_space<vmem>> -> memref<1x1x80xi32, #tpu.memory_space<vmem>>
        %dma_start3A_654 = tpu.memref_squeeze %dma_start3A_653 : memref<1x1x80xi32, #tpu.memory_space<vmem>> -> memref<80xi32, #tpu.memory_space<vmem>>
        %dma_start3A_655 = arith.constant 0 : i32
        %dma_start3A_656 = arith.constant 0 : i32
        %dma_start3A_657 = tpu.memref_slice %arg11[%dma_start3A_655, %dma_start3A_656] : memref<10240x16xf32, #tpu.memory_space<vmem_shared>> -> memref<10240x16xf32, #tpu.memory_space<vmem_shared>>
        tpu.enqueue_indirect_dma source(%arg14 : memref<80x16xf32, #tpu.memory_space<vmem>>) target(%dma_start3A_657 : memref<10240x16xf32, #tpu.memory_space<vmem_shared>>) offsets(%dma_start3A_654 : memref<80xi32, #tpu.memory_space<vmem>>) semaphore(%arg19 : memref<!tpu.dma_semaphore, #tpu.memory_space<semaphore_mem>>) {add = true}
      }
      %scan3A_465 = arith.constant 12 : i32
      %dma_wait3A_466 = arith.constant 1 : i32
      %dma_wait3A_467 = arith.constant 1 : i32
      %dma_wait3A_468 = arith.constant 23 : i32
      %dma_wait3A_469 = arith.constant 0 : i32
      %dma_wait3A_470 = arith.constant 0 : i32
      %dma_wait3A_471 = tpu.memref_slice %arg13[%dma_wait3A_466, %dma_wait3A_469, %dma_wait3A_470] : memref<2x80x128xf32, #tpu.memory_space<vmem>> -> memref<1x80x128xf32, #tpu.memory_space<vmem>>
      %dma_wait3A_472 = tpu.memref_squeeze %dma_wait3A_471 : memref<1x80x128xf32, #tpu.memory_space<vmem>> -> memref<80x128xf32, #tpu.memory_space<vmem>>
      %dma_wait3A_473 = arith.constant 0 : i32
      %dma_wait3A_474 = tpu.memref_slice %arg12[%dma_wait3A_467, %dma_wait3A_468, %dma_wait3A_473] : memref<2x25x80xi32, #tpu.memory_space<vmem>> -> memref<1x1x80xi32, #tpu.memory_space<vmem>>
      %dma_wait3A_475 = tpu.memref_squeeze %dma_wait3A_474 : memref<1x1x80xi32, #tpu.memory_space<vmem>> -> memref<80xi32, #tpu.memory_space<vmem>>
      %dma_wait3A_476 = arith.constant 0 : i32
      %dma_wait3A_477 = arith.constant 0 : i32
      %dma_wait3A_478 = tpu.memref_slice %arg10[%dma_wait3A_476, %dma_wait3A_477] : memref<10240x128xf32, #tpu.memory_space<vmem_shared>> -> memref<10240x128xf32, #tpu.memory_space<vmem_shared>>
      tpu.wait_indirect_dma semaphore(%arg19 : memref<!tpu.dma_semaphore, #tpu.memory_space<semaphore_mem>>) src(%dma_wait3A_472 : memref<80x128xf32, #tpu.memory_space<vmem>>) dst(%dma_wait3A_478 : memref<10240x128xf32, #tpu.memory_space<vmem_shared>>)
      %dma_wait3A_479 = arith.constant 1 : i32
      %dma_wait3A_480 = arith.constant 23 : i32
      %dma_wait3A_481 = arith.constant 0 : i32
      %dma_wait3A_482 = tpu.memref_slice %arg12[%dma_wait3A_479, %dma_wait3A_480, %dma_wait3A_481] : memref<2x25x80xi32, #tpu.memory_space<vmem>> -> memref<1x1x80xi32, #tpu.memory_space<vmem>>
      %dma_wait3A_483 = tpu.memref_squeeze %dma_wait3A_482 : memref<1x1x80xi32, #tpu.memory_space<vmem>> -> memref<80xi32, #tpu.memory_space<vmem>>
      %dma_wait3A_484 = arith.constant 0 : i32
      %dma_wait3A_485 = arith.constant 0 : i32
      %dma_wait3A_486 = tpu.memref_slice %arg11[%dma_wait3A_484, %dma_wait3A_485] : memref<10240x16xf32, #tpu.memory_space<vmem_shared>> -> memref<10240x16xf32, #tpu.memory_space<vmem_shared>>
      tpu.wait_indirect_dma semaphore(%arg19 : memref<!tpu.dma_semaphore, #tpu.memory_space<semaphore_mem>>) src(%arg14 : memref<80x16xf32, #tpu.memory_space<vmem>>) dst(%dma_wait3A_486 : memref<10240x16xf32, #tpu.memory_space<vmem_shared>>)
      %dma_wait3A_487 = arith.constant 0 : i32
      %dma_wait3A_488 = arith.constant 24 : i32
      %dma_wait3A_489 = arith.constant 0 : i32
      %dma_wait3A_490 = arith.constant 0 : i32
      %dma_wait3A_491 = arith.constant 0 : i32
      %dma_wait3A_492 = tpu.memref_slice %arg13[%dma_wait3A_489, %dma_wait3A_490, %dma_wait3A_491] : memref<2x80x128xf32, #tpu.memory_space<vmem>> -> memref<1x80x128xf32, #tpu.memory_space<vmem>>
      %dma_wait3A_493 = tpu.memref_squeeze %dma_wait3A_492 : memref<1x80x128xf32, #tpu.memory_space<vmem>> -> memref<80x128xf32, #tpu.memory_space<vmem>>
      %dma_wait3A_494 = arith.constant 0 : i32
      %dma_wait3A_495 = tpu.memref_slice %arg12[%dma_wait3A_487, %dma_wait3A_488, %dma_wait3A_494] : memref<2x25x80xi32, #tpu.memory_space<vmem>> -> memref<1x1x80xi32, #tpu.memory_space<vmem>>
      %dma_wait3A_496 = tpu.memref_squeeze %dma_wait3A_495 : memref<1x1x80xi32, #tpu.memory_space<vmem>> -> memref<80xi32, #tpu.memory_space<vmem>>
      %dma_wait3A_497 = arith.constant 0 : i32
      %dma_wait3A_498 = arith.constant 0 : i32
      %dma_wait3A_499 = tpu.memref_slice %arg2[%dma_wait3A_497, %dma_wait3A_498] : memref<10000x128xf32, #tpu.memory_space<hbm>> -> memref<10000x128xf32, #tpu.memory_space<hbm>>
      tpu.wait_indirect_dma semaphore(%arg17 : memref<!tpu.dma_semaphore, #tpu.memory_space<semaphore_mem>>) src(%dma_wait3A_499 : memref<10000x128xf32, #tpu.memory_space<hbm>>) dst(%dma_wait3A_493 : memref<80x128xf32, #tpu.memory_space<vmem>>)
      %dma_start3A_500 = arith.constant 0 : i32
      %dma_start3A_501 = arith.constant 1 : i32
      %dma_start3A_502 = arith.constant 24 : i32
      %dma_start3A_503 = arith.constant 0 : i32
      %dma_start3A_504 = arith.constant 0 : i32
      %dma_start3A_505 = tpu.memref_slice %arg13[%dma_start3A_500, %dma_start3A_503, %dma_start3A_504] : memref<2x80x128xf32, #tpu.memory_space<vmem>> -> memref<1x80x128xf32, #tpu.memory_space<vmem>>
      %dma_start3A_506 = tpu.memref_squeeze %dma_start3A_505 : memref<1x80x128xf32, #tpu.memory_space<vmem>> -> memref<80x128xf32, #tpu.memory_space<vmem>>
      %dma_start3A_507 = arith.constant 0 : i32
      %dma_start3A_508 = tpu.memref_slice %arg12[%dma_start3A_501, %dma_start3A_502, %dma_start3A_507] : memref<2x25x80xi32, #tpu.memory_space<vmem>> -> memref<1x1x80xi32, #tpu.memory_space<vmem>>
      %dma_start3A_509 = tpu.memref_squeeze %dma_start3A_508 : memref<1x1x80xi32, #tpu.memory_space<vmem>> -> memref<80xi32, #tpu.memory_space<vmem>>
      %dma_start3A_510 = arith.constant 0 : i32
      %dma_start3A_511 = arith.constant 0 : i32
      %dma_start3A_512 = tpu.memref_slice %arg10[%dma_start3A_510, %dma_start3A_511] : memref<10240x128xf32, #tpu.memory_space<vmem_shared>> -> memref<10240x128xf32, #tpu.memory_space<vmem_shared>>
      tpu.enqueue_indirect_dma source(%dma_start3A_506 : memref<80x128xf32, #tpu.memory_space<vmem>>) target(%dma_start3A_512 : memref<10240x128xf32, #tpu.memory_space<vmem_shared>>) offsets(%dma_start3A_509 : memref<80xi32, #tpu.memory_space<vmem>>) semaphore(%arg19 : memref<!tpu.dma_semaphore, #tpu.memory_space<semaphore_mem>>) {add = true}
      %dma_start3A_513 = arith.constant 1 : i32
      %dma_start3A_514 = arith.constant 24 : i32
      %dma_start3A_515 = arith.constant 0 : i32
      %dma_start3A_516 = tpu.memref_slice %arg12[%dma_start3A_513, %dma_start3A_514, %dma_start3A_515] : memref<2x25x80xi32, #tpu.memory_space<vmem>> -> memref<1x1x80xi32, #tpu.memory_space<vmem>>
      %dma_start3A_517 = tpu.memref_squeeze %dma_start3A_516 : memref<1x1x80xi32, #tpu.memory_space<vmem>> -> memref<80xi32, #tpu.memory_space<vmem>>
      %dma_start3A_518 = arith.constant 0 : i32
      %dma_start3A_519 = arith.constant 0 : i32
      %dma_start3A_520 = tpu.memref_slice %arg11[%dma_start3A_518, %dma_start3A_519] : memref<10240x16xf32, #tpu.memory_space<vmem_shared>> -> memref<10240x16xf32, #tpu.memory_space<vmem_shared>>
      tpu.enqueue_indirect_dma source(%arg14 : memref<80x16xf32, #tpu.memory_space<vmem>>) target(%dma_start3A_520 : memref<10240x16xf32, #tpu.memory_space<vmem_shared>>) offsets(%dma_start3A_517 : memref<80xi32, #tpu.memory_space<vmem>>) semaphore(%arg19 : memref<!tpu.dma_semaphore, #tpu.memory_space<semaphore_mem>>) {add = true}
      %dma_wait3A_521 = arith.constant 0 : i32
      %dma_wait3A_522 = arith.constant 1 : i32
      %dma_wait3A_523 = arith.constant 24 : i32
      %dma_wait3A_524 = arith.constant 0 : i32
      %dma_wait3A_525 = arith.constant 0 : i32
      %dma_wait3A_526 = tpu.memref_slice %arg13[%dma_wait3A_521, %dma_wait3A_524, %dma_wait3A_525] : memref<2x80x128xf32, #tpu.memory_space<vmem>> -> memref<1x80x128xf32, #tpu.memory_space<vmem>>
      %dma_wait3A_527 = tpu.memref_squeeze %dma_wait3A_526 : memref<1x80x128xf32, #tpu.memory_space<vmem>> -> memref<80x128xf32, #tpu.memory_space<vmem>>
      %dma_wait3A_528 = arith.constant 0 : i32
      %dma_wait3A_529 = tpu.memref_slice %arg12[%dma_wait3A_522, %dma_wait3A_523, %dma_wait3A_528] : memref<2x25x80xi32, #tpu.memory_space<vmem>> -> memref<1x1x80xi32, #tpu.memory_space<vmem>>
      %dma_wait3A_530 = tpu.memref_squeeze %dma_wait3A_529 : memref<1x1x80xi32, #tpu.memory_space<vmem>> -> memref<80xi32, #tpu.memory_space<vmem>>
      %dma_wait3A_531 = arith.constant 0 : i32
      %dma_wait3A_532 = arith.constant 0 : i32
      %dma_wait3A_533 = tpu.memref_slice %arg10[%dma_wait3A_531, %dma_wait3A_532] : memref<10240x128xf32, #tpu.memory_space<vmem_shared>> -> memref<10240x128xf32, #tpu.memory_space<vmem_shared>>
      tpu.wait_indirect_dma semaphore(%arg19 : memref<!tpu.dma_semaphore, #tpu.memory_space<semaphore_mem>>) src(%dma_wait3A_527 : memref<80x128xf32, #tpu.memory_space<vmem>>) dst(%dma_wait3A_533 : memref<10240x128xf32, #tpu.memory_space<vmem_shared>>)
      %dma_wait3A_534 = arith.constant 1 : i32
      %dma_wait3A_535 = arith.constant 24 : i32
      %dma_wait3A_536 = arith.constant 0 : i32
      %dma_wait3A_537 = tpu.memref_slice %arg12[%dma_wait3A_534, %dma_wait3A_535, %dma_wait3A_536] : memref<2x25x80xi32, #tpu.memory_space<vmem>> -> memref<1x1x80xi32, #tpu.memory_space<vmem>>
      %dma_wait3A_538 = tpu.memref_squeeze %dma_wait3A_537 : memref<1x1x80xi32, #tpu.memory_space<vmem>> -> memref<80xi32, #tpu.memory_space<vmem>>
      %dma_wait3A_539 = arith.constant 0 : i32
      %dma_wait3A_540 = arith.constant 0 : i32
      %dma_wait3A_541 = tpu.memref_slice %arg11[%dma_wait3A_539, %dma_wait3A_540] : memref<10240x16xf32, #tpu.memory_space<vmem_shared>> -> memref<10240x16xf32, #tpu.memory_space<vmem_shared>>
      tpu.wait_indirect_dma semaphore(%arg19 : memref<!tpu.dma_semaphore, #tpu.memory_space<semaphore_mem>>) src(%arg14 : memref<80x16xf32, #tpu.memory_space<vmem>>) dst(%dma_wait3A_541 : memref<10240x16xf32, #tpu.memory_space<vmem_shared>>)
    }
    %scan3A_228 = arith.constant 5 : i32
    %barrier3A_229 = arith.constant 0 : index
    tpu.barrier barrier_id(%barrier3A_229)
    "tpu.region"() ({
      %run_scoped3A = tpu.sem_alloc : memref<!tpu.dma_semaphore, #tpu.memory_space<semaphore_mem>>
      %dma_start3A_443 = arith.constant 0 : i32
      %dma_start3A_444 = tpu.memref_slice %arg6[%arg0, %mul3A_0, %dma_start3A_443] : memref<2x10240x128xf32, #tpu.memory_space<hbm>> -> memref<1x640x128xf32, #tpu.memory_space<hbm>>
      %dma_start3A_445 = tpu.memref_squeeze %dma_start3A_444 : memref<1x640x128xf32, #tpu.memory_space<hbm>> -> memref<640x128xf32, #tpu.memory_space<hbm>>
      %dma_start3A_446 = arith.constant 0 : i32
      %dma_start3A_447 = tpu.memref_slice %arg10[%mul3A_0, %dma_start3A_446] : memref<10240x128xf32, #tpu.memory_space<vmem_shared>> -> memref<640x128xf32, #tpu.memory_space<vmem_shared>>
      tpu.enqueue_dma source(%dma_start3A_447 : memref<640x128xf32, #tpu.memory_space<vmem_shared>>) target(%dma_start3A_445 : memref<640x128xf32, #tpu.memory_space<hbm>>) target_semaphore(%run_scoped3A : memref<!tpu.dma_semaphore, #tpu.memory_space<semaphore_mem>>)
      %dma_wait3A_448 = arith.constant 0 : i32
      %dma_wait3A_449 = tpu.memref_slice %arg6[%arg0, %mul3A_0, %dma_wait3A_448] : memref<2x10240x128xf32, #tpu.memory_space<hbm>> -> memref<1x640x128xf32, #tpu.memory_space<hbm>>
      %dma_wait3A_450 = tpu.memref_squeeze %dma_wait3A_449 : memref<1x640x128xf32, #tpu.memory_space<hbm>> -> memref<640x128xf32, #tpu.memory_space<hbm>>
      %dma_wait3A_451 = arith.constant 0 : i32
      %dma_wait3A_452 = tpu.memref_slice %arg10[%mul3A_0, %dma_wait3A_451] : memref<10240x128xf32, #tpu.memory_space<vmem_shared>> -> memref<640x128xf32, #tpu.memory_space<vmem_shared>>
      tpu.wait_dma2 semaphore(%run_scoped3A : memref<!tpu.dma_semaphore, #tpu.memory_space<semaphore_mem>>) src(%dma_wait3A_452 : memref<640x128xf32, #tpu.memory_space<vmem_shared>>) dst(%dma_wait3A_450 : memref<640x128xf32, #tpu.memory_space<hbm>>)
      tpu.yield
    }) : () -> ()
    "tpu.region"() ({
      %run_scoped3A = tpu.sem_alloc : memref<!tpu.dma_semaphore, #tpu.memory_space<semaphore_mem>>
      %dma_start3A_443 = arith.constant 0 : i32
      %dma_start3A_444 = tpu.memref_slice %arg7[%arg0, %mul3A_0, %dma_start3A_443] : memref<2x10240x16xf32, #tpu.memory_space<hbm>> -> memref<1x640x16xf32, #tpu.memory_space<hbm>>
      %dma_start3A_445 = tpu.memref_squeeze %dma_start3A_444 : memref<1x640x16xf32, #tpu.memory_space<hbm>> -> memref<640x16xf32, #tpu.memory_space<hbm>>
      %dma_start3A_446 = arith.constant 0 : i32
      %dma_start3A_447 = tpu.memref_slice %arg11[%mul3A_0, %dma_start3A_446] : memref<10240x16xf32, #tpu.memory_space<vmem_shared>> -> memref<640x16xf32, #tpu.memory_space<vmem_shared>>
      tpu.enqueue_dma source(%dma_start3A_447 : memref<640x16xf32, #tpu.memory_space<vmem_shared>>) target(%dma_start3A_445 : memref<640x16xf32, #tpu.memory_space<hbm>>) target_semaphore(%run_scoped3A : memref<!tpu.dma_semaphore, #tpu.memory_space<semaphore_mem>>)
      %dma_wait3A_448 = arith.constant 0 : i32
      %dma_wait3A_449 = tpu.memref_slice %arg7[%arg0, %mul3A_0, %dma_wait3A_448] : memref<2x10240x16xf32, #tpu.memory_space<hbm>> -> memref<1x640x16xf32, #tpu.memory_space<hbm>>
      %dma_wait3A_450 = tpu.memref_squeeze %dma_wait3A_449 : memref<1x640x16xf32, #tpu.memory_space<hbm>> -> memref<640x16xf32, #tpu.memory_space<hbm>>
      %dma_wait3A_451 = arith.constant 0 : i32
      %dma_wait3A_452 = tpu.memref_slice %arg11[%mul3A_0, %dma_wait3A_451] : memref<10240x16xf32, #tpu.memory_space<vmem_shared>> -> memref<640x16xf32, #tpu.memory_space<vmem_shared>>
      tpu.wait_dma2 semaphore(%run_scoped3A : memref<!tpu.dma_semaphore, #tpu.memory_space<semaphore_mem>>) src(%dma_wait3A_452 : memref<640x16xf32, #tpu.memory_space<vmem_shared>>) dst(%dma_wait3A_450 : memref<640x16xf32, #tpu.memory_space<hbm>>)
      tpu.yield
    }) : () -> ()
    %add3A_230 = arith.constant 0 : i32
    %add3A_231 = arith.addi %mul3A_0, %add3A_230 : i32
    %dma_start3A_232 = arith.constant 0 : i32
    %dma_start3A_233 = tpu.memref_slice %arg10[%add3A_231, %dma_start3A_232] : memref<10240x128xf32, #tpu.memory_space<vmem_shared>> -> memref<64x128xf32, #tpu.memory_space<vmem_shared>>
    %dma_start3A_234 = arith.constant 0 : i32
    %dma_start3A_235 = tpu.memref_slice %arg10[%add3A_231, %dma_start3A_234] : memref<10240x128xf32, #tpu.memory_space<vmem_shared>> -> memref<64x128xf32, #tpu.memory_space<vmem_shared>>
    tpu.enqueue_dma source(%arg15 : memref<64x128xf32, #tpu.memory_space<vmem>>) target(%dma_start3A_235 : memref<64x128xf32, #tpu.memory_space<vmem_shared>>) target_semaphore(%arg17 : memref<!tpu.dma_semaphore, #tpu.memory_space<semaphore_mem>>)
    %add3A_236 = arith.constant 0 : i32
    %add3A_237 = arith.addi %mul3A_0, %add3A_236 : i32
    %dma_start3A_238 = arith.constant 0 : i32
    %dma_start3A_239 = tpu.memref_slice %arg11[%add3A_237, %dma_start3A_238] : memref<10240x16xf32, #tpu.memory_space<vmem_shared>> -> memref<64x16xf32, #tpu.memory_space<vmem_shared>>
    %dma_start3A_240 = arith.constant 0 : i32
    %dma_start3A_241 = tpu.memref_slice %arg11[%add3A_237, %dma_start3A_240] : memref<10240x16xf32, #tpu.memory_space<vmem_shared>> -> memref<64x16xf32, #tpu.memory_space<vmem_shared>>
    tpu.enqueue_dma source(%arg16 : memref<64x16xf32, #tpu.memory_space<vmem>>) target(%dma_start3A_241 : memref<64x16xf32, #tpu.memory_space<vmem_shared>>) target_semaphore(%arg17 : memref<!tpu.dma_semaphore, #tpu.memory_space<semaphore_mem>>)
    %add3A_242 = arith.constant 64 : i32
    %add3A_243 = arith.addi %mul3A_0, %add3A_242 : i32
    %dma_start3A_244 = arith.constant 0 : i32
    %dma_start3A_245 = tpu.memref_slice %arg10[%add3A_243, %dma_start3A_244] : memref<10240x128xf32, #tpu.memory_space<vmem_shared>> -> memref<64x128xf32, #tpu.memory_space<vmem_shared>>
    %dma_start3A_246 = arith.constant 0 : i32
    %dma_start3A_247 = tpu.memref_slice %arg10[%add3A_243, %dma_start3A_246] : memref<10240x128xf32, #tpu.memory_space<vmem_shared>> -> memref<64x128xf32, #tpu.memory_space<vmem_shared>>
    tpu.enqueue_dma source(%arg15 : memref<64x128xf32, #tpu.memory_space<vmem>>) target(%dma_start3A_247 : memref<64x128xf32, #tpu.memory_space<vmem_shared>>) target_semaphore(%arg17 : memref<!tpu.dma_semaphore, #tpu.memory_space<semaphore_mem>>)
    %add3A_248 = arith.constant 64 : i32
    %add3A_249 = arith.addi %mul3A_0, %add3A_248 : i32
    %dma_start3A_250 = arith.constant 0 : i32
    %dma_start3A_251 = tpu.memref_slice %arg11[%add3A_249, %dma_start3A_250] : memref<10240x16xf32, #tpu.memory_space<vmem_shared>> -> memref<64x16xf32, #tpu.memory_space<vmem_shared>>
    %dma_start3A_252 = arith.constant 0 : i32
    %dma_start3A_253 = tpu.memref_slice %arg11[%add3A_249, %dma_start3A_252] : memref<10240x16xf32, #tpu.memory_space<vmem_shared>> -> memref<64x16xf32, #tpu.memory_space<vmem_shared>>
    tpu.enqueue_dma source(%arg16 : memref<64x16xf32, #tpu.memory_space<vmem>>) target(%dma_start3A_253 : memref<64x16xf32, #tpu.memory_space<vmem_shared>>) target_semaphore(%arg17 : memref<!tpu.dma_semaphore, #tpu.memory_space<semaphore_mem>>)
    %add3A_254 = arith.constant 128 : i32
    %add3A_255 = arith.addi %mul3A_0, %add3A_254 : i32
    %dma_start3A_256 = arith.constant 0 : i32
    %dma_start3A_257 = tpu.memref_slice %arg10[%add3A_255, %dma_start3A_256] : memref<10240x128xf32, #tpu.memory_space<vmem_shared>> -> memref<64x128xf32, #tpu.memory_space<vmem_shared>>
    %dma_start3A_258 = arith.constant 0 : i32
    %dma_start3A_259 = tpu.memref_slice %arg10[%add3A_255, %dma_start3A_258] : memref<10240x128xf32, #tpu.memory_space<vmem_shared>> -> memref<64x128xf32, #tpu.memory_space<vmem_shared>>
    tpu.enqueue_dma source(%arg15 : memref<64x128xf32, #tpu.memory_space<vmem>>) target(%dma_start3A_259 : memref<64x128xf32, #tpu.memory_space<vmem_shared>>) target_semaphore(%arg17 : memref<!tpu.dma_semaphore, #tpu.memory_space<semaphore_mem>>)
    %add3A_260 = arith.constant 128 : i32
    %add3A_261 = arith.addi %mul3A_0, %add3A_260 : i32
    %dma_start3A_262 = arith.constant 0 : i32
    %dma_start3A_263 = tpu.memref_slice %arg11[%add3A_261, %dma_start3A_262] : memref<10240x16xf32, #tpu.memory_space<vmem_shared>> -> memref<64x16xf32, #tpu.memory_space<vmem_shared>>
    %dma_start3A_264 = arith.constant 0 : i32
    %dma_start3A_265 = tpu.memref_slice %arg11[%add3A_261, %dma_start3A_264] : memref<10240x16xf32, #tpu.memory_space<vmem_shared>> -> memref<64x16xf32, #tpu.memory_space<vmem_shared>>
    tpu.enqueue_dma source(%arg16 : memref<64x16xf32, #tpu.memory_space<vmem>>) target(%dma_start3A_265 : memref<64x16xf32, #tpu.memory_space<vmem_shared>>) target_semaphore(%arg17 : memref<!tpu.dma_semaphore, #tpu.memory_space<semaphore_mem>>)
    %add3A_266 = arith.constant 192 : i32
    %add3A_267 = arith.addi %mul3A_0, %add3A_266 : i32
    %dma_start3A_268 = arith.constant 0 : i32
    %dma_start3A_269 = tpu.memref_slice %arg10[%add3A_267, %dma_start3A_268] : memref<10240x128xf32, #tpu.memory_space<vmem_shared>> -> memref<64x128xf32, #tpu.memory_space<vmem_shared>>
    %dma_start3A_270 = arith.constant 0 : i32
    %dma_start3A_271 = tpu.memref_slice %arg10[%add3A_267, %dma_start3A_270] : memref<10240x128xf32, #tpu.memory_space<vmem_shared>> -> memref<64x128xf32, #tpu.memory_space<vmem_shared>>
    tpu.enqueue_dma source(%arg15 : memref<64x128xf32, #tpu.memory_space<vmem>>) target(%dma_start3A_271 : memref<64x128xf32, #tpu.memory_space<vmem_shared>>) target_semaphore(%arg17 : memref<!tpu.dma_semaphore, #tpu.memory_space<semaphore_mem>>)
    %add3A_272 = arith.constant 192 : i32
    %add3A_273 = arith.addi %mul3A_0, %add3A_272 : i32
    %dma_start3A_274 = arith.constant 0 : i32
    %dma_start3A_275 = tpu.memref_slice %arg11[%add3A_273, %dma_start3A_274] : memref<10240x16xf32, #tpu.memory_space<vmem_shared>> -> memref<64x16xf32, #tpu.memory_space<vmem_shared>>
    %dma_start3A_276 = arith.constant 0 : i32
    %dma_start3A_277 = tpu.memref_slice %arg11[%add3A_273, %dma_start3A_276] : memref<10240x16xf32, #tpu.memory_space<vmem_shared>> -> memref<64x16xf32, #tpu.memory_space<vmem_shared>>
    tpu.enqueue_dma source(%arg16 : memref<64x16xf32, #tpu.memory_space<vmem>>) target(%dma_start3A_277 : memref<64x16xf32, #tpu.memory_space<vmem_shared>>) target_semaphore(%arg17 : memref<!tpu.dma_semaphore, #tpu.memory_space<semaphore_mem>>)
    %add3A_278 = arith.constant 256 : i32
    %add3A_279 = arith.addi %mul3A_0, %add3A_278 : i32
    %dma_start3A_280 = arith.constant 0 : i32
    %dma_start3A_281 = tpu.memref_slice %arg10[%add3A_279, %dma_start3A_280] : memref<10240x128xf32, #tpu.memory_space<vmem_shared>> -> memref<64x128xf32, #tpu.memory_space<vmem_shared>>
    %dma_start3A_282 = arith.constant 0 : i32
    %dma_start3A_283 = tpu.memref_slice %arg10[%add3A_279, %dma_start3A_282] : memref<10240x128xf32, #tpu.memory_space<vmem_shared>> -> memref<64x128xf32, #tpu.memory_space<vmem_shared>>
    tpu.enqueue_dma source(%arg15 : memref<64x128xf32, #tpu.memory_space<vmem>>) target(%dma_start3A_283 : memref<64x128xf32, #tpu.memory_space<vmem_shared>>) target_semaphore(%arg17 : memref<!tpu.dma_semaphore, #tpu.memory_space<semaphore_mem>>)
    %add3A_284 = arith.constant 256 : i32
    %add3A_285 = arith.addi %mul3A_0, %add3A_284 : i32
    %dma_start3A_286 = arith.constant 0 : i32
    %dma_start3A_287 = tpu.memref_slice %arg11[%add3A_285, %dma_start3A_286] : memref<10240x16xf32, #tpu.memory_space<vmem_shared>> -> memref<64x16xf32, #tpu.memory_space<vmem_shared>>
    %dma_start3A_288 = arith.constant 0 : i32
    %dma_start3A_289 = tpu.memref_slice %arg11[%add3A_285, %dma_start3A_288] : memref<10240x16xf32, #tpu.memory_space<vmem_shared>> -> memref<64x16xf32, #tpu.memory_space<vmem_shared>>
    tpu.enqueue_dma source(%arg16 : memref<64x16xf32, #tpu.memory_space<vmem>>) target(%dma_start3A_289 : memref<64x16xf32, #tpu.memory_space<vmem_shared>>) target_semaphore(%arg17 : memref<!tpu.dma_semaphore, #tpu.memory_space<semaphore_mem>>)
    %add3A_290 = arith.constant 320 : i32
    %add3A_291 = arith.addi %mul3A_0, %add3A_290 : i32
    %dma_start3A_292 = arith.constant 0 : i32
    %dma_start3A_293 = tpu.memref_slice %arg10[%add3A_291, %dma_start3A_292] : memref<10240x128xf32, #tpu.memory_space<vmem_shared>> -> memref<64x128xf32, #tpu.memory_space<vmem_shared>>
    %dma_start3A_294 = arith.constant 0 : i32
    %dma_start3A_295 = tpu.memref_slice %arg10[%add3A_291, %dma_start3A_294] : memref<10240x128xf32, #tpu.memory_space<vmem_shared>> -> memref<64x128xf32, #tpu.memory_space<vmem_shared>>
    tpu.enqueue_dma source(%arg15 : memref<64x128xf32, #tpu.memory_space<vmem>>) target(%dma_start3A_295 : memref<64x128xf32, #tpu.memory_space<vmem_shared>>) target_semaphore(%arg17 : memref<!tpu.dma_semaphore, #tpu.memory_space<semaphore_mem>>)
    %add3A_296 = arith.constant 320 : i32
    %add3A_297 = arith.addi %mul3A_0, %add3A_296 : i32
    %dma_start3A_298 = arith.constant 0 : i32
    %dma_start3A_299 = tpu.memref_slice %arg11[%add3A_297, %dma_start3A_298] : memref<10240x16xf32, #tpu.memory_space<vmem_shared>> -> memref<64x16xf32, #tpu.memory_space<vmem_shared>>
    %dma_start3A_300 = arith.constant 0 : i32
    %dma_start3A_301 = tpu.memref_slice %arg11[%add3A_297, %dma_start3A_300] : memref<10240x16xf32, #tpu.memory_space<vmem_shared>> -> memref<64x16xf32, #tpu.memory_space<vmem_shared>>
    tpu.enqueue_dma source(%arg16 : memref<64x16xf32, #tpu.memory_space<vmem>>) target(%dma_start3A_301 : memref<64x16xf32, #tpu.memory_space<vmem_shared>>) target_semaphore(%arg17 : memref<!tpu.dma_semaphore, #tpu.memory_space<semaphore_mem>>)
    %add3A_302 = arith.constant 384 : i32
    %add3A_303 = arith.addi %mul3A_0, %add3A_302 : i32
    %dma_start3A_304 = arith.constant 0 : i32
    %dma_start3A_305 = tpu.memref_slice %arg10[%add3A_303, %dma_start3A_304] : memref<10240x128xf32, #tpu.memory_space<vmem_shared>> -> memref<64x128xf32, #tpu.memory_space<vmem_shared>>
    %dma_start3A_306 = arith.constant 0 : i32
    %dma_start3A_307 = tpu.memref_slice %arg10[%add3A_303, %dma_start3A_306] : memref<10240x128xf32, #tpu.memory_space<vmem_shared>> -> memref<64x128xf32, #tpu.memory_space<vmem_shared>>
    tpu.enqueue_dma source(%arg15 : memref<64x128xf32, #tpu.memory_space<vmem>>) target(%dma_start3A_307 : memref<64x128xf32, #tpu.memory_space<vmem_shared>>) target_semaphore(%arg17 : memref<!tpu.dma_semaphore, #tpu.memory_space<semaphore_mem>>)
    %add3A_308 = arith.constant 384 : i32
    %add3A_309 = arith.addi %mul3A_0, %add3A_308 : i32
    %dma_start3A_310 = arith.constant 0 : i32
    %dma_start3A_311 = tpu.memref_slice %arg11[%add3A_309, %dma_start3A_310] : memref<10240x16xf32, #tpu.memory_space<vmem_shared>> -> memref<64x16xf32, #tpu.memory_space<vmem_shared>>
    %dma_start3A_312 = arith.constant 0 : i32
    %dma_start3A_313 = tpu.memref_slice %arg11[%add3A_309, %dma_start3A_312] : memref<10240x16xf32, #tpu.memory_space<vmem_shared>> -> memref<64x16xf32, #tpu.memory_space<vmem_shared>>
    tpu.enqueue_dma source(%arg16 : memref<64x16xf32, #tpu.memory_space<vmem>>) target(%dma_start3A_313 : memref<64x16xf32, #tpu.memory_space<vmem_shared>>) target_semaphore(%arg17 : memref<!tpu.dma_semaphore, #tpu.memory_space<semaphore_mem>>)
    %add3A_314 = arith.constant 448 : i32
    %add3A_315 = arith.addi %mul3A_0, %add3A_314 : i32
    %dma_start3A_316 = arith.constant 0 : i32
    %dma_start3A_317 = tpu.memref_slice %arg10[%add3A_315, %dma_start3A_316] : memref<10240x128xf32, #tpu.memory_space<vmem_shared>> -> memref<64x128xf32, #tpu.memory_space<vmem_shared>>
    %dma_start3A_318 = arith.constant 0 : i32
    %dma_start3A_319 = tpu.memref_slice %arg10[%add3A_315, %dma_start3A_318] : memref<10240x128xf32, #tpu.memory_space<vmem_shared>> -> memref<64x128xf32, #tpu.memory_space<vmem_shared>>
    tpu.enqueue_dma source(%arg15 : memref<64x128xf32, #tpu.memory_space<vmem>>) target(%dma_start3A_319 : memref<64x128xf32, #tpu.memory_space<vmem_shared>>) target_semaphore(%arg17 : memref<!tpu.dma_semaphore, #tpu.memory_space<semaphore_mem>>)
    %add3A_320 = arith.constant 448 : i32
    %add3A_321 = arith.addi %mul3A_0, %add3A_320 : i32
    %dma_start3A_322 = arith.constant 0 : i32
    %dma_start3A_323 = tpu.memref_slice %arg11[%add3A_321, %dma_start3A_322] : memref<10240x16xf32, #tpu.memory_space<vmem_shared>> -> memref<64x16xf32, #tpu.memory_space<vmem_shared>>
    %dma_start3A_324 = arith.constant 0 : i32
    %dma_start3A_325 = tpu.memref_slice %arg11[%add3A_321, %dma_start3A_324] : memref<10240x16xf32, #tpu.memory_space<vmem_shared>> -> memref<64x16xf32, #tpu.memory_space<vmem_shared>>
    tpu.enqueue_dma source(%arg16 : memref<64x16xf32, #tpu.memory_space<vmem>>) target(%dma_start3A_325 : memref<64x16xf32, #tpu.memory_space<vmem_shared>>) target_semaphore(%arg17 : memref<!tpu.dma_semaphore, #tpu.memory_space<semaphore_mem>>)
    %add3A_326 = arith.constant 512 : i32
    %add3A_327 = arith.addi %mul3A_0, %add3A_326 : i32
    %dma_start3A_328 = arith.constant 0 : i32
    %dma_start3A_329 = tpu.memref_slice %arg10[%add3A_327, %dma_start3A_328] : memref<10240x128xf32, #tpu.memory_space<vmem_shared>> -> memref<64x128xf32, #tpu.memory_space<vmem_shared>>
    %dma_start3A_330 = arith.constant 0 : i32
    %dma_start3A_331 = tpu.memref_slice %arg10[%add3A_327, %dma_start3A_330] : memref<10240x128xf32, #tpu.memory_space<vmem_shared>> -> memref<64x128xf32, #tpu.memory_space<vmem_shared>>
    tpu.enqueue_dma source(%arg15 : memref<64x128xf32, #tpu.memory_space<vmem>>) target(%dma_start3A_331 : memref<64x128xf32, #tpu.memory_space<vmem_shared>>) target_semaphore(%arg17 : memref<!tpu.dma_semaphore, #tpu.memory_space<semaphore_mem>>)
    %add3A_332 = arith.constant 512 : i32
    %add3A_333 = arith.addi %mul3A_0, %add3A_332 : i32
    %dma_start3A_334 = arith.constant 0 : i32
    %dma_start3A_335 = tpu.memref_slice %arg11[%add3A_333, %dma_start3A_334] : memref<10240x16xf32, #tpu.memory_space<vmem_shared>> -> memref<64x16xf32, #tpu.memory_space<vmem_shared>>
    %dma_start3A_336 = arith.constant 0 : i32
    %dma_start3A_337 = tpu.memref_slice %arg11[%add3A_333, %dma_start3A_336] : memref<10240x16xf32, #tpu.memory_space<vmem_shared>> -> memref<64x16xf32, #tpu.memory_space<vmem_shared>>
    tpu.enqueue_dma source(%arg16 : memref<64x16xf32, #tpu.memory_space<vmem>>) target(%dma_start3A_337 : memref<64x16xf32, #tpu.memory_space<vmem_shared>>) target_semaphore(%arg17 : memref<!tpu.dma_semaphore, #tpu.memory_space<semaphore_mem>>)
    %add3A_338 = arith.constant 576 : i32
    %add3A_339 = arith.addi %mul3A_0, %add3A_338 : i32
    %dma_start3A_340 = arith.constant 0 : i32
    %dma_start3A_341 = tpu.memref_slice %arg10[%add3A_339, %dma_start3A_340] : memref<10240x128xf32, #tpu.memory_space<vmem_shared>> -> memref<64x128xf32, #tpu.memory_space<vmem_shared>>
    %dma_start3A_342 = arith.constant 0 : i32
    %dma_start3A_343 = tpu.memref_slice %arg10[%add3A_339, %dma_start3A_342] : memref<10240x128xf32, #tpu.memory_space<vmem_shared>> -> memref<64x128xf32, #tpu.memory_space<vmem_shared>>
    tpu.enqueue_dma source(%arg15 : memref<64x128xf32, #tpu.memory_space<vmem>>) target(%dma_start3A_343 : memref<64x128xf32, #tpu.memory_space<vmem_shared>>) target_semaphore(%arg17 : memref<!tpu.dma_semaphore, #tpu.memory_space<semaphore_mem>>)
    %add3A_344 = arith.constant 576 : i32
    %add3A_345 = arith.addi %mul3A_0, %add3A_344 : i32
    %dma_start3A_346 = arith.constant 0 : i32
    %dma_start3A_347 = tpu.memref_slice %arg11[%add3A_345, %dma_start3A_346] : memref<10240x16xf32, #tpu.memory_space<vmem_shared>> -> memref<64x16xf32, #tpu.memory_space<vmem_shared>>
    %dma_start3A_348 = arith.constant 0 : i32
    %dma_start3A_349 = tpu.memref_slice %arg11[%add3A_345, %dma_start3A_348] : memref<10240x16xf32, #tpu.memory_space<vmem_shared>> -> memref<64x16xf32, #tpu.memory_space<vmem_shared>>
    tpu.enqueue_dma source(%arg16 : memref<64x16xf32, #tpu.memory_space<vmem>>) target(%dma_start3A_349 : memref<64x16xf32, #tpu.memory_space<vmem_shared>>) target_semaphore(%arg17 : memref<!tpu.dma_semaphore, #tpu.memory_space<semaphore_mem>>)
    %dma_wait3A_350 = arith.constant 0 : i32
    %dma_wait3A_351 = tpu.memref_slice %arg10[%add3A_231, %dma_wait3A_350] : memref<10240x128xf32, #tpu.memory_space<vmem_shared>> -> memref<64x128xf32, #tpu.memory_space<vmem_shared>>
    %dma_wait3A_352 = arith.constant 0 : i32
    %dma_wait3A_353 = tpu.memref_slice %arg10[%add3A_231, %dma_wait3A_352] : memref<10240x128xf32, #tpu.memory_space<vmem_shared>> -> memref<64x128xf32, #tpu.memory_space<vmem_shared>>
    tpu.wait_dma2 semaphore(%arg17 : memref<!tpu.dma_semaphore, #tpu.memory_space<semaphore_mem>>) src(%arg15 : memref<64x128xf32, #tpu.memory_space<vmem>>) dst(%dma_wait3A_353 : memref<64x128xf32, #tpu.memory_space<vmem_shared>>)
    %dma_wait3A_354 = arith.constant 0 : i32
    %dma_wait3A_355 = tpu.memref_slice %arg11[%add3A_237, %dma_wait3A_354] : memref<10240x16xf32, #tpu.memory_space<vmem_shared>> -> memref<64x16xf32, #tpu.memory_space<vmem_shared>>
    %dma_wait3A_356 = arith.constant 0 : i32
    %dma_wait3A_357 = tpu.memref_slice %arg11[%add3A_237, %dma_wait3A_356] : memref<10240x16xf32, #tpu.memory_space<vmem_shared>> -> memref<64x16xf32, #tpu.memory_space<vmem_shared>>
    tpu.wait_dma2 semaphore(%arg17 : memref<!tpu.dma_semaphore, #tpu.memory_space<semaphore_mem>>) src(%arg16 : memref<64x16xf32, #tpu.memory_space<vmem>>) dst(%dma_wait3A_357 : memref<64x16xf32, #tpu.memory_space<vmem_shared>>)
    %dma_wait3A_358 = arith.constant 0 : i32
    %dma_wait3A_359 = tpu.memref_slice %arg10[%add3A_243, %dma_wait3A_358] : memref<10240x128xf32, #tpu.memory_space<vmem_shared>> -> memref<64x128xf32, #tpu.memory_space<vmem_shared>>
    %dma_wait3A_360 = arith.constant 0 : i32
    %dma_wait3A_361 = tpu.memref_slice %arg10[%add3A_243, %dma_wait3A_360] : memref<10240x128xf32, #tpu.memory_space<vmem_shared>> -> memref<64x128xf32, #tpu.memory_space<vmem_shared>>
    tpu.wait_dma2 semaphore(%arg17 : memref<!tpu.dma_semaphore, #tpu.memory_space<semaphore_mem>>) src(%arg15 : memref<64x128xf32, #tpu.memory_space<vmem>>) dst(%dma_wait3A_361 : memref<64x128xf32, #tpu.memory_space<vmem_shared>>)
    %dma_wait3A_362 = arith.constant 0 : i32
    %dma_wait3A_363 = tpu.memref_slice %arg11[%add3A_249, %dma_wait3A_362] : memref<10240x16xf32, #tpu.memory_space<vmem_shared>> -> memref<64x16xf32, #tpu.memory_space<vmem_shared>>
    %dma_wait3A_364 = arith.constant 0 : i32
    %dma_wait3A_365 = tpu.memref_slice %arg11[%add3A_249, %dma_wait3A_364] : memref<10240x16xf32, #tpu.memory_space<vmem_shared>> -> memref<64x16xf32, #tpu.memory_space<vmem_shared>>
    tpu.wait_dma2 semaphore(%arg17 : memref<!tpu.dma_semaphore, #tpu.memory_space<semaphore_mem>>) src(%arg16 : memref<64x16xf32, #tpu.memory_space<vmem>>) dst(%dma_wait3A_365 : memref<64x16xf32, #tpu.memory_space<vmem_shared>>)
    %dma_wait3A_366 = arith.constant 0 : i32
    %dma_wait3A_367 = tpu.memref_slice %arg10[%add3A_255, %dma_wait3A_366] : memref<10240x128xf32, #tpu.memory_space<vmem_shared>> -> memref<64x128xf32, #tpu.memory_space<vmem_shared>>
    %dma_wait3A_368 = arith.constant 0 : i32
    %dma_wait3A_369 = tpu.memref_slice %arg10[%add3A_255, %dma_wait3A_368] : memref<10240x128xf32, #tpu.memory_space<vmem_shared>> -> memref<64x128xf32, #tpu.memory_space<vmem_shared>>
    tpu.wait_dma2 semaphore(%arg17 : memref<!tpu.dma_semaphore, #tpu.memory_space<semaphore_mem>>) src(%arg15 : memref<64x128xf32, #tpu.memory_space<vmem>>) dst(%dma_wait3A_369 : memref<64x128xf32, #tpu.memory_space<vmem_shared>>)
    %dma_wait3A_370 = arith.constant 0 : i32
    %dma_wait3A_371 = tpu.memref_slice %arg11[%add3A_261, %dma_wait3A_370] : memref<10240x16xf32, #tpu.memory_space<vmem_shared>> -> memref<64x16xf32, #tpu.memory_space<vmem_shared>>
    %dma_wait3A_372 = arith.constant 0 : i32
    %dma_wait3A_373 = tpu.memref_slice %arg11[%add3A_261, %dma_wait3A_372] : memref<10240x16xf32, #tpu.memory_space<vmem_shared>> -> memref<64x16xf32, #tpu.memory_space<vmem_shared>>
    tpu.wait_dma2 semaphore(%arg17 : memref<!tpu.dma_semaphore, #tpu.memory_space<semaphore_mem>>) src(%arg16 : memref<64x16xf32, #tpu.memory_space<vmem>>) dst(%dma_wait3A_373 : memref<64x16xf32, #tpu.memory_space<vmem_shared>>)
    %dma_wait3A_374 = arith.constant 0 : i32
    %dma_wait3A_375 = tpu.memref_slice %arg10[%add3A_267, %dma_wait3A_374] : memref<10240x128xf32, #tpu.memory_space<vmem_shared>> -> memref<64x128xf32, #tpu.memory_space<vmem_shared>>
    %dma_wait3A_376 = arith.constant 0 : i32
    %dma_wait3A_377 = tpu.memref_slice %arg10[%add3A_267, %dma_wait3A_376] : memref<10240x128xf32, #tpu.memory_space<vmem_shared>> -> memref<64x128xf32, #tpu.memory_space<vmem_shared>>
    tpu.wait_dma2 semaphore(%arg17 : memref<!tpu.dma_semaphore, #tpu.memory_space<semaphore_mem>>) src(%arg15 : memref<64x128xf32, #tpu.memory_space<vmem>>) dst(%dma_wait3A_377 : memref<64x128xf32, #tpu.memory_space<vmem_shared>>)
    %dma_wait3A_378 = arith.constant 0 : i32
    %dma_wait3A_379 = tpu.memref_slice %arg11[%add3A_273, %dma_wait3A_378] : memref<10240x16xf32, #tpu.memory_space<vmem_shared>> -> memref<64x16xf32, #tpu.memory_space<vmem_shared>>
    %dma_wait3A_380 = arith.constant 0 : i32
    %dma_wait3A_381 = tpu.memref_slice %arg11[%add3A_273, %dma_wait3A_380] : memref<10240x16xf32, #tpu.memory_space<vmem_shared>> -> memref<64x16xf32, #tpu.memory_space<vmem_shared>>
    tpu.wait_dma2 semaphore(%arg17 : memref<!tpu.dma_semaphore, #tpu.memory_space<semaphore_mem>>) src(%arg16 : memref<64x16xf32, #tpu.memory_space<vmem>>) dst(%dma_wait3A_381 : memref<64x16xf32, #tpu.memory_space<vmem_shared>>)
    %dma_wait3A_382 = arith.constant 0 : i32
    %dma_wait3A_383 = tpu.memref_slice %arg10[%add3A_279, %dma_wait3A_382] : memref<10240x128xf32, #tpu.memory_space<vmem_shared>> -> memref<64x128xf32, #tpu.memory_space<vmem_shared>>
    %dma_wait3A_384 = arith.constant 0 : i32
    %dma_wait3A_385 = tpu.memref_slice %arg10[%add3A_279, %dma_wait3A_384] : memref<10240x128xf32, #tpu.memory_space<vmem_shared>> -> memref<64x128xf32, #tpu.memory_space<vmem_shared>>
    tpu.wait_dma2 semaphore(%arg17 : memref<!tpu.dma_semaphore, #tpu.memory_space<semaphore_mem>>) src(%arg15 : memref<64x128xf32, #tpu.memory_space<vmem>>) dst(%dma_wait3A_385 : memref<64x128xf32, #tpu.memory_space<vmem_shared>>)
    %dma_wait3A_386 = arith.constant 0 : i32
    %dma_wait3A_387 = tpu.memref_slice %arg11[%add3A_285, %dma_wait3A_386] : memref<10240x16xf32, #tpu.memory_space<vmem_shared>> -> memref<64x16xf32, #tpu.memory_space<vmem_shared>>
    %dma_wait3A_388 = arith.constant 0 : i32
    %dma_wait3A_389 = tpu.memref_slice %arg11[%add3A_285, %dma_wait3A_388] : memref<10240x16xf32, #tpu.memory_space<vmem_shared>> -> memref<64x16xf32, #tpu.memory_space<vmem_shared>>
    tpu.wait_dma2 semaphore(%arg17 : memref<!tpu.dma_semaphore, #tpu.memory_space<semaphore_mem>>) src(%arg16 : memref<64x16xf32, #tpu.memory_space<vmem>>) dst(%dma_wait3A_389 : memref<64x16xf32, #tpu.memory_space<vmem_shared>>)
    %dma_wait3A_390 = arith.constant 0 : i32
    %dma_wait3A_391 = tpu.memref_slice %arg10[%add3A_291, %dma_wait3A_390] : memref<10240x128xf32, #tpu.memory_space<vmem_shared>> -> memref<64x128xf32, #tpu.memory_space<vmem_shared>>
    %dma_wait3A_392 = arith.constant 0 : i32
    %dma_wait3A_393 = tpu.memref_slice %arg10[%add3A_291, %dma_wait3A_392] : memref<10240x128xf32, #tpu.memory_space<vmem_shared>> -> memref<64x128xf32, #tpu.memory_space<vmem_shared>>
    tpu.wait_dma2 semaphore(%arg17 : memref<!tpu.dma_semaphore, #tpu.memory_space<semaphore_mem>>) src(%arg15 : memref<64x128xf32, #tpu.memory_space<vmem>>) dst(%dma_wait3A_393 : memref<64x128xf32, #tpu.memory_space<vmem_shared>>)
    %dma_wait3A_394 = arith.constant 0 : i32
    %dma_wait3A_395 = tpu.memref_slice %arg11[%add3A_297, %dma_wait3A_394] : memref<10240x16xf32, #tpu.memory_space<vmem_shared>> -> memref<64x16xf32, #tpu.memory_space<vmem_shared>>
    %dma_wait3A_396 = arith.constant 0 : i32
    %dma_wait3A_397 = tpu.memref_slice %arg11[%add3A_297, %dma_wait3A_396] : memref<10240x16xf32, #tpu.memory_space<vmem_shared>> -> memref<64x16xf32, #tpu.memory_space<vmem_shared>>
    tpu.wait_dma2 semaphore(%arg17 : memref<!tpu.dma_semaphore, #tpu.memory_space<semaphore_mem>>) src(%arg16 : memref<64x16xf32, #tpu.memory_space<vmem>>) dst(%dma_wait3A_397 : memref<64x16xf32, #tpu.memory_space<vmem_shared>>)
    %dma_wait3A_398 = arith.constant 0 : i32
    %dma_wait3A_399 = tpu.memref_slice %arg10[%add3A_303, %dma_wait3A_398] : memref<10240x128xf32, #tpu.memory_space<vmem_shared>> -> memref<64x128xf32, #tpu.memory_space<vmem_shared>>
    %dma_wait3A_400 = arith.constant 0 : i32
    %dma_wait3A_401 = tpu.memref_slice %arg10[%add3A_303, %dma_wait3A_400] : memref<10240x128xf32, #tpu.memory_space<vmem_shared>> -> memref<64x128xf32, #tpu.memory_space<vmem_shared>>
    tpu.wait_dma2 semaphore(%arg17 : memref<!tpu.dma_semaphore, #tpu.memory_space<semaphore_mem>>) src(%arg15 : memref<64x128xf32, #tpu.memory_space<vmem>>) dst(%dma_wait3A_401 : memref<64x128xf32, #tpu.memory_space<vmem_shared>>)
    %dma_wait3A_402 = arith.constant 0 : i32
    %dma_wait3A_403 = tpu.memref_slice %arg11[%add3A_309, %dma_wait3A_402] : memref<10240x16xf32, #tpu.memory_space<vmem_shared>> -> memref<64x16xf32, #tpu.memory_space<vmem_shared>>
    %dma_wait3A_404 = arith.constant 0 : i32
    %dma_wait3A_405 = tpu.memref_slice %arg11[%add3A_309, %dma_wait3A_404] : memref<10240x16xf32, #tpu.memory_space<vmem_shared>> -> memref<64x16xf32, #tpu.memory_space<vmem_shared>>
    tpu.wait_dma2 semaphore(%arg17 : memref<!tpu.dma_semaphore, #tpu.memory_space<semaphore_mem>>) src(%arg16 : memref<64x16xf32, #tpu.memory_space<vmem>>) dst(%dma_wait3A_405 : memref<64x16xf32, #tpu.memory_space<vmem_shared>>)
    %dma_wait3A_406 = arith.constant 0 : i32
    %dma_wait3A_407 = tpu.memref_slice %arg10[%add3A_315, %dma_wait3A_406] : memref<10240x128xf32, #tpu.memory_space<vmem_shared>> -> memref<64x128xf32, #tpu.memory_space<vmem_shared>>
    %dma_wait3A_408 = arith.constant 0 : i32
    %dma_wait3A_409 = tpu.memref_slice %arg10[%add3A_315, %dma_wait3A_408] : memref<10240x128xf32, #tpu.memory_space<vmem_shared>> -> memref<64x128xf32, #tpu.memory_space<vmem_shared>>
    tpu.wait_dma2 semaphore(%arg17 : memref<!tpu.dma_semaphore, #tpu.memory_space<semaphore_mem>>) src(%arg15 : memref<64x128xf32, #tpu.memory_space<vmem>>) dst(%dma_wait3A_409 : memref<64x128xf32, #tpu.memory_space<vmem_shared>>)
    %dma_wait3A_410 = arith.constant 0 : i32
    %dma_wait3A_411 = tpu.memref_slice %arg11[%add3A_321, %dma_wait3A_410] : memref<10240x16xf32, #tpu.memory_space<vmem_shared>> -> memref<64x16xf32, #tpu.memory_space<vmem_shared>>
    %dma_wait3A_412 = arith.constant 0 : i32
    %dma_wait3A_413 = tpu.memref_slice %arg11[%add3A_321, %dma_wait3A_412] : memref<10240x16xf32, #tpu.memory_space<vmem_shared>> -> memref<64x16xf32, #tpu.memory_space<vmem_shared>>
    tpu.wait_dma2 semaphore(%arg17 : memref<!tpu.dma_semaphore, #tpu.memory_space<semaphore_mem>>) src(%arg16 : memref<64x16xf32, #tpu.memory_space<vmem>>) dst(%dma_wait3A_413 : memref<64x16xf32, #tpu.memory_space<vmem_shared>>)
    %dma_wait3A_414 = arith.constant 0 : i32
    %dma_wait3A_415 = tpu.memref_slice %arg10[%add3A_327, %dma_wait3A_414] : memref<10240x128xf32, #tpu.memory_space<vmem_shared>> -> memref<64x128xf32, #tpu.memory_space<vmem_shared>>
    %dma_wait3A_416 = arith.constant 0 : i32
    %dma_wait3A_417 = tpu.memref_slice %arg10[%add3A_327, %dma_wait3A_416] : memref<10240x128xf32, #tpu.memory_space<vmem_shared>> -> memref<64x128xf32, #tpu.memory_space<vmem_shared>>
    tpu.wait_dma2 semaphore(%arg17 : memref<!tpu.dma_semaphore, #tpu.memory_space<semaphore_mem>>) src(%arg15 : memref<64x128xf32, #tpu.memory_space<vmem>>) dst(%dma_wait3A_417 : memref<64x128xf32, #tpu.memory_space<vmem_shared>>)
    %dma_wait3A_418 = arith.constant 0 : i32
    %dma_wait3A_419 = tpu.memref_slice %arg11[%add3A_333, %dma_wait3A_418] : memref<10240x16xf32, #tpu.memory_space<vmem_shared>> -> memref<64x16xf32, #tpu.memory_space<vmem_shared>>
    %dma_wait3A_420 = arith.constant 0 : i32
    %dma_wait3A_421 = tpu.memref_slice %arg11[%add3A_333, %dma_wait3A_420] : memref<10240x16xf32, #tpu.memory_space<vmem_shared>> -> memref<64x16xf32, #tpu.memory_space<vmem_shared>>
    tpu.wait_dma2 semaphore(%arg17 : memref<!tpu.dma_semaphore, #tpu.memory_space<semaphore_mem>>) src(%arg16 : memref<64x16xf32, #tpu.memory_space<vmem>>) dst(%dma_wait3A_421 : memref<64x16xf32, #tpu.memory_space<vmem_shared>>)
    %dma_wait3A_422 = arith.constant 0 : i32
    %dma_wait3A_423 = tpu.memref_slice %arg10[%add3A_339, %dma_wait3A_422] : memref<10240x128xf32, #tpu.memory_space<vmem_shared>> -> memref<64x128xf32, #tpu.memory_space<vmem_shared>>
    %dma_wait3A_424 = arith.constant 0 : i32
    %dma_wait3A_425 = tpu.memref_slice %arg10[%add3A_339, %dma_wait3A_424] : memref<10240x128xf32, #tpu.memory_space<vmem_shared>> -> memref<64x128xf32, #tpu.memory_space<vmem_shared>>
    tpu.wait_dma2 semaphore(%arg17 : memref<!tpu.dma_semaphore, #tpu.memory_space<semaphore_mem>>) src(%arg15 : memref<64x128xf32, #tpu.memory_space<vmem>>) dst(%dma_wait3A_425 : memref<64x128xf32, #tpu.memory_space<vmem_shared>>)
    %dma_wait3A_426 = arith.constant 0 : i32
    %dma_wait3A_427 = tpu.memref_slice %arg11[%add3A_345, %dma_wait3A_426] : memref<10240x16xf32, #tpu.memory_space<vmem_shared>> -> memref<64x16xf32, #tpu.memory_space<vmem_shared>>
    %dma_wait3A_428 = arith.constant 0 : i32
    %dma_wait3A_429 = tpu.memref_slice %arg11[%add3A_345, %dma_wait3A_428] : memref<10240x16xf32, #tpu.memory_space<vmem_shared>> -> memref<64x16xf32, #tpu.memory_space<vmem_shared>>
    tpu.wait_dma2 semaphore(%arg17 : memref<!tpu.dma_semaphore, #tpu.memory_space<semaphore_mem>>) src(%arg16 : memref<64x16xf32, #tpu.memory_space<vmem>>) dst(%dma_wait3A_429 : memref<64x16xf32, #tpu.memory_space<vmem_shared>>)
    %barrier3A_430 = arith.constant 0 : index
    tpu.barrier barrier_id(%barrier3A_430)
    %mul3A_431 = arith.constant 2000 : i32
    %mul3A_432 = arith.muli %arg0, %mul3A_431 : i32
    %mul3A_433 = arith.constant 125 : i32
    %mul3A_434 = arith.muli %arg1, %mul3A_433 : i32
    %add3A_435 = arith.addi %mul3A_432, %mul3A_434 : i32
    %scan3A_436 = arith.constant 0 : i32
    %scan3A_437 = arith.constant 0 : i32
    %scan3A_438 = arith.constant 5 : i32
    %scan3A_439 = arith.addi %scan3A_437, %scan3A_438 : i32
    %scan3A_440 = arith.constant 1 : i32
    scf.for %scan3A_443 = %scan3A_437 to %scan3A_439 step %scan3A_440  : i32 {
      %mul3A_444 = arith.constant 25 : i32
      %mul3A_445 = arith.muli %scan3A_443, %mul3A_444 : i32
      %add3A_446 = arith.addi %add3A_435, %mul3A_445 : i32
      "tpu.region"() ({
        %run_scoped3A = tpu.sem_alloc : memref<!tpu.dma_semaphore, #tpu.memory_space<semaphore_mem>>
        %dma_start3A_542 = arith.constant 0 : i32
        %dma_start3A_543 = arith.constant 0 : i32
        %dma_start3A_544 = tpu.memref_slice %arg5[%dma_start3A_542, %add3A_446, %dma_start3A_543] : memref<2x4000x80xi32, #tpu.memory_space<hbm>> -> memref<2x25x80xi32, #tpu.memory_space<hbm>>
        %dma_start3A_545 = arith.constant 0 : i32
        %dma_start3A_546 = arith.constant 0 : i32
        %dma_start3A_547 = tpu.memref_slice %arg5[%dma_start3A_545, %add3A_446, %dma_start3A_546] : memref<2x4000x80xi32, #tpu.memory_space<hbm>> -> memref<2x25x80xi32, #tpu.memory_space<hbm>>
        tpu.enqueue_dma source(%dma_start3A_547 : memref<2x25x80xi32, #tpu.memory_space<hbm>>) target(%arg12 : memref<2x25x80xi32, #tpu.memory_space<vmem>>) target_semaphore(%run_scoped3A : memref<!tpu.dma_semaphore, #tpu.memory_space<semaphore_mem>>)
        %dma_wait3A_548 = arith.constant 0 : i32
        %dma_wait3A_549 = arith.constant 0 : i32
        %dma_wait3A_550 = tpu.memref_slice %arg5[%dma_wait3A_548, %add3A_446, %dma_wait3A_549] : memref<2x4000x80xi32, #tpu.memory_space<hbm>> -> memref<2x25x80xi32, #tpu.memory_space<hbm>>
        %dma_wait3A_551 = arith.constant 0 : i32
        %dma_wait3A_552 = arith.constant 0 : i32
        %dma_wait3A_553 = tpu.memref_slice %arg5[%dma_wait3A_551, %add3A_446, %dma_wait3A_552] : memref<2x4000x80xi32, #tpu.memory_space<hbm>> -> memref<2x25x80xi32, #tpu.memory_space<hbm>>
        tpu.wait_dma2 semaphore(%run_scoped3A : memref<!tpu.dma_semaphore, #tpu.memory_space<semaphore_mem>>) src(%dma_wait3A_553 : memref<2x25x80xi32, #tpu.memory_space<hbm>>) dst(%arg12 : memref<2x25x80xi32, #tpu.memory_space<vmem>>)
        tpu.yield
      }) : () -> ()
      %dma_start3A_447 = arith.constant 0 : i32
      %dma_start3A_448 = arith.constant 0 : i32
      %dma_start3A_449 = arith.constant 0 : i32
      %dma_start3A_450 = arith.constant 0 : i32
      %dma_start3A_451 = arith.constant 0 : i32
      %dma_start3A_452 = tpu.memref_slice %arg13[%dma_start3A_449, %dma_start3A_450, %dma_start3A_451] : memref<2x80x128xf32, #tpu.memory_space<vmem>> -> memref<1x80x128xf32, #tpu.memory_space<vmem>>
      %dma_start3A_453 = tpu.memref_squeeze %dma_start3A_452 : memref<1x80x128xf32, #tpu.memory_space<vmem>> -> memref<80x128xf32, #tpu.memory_space<vmem>>
      %dma_start3A_454 = arith.constant 0 : i32
      %dma_start3A_455 = tpu.memref_slice %arg12[%dma_start3A_447, %dma_start3A_448, %dma_start3A_454] : memref<2x25x80xi32, #tpu.memory_space<vmem>> -> memref<1x1x80xi32, #tpu.memory_space<vmem>>
      %dma_start3A_456 = tpu.memref_squeeze %dma_start3A_455 : memref<1x1x80xi32, #tpu.memory_space<vmem>> -> memref<80xi32, #tpu.memory_space<vmem>>
      %dma_start3A_457 = arith.constant 0 : i32
      %dma_start3A_458 = arith.constant 0 : i32
      %dma_start3A_459 = tpu.memref_slice %arg3[%dma_start3A_457, %dma_start3A_458] : memref<10000x128xf32, #tpu.memory_space<hbm>> -> memref<10000x128xf32, #tpu.memory_space<hbm>>
      tpu.enqueue_indirect_dma source(%dma_start3A_459 : memref<10000x128xf32, #tpu.memory_space<hbm>>) target(%dma_start3A_453 : memref<80x128xf32, #tpu.memory_space<vmem>>) offsets(%dma_start3A_456 : memref<80xi32, #tpu.memory_space<vmem>>) semaphore(%arg17 : memref<!tpu.dma_semaphore, #tpu.memory_space<semaphore_mem>>)
      %scan3A_460 = arith.constant 0 : i32
      %scan3A_461 = arith.constant 0 : i32
      %scan3A_462 = arith.constant 12 : i32
      %scan3A_463 = arith.addi %scan3A_461, %scan3A_462 : i32
      %scan3A_464 = arith.constant 1 : i32
      scf.for %scan3A_542 = %scan3A_461 to %scan3A_463 step %scan3A_464  : i32 {
        %mul3A_543 = arith.constant 2 : i32
        %mul3A_544 = arith.muli %mul3A_543, %scan3A_542 : i32
        %mul3A_545 = arith.constant 2 : i32
        %mul3A_546 = arith.muli %mul3A_545, %scan3A_542 : i32
        %add3A_547 = arith.constant 1 : i32
        %add3A_548 = arith.addi %mul3A_546, %add3A_547 : i32
        %ge3A = arith.constant 1 : i32
        %ge3A_549 = arith.cmpi sge, %scan3A_542, %ge3A : i32
        %convert_element_type3A = arith.extui %ge3A_549 : i1 to i32
        %cond3A = arith.constant 0 : i32
        %cond3A_550 = arith.cmpi ne, %convert_element_type3A, %cond3A : i32
        scf.if %cond3A_550 {
          %sub3A = arith.constant 1 : i32
          %sub3A_658 = arith.subi %mul3A_544, %sub3A : i32
          %dma_wait3A_659 = arith.constant 1 : i32
          %dma_wait3A_660 = arith.constant 1 : i32
          %dma_wait3A_661 = arith.constant 0 : i32
          %dma_wait3A_662 = arith.constant 0 : i32
          %dma_wait3A_663 = tpu.memref_slice %arg13[%dma_wait3A_659, %dma_wait3A_661, %dma_wait3A_662] : memref<2x80x128xf32, #tpu.memory_space<vmem>> -> memref<1x80x128xf32, #tpu.memory_space<vmem>>
          %dma_wait3A_664 = tpu.memref_squeeze %dma_wait3A_663 : memref<1x80x128xf32, #tpu.memory_space<vmem>> -> memref<80x128xf32, #tpu.memory_space<vmem>>
          %dma_wait3A_665 = arith.constant 0 : i32
          %dma_wait3A_666 = tpu.memref_slice %arg12[%dma_wait3A_660, %sub3A_658, %dma_wait3A_665] : memref<2x25x80xi32, #tpu.memory_space<vmem>> -> memref<1x1x80xi32, #tpu.memory_space<vmem>>
          %dma_wait3A_667 = tpu.memref_squeeze %dma_wait3A_666 : memref<1x1x80xi32, #tpu.memory_space<vmem>> -> memref<80xi32, #tpu.memory_space<vmem>>
          %dma_wait3A_668 = arith.constant 0 : i32
          %dma_wait3A_669 = arith.constant 0 : i32
          %dma_wait3A_670 = tpu.memref_slice %arg10[%dma_wait3A_668, %dma_wait3A_669] : memref<10240x128xf32, #tpu.memory_space<vmem_shared>> -> memref<10240x128xf32, #tpu.memory_space<vmem_shared>>
          tpu.wait_indirect_dma semaphore(%arg19 : memref<!tpu.dma_semaphore, #tpu.memory_space<semaphore_mem>>) src(%dma_wait3A_664 : memref<80x128xf32, #tpu.memory_space<vmem>>) dst(%dma_wait3A_670 : memref<10240x128xf32, #tpu.memory_space<vmem_shared>>)
          %dma_wait3A_671 = arith.constant 1 : i32
          %dma_wait3A_672 = arith.constant 0 : i32
          %dma_wait3A_673 = tpu.memref_slice %arg12[%dma_wait3A_671, %sub3A_658, %dma_wait3A_672] : memref<2x25x80xi32, #tpu.memory_space<vmem>> -> memref<1x1x80xi32, #tpu.memory_space<vmem>>
          %dma_wait3A_674 = tpu.memref_squeeze %dma_wait3A_673 : memref<1x1x80xi32, #tpu.memory_space<vmem>> -> memref<80xi32, #tpu.memory_space<vmem>>
          %dma_wait3A_675 = arith.constant 0 : i32
          %dma_wait3A_676 = arith.constant 0 : i32
          %dma_wait3A_677 = tpu.memref_slice %arg11[%dma_wait3A_675, %dma_wait3A_676] : memref<10240x16xf32, #tpu.memory_space<vmem_shared>> -> memref<10240x16xf32, #tpu.memory_space<vmem_shared>>
          tpu.wait_indirect_dma semaphore(%arg19 : memref<!tpu.dma_semaphore, #tpu.memory_space<semaphore_mem>>) src(%arg14 : memref<80x16xf32, #tpu.memory_space<vmem>>) dst(%dma_wait3A_677 : memref<10240x16xf32, #tpu.memory_space<vmem_shared>>)
        } else {
        }
        %dma_start3A_551 = arith.constant 0 : i32
        %dma_start3A_552 = arith.constant 1 : i32
        %dma_start3A_553 = arith.constant 0 : i32
        %dma_start3A_554 = arith.constant 0 : i32
        %dma_start3A_555 = tpu.memref_slice %arg13[%dma_start3A_552, %dma_start3A_553, %dma_start3A_554] : memref<2x80x128xf32, #tpu.memory_space<vmem>> -> memref<1x80x128xf32, #tpu.memory_space<vmem>>
        %dma_start3A_556 = tpu.memref_squeeze %dma_start3A_555 : memref<1x80x128xf32, #tpu.memory_space<vmem>> -> memref<80x128xf32, #tpu.memory_space<vmem>>
        %dma_start3A_557 = arith.constant 0 : i32
        %dma_start3A_558 = tpu.memref_slice %arg12[%dma_start3A_551, %add3A_548, %dma_start3A_557] : memref<2x25x80xi32, #tpu.memory_space<vmem>> -> memref<1x1x80xi32, #tpu.memory_space<vmem>>
        %dma_start3A_559 = tpu.memref_squeeze %dma_start3A_558 : memref<1x1x80xi32, #tpu.memory_space<vmem>> -> memref<80xi32, #tpu.memory_space<vmem>>
        %dma_start3A_560 = arith.constant 0 : i32
        %dma_start3A_561 = arith.constant 0 : i32
        %dma_start3A_562 = tpu.memref_slice %arg3[%dma_start3A_560, %dma_start3A_561] : memref<10000x128xf32, #tpu.memory_space<hbm>> -> memref<10000x128xf32, #tpu.memory_space<hbm>>
        tpu.enqueue_indirect_dma source(%dma_start3A_562 : memref<10000x128xf32, #tpu.memory_space<hbm>>) target(%dma_start3A_556 : memref<80x128xf32, #tpu.memory_space<vmem>>) offsets(%dma_start3A_559 : memref<80xi32, #tpu.memory_space<vmem>>) semaphore(%arg18 : memref<!tpu.dma_semaphore, #tpu.memory_space<semaphore_mem>>)
        %dma_wait3A_563 = arith.constant 0 : i32
        %dma_wait3A_564 = arith.constant 0 : i32
        %dma_wait3A_565 = arith.constant 0 : i32
        %dma_wait3A_566 = arith.constant 0 : i32
        %dma_wait3A_567 = tpu.memref_slice %arg13[%dma_wait3A_564, %dma_wait3A_565, %dma_wait3A_566] : memref<2x80x128xf32, #tpu.memory_space<vmem>> -> memref<1x80x128xf32, #tpu.memory_space<vmem>>
        %dma_wait3A_568 = tpu.memref_squeeze %dma_wait3A_567 : memref<1x80x128xf32, #tpu.memory_space<vmem>> -> memref<80x128xf32, #tpu.memory_space<vmem>>
        %dma_wait3A_569 = arith.constant 0 : i32
        %dma_wait3A_570 = tpu.memref_slice %arg12[%dma_wait3A_563, %mul3A_544, %dma_wait3A_569] : memref<2x25x80xi32, #tpu.memory_space<vmem>> -> memref<1x1x80xi32, #tpu.memory_space<vmem>>
        %dma_wait3A_571 = tpu.memref_squeeze %dma_wait3A_570 : memref<1x1x80xi32, #tpu.memory_space<vmem>> -> memref<80xi32, #tpu.memory_space<vmem>>
        %dma_wait3A_572 = arith.constant 0 : i32
        %dma_wait3A_573 = arith.constant 0 : i32
        %dma_wait3A_574 = tpu.memref_slice %arg3[%dma_wait3A_572, %dma_wait3A_573] : memref<10000x128xf32, #tpu.memory_space<hbm>> -> memref<10000x128xf32, #tpu.memory_space<hbm>>
        tpu.wait_indirect_dma semaphore(%arg17 : memref<!tpu.dma_semaphore, #tpu.memory_space<semaphore_mem>>) src(%dma_wait3A_574 : memref<10000x128xf32, #tpu.memory_space<hbm>>) dst(%dma_wait3A_568 : memref<80x128xf32, #tpu.memory_space<vmem>>)
        %dma_start3A_575 = arith.constant 0 : i32
        %dma_start3A_576 = arith.constant 1 : i32
        %dma_start3A_577 = arith.constant 0 : i32
        %dma_start3A_578 = arith.constant 0 : i32
        %dma_start3A_579 = tpu.memref_slice %arg13[%dma_start3A_575, %dma_start3A_577, %dma_start3A_578] : memref<2x80x128xf32, #tpu.memory_space<vmem>> -> memref<1x80x128xf32, #tpu.memory_space<vmem>>
        %dma_start3A_580 = tpu.memref_squeeze %dma_start3A_579 : memref<1x80x128xf32, #tpu.memory_space<vmem>> -> memref<80x128xf32, #tpu.memory_space<vmem>>
        %dma_start3A_581 = arith.constant 0 : i32
        %dma_start3A_582 = tpu.memref_slice %arg12[%dma_start3A_576, %mul3A_544, %dma_start3A_581] : memref<2x25x80xi32, #tpu.memory_space<vmem>> -> memref<1x1x80xi32, #tpu.memory_space<vmem>>
        %dma_start3A_583 = tpu.memref_squeeze %dma_start3A_582 : memref<1x1x80xi32, #tpu.memory_space<vmem>> -> memref<80xi32, #tpu.memory_space<vmem>>
        %dma_start3A_584 = arith.constant 0 : i32
        %dma_start3A_585 = arith.constant 0 : i32
        %dma_start3A_586 = tpu.memref_slice %arg10[%dma_start3A_584, %dma_start3A_585] : memref<10240x128xf32, #tpu.memory_space<vmem_shared>> -> memref<10240x128xf32, #tpu.memory_space<vmem_shared>>
        tpu.enqueue_indirect_dma source(%dma_start3A_580 : memref<80x128xf32, #tpu.memory_space<vmem>>) target(%dma_start3A_586 : memref<10240x128xf32, #tpu.memory_space<vmem_shared>>) offsets(%dma_start3A_583 : memref<80xi32, #tpu.memory_space<vmem>>) semaphore(%arg19 : memref<!tpu.dma_semaphore, #tpu.memory_space<semaphore_mem>>) {add = true}
        %dma_start3A_587 = arith.constant 1 : i32
        %dma_start3A_588 = arith.constant 0 : i32
        %dma_start3A_589 = tpu.memref_slice %arg12[%dma_start3A_587, %mul3A_544, %dma_start3A_588] : memref<2x25x80xi32, #tpu.memory_space<vmem>> -> memref<1x1x80xi32, #tpu.memory_space<vmem>>
        %dma_start3A_590 = tpu.memref_squeeze %dma_start3A_589 : memref<1x1x80xi32, #tpu.memory_space<vmem>> -> memref<80xi32, #tpu.memory_space<vmem>>
        %dma_start3A_591 = arith.constant 0 : i32
        %dma_start3A_592 = arith.constant 0 : i32
        %dma_start3A_593 = tpu.memref_slice %arg11[%dma_start3A_591, %dma_start3A_592] : memref<10240x16xf32, #tpu.memory_space<vmem_shared>> -> memref<10240x16xf32, #tpu.memory_space<vmem_shared>>
        tpu.enqueue_indirect_dma source(%arg14 : memref<80x16xf32, #tpu.memory_space<vmem>>) target(%dma_start3A_593 : memref<10240x16xf32, #tpu.memory_space<vmem_shared>>) offsets(%dma_start3A_590 : memref<80xi32, #tpu.memory_space<vmem>>) semaphore(%arg19 : memref<!tpu.dma_semaphore, #tpu.memory_space<semaphore_mem>>) {add = true}
        %dma_wait3A_594 = arith.constant 0 : i32
        %dma_wait3A_595 = arith.constant 1 : i32
        %dma_wait3A_596 = arith.constant 0 : i32
        %dma_wait3A_597 = arith.constant 0 : i32
        %dma_wait3A_598 = tpu.memref_slice %arg13[%dma_wait3A_595, %dma_wait3A_596, %dma_wait3A_597] : memref<2x80x128xf32, #tpu.memory_space<vmem>> -> memref<1x80x128xf32, #tpu.memory_space<vmem>>
        %dma_wait3A_599 = tpu.memref_squeeze %dma_wait3A_598 : memref<1x80x128xf32, #tpu.memory_space<vmem>> -> memref<80x128xf32, #tpu.memory_space<vmem>>
        %dma_wait3A_600 = arith.constant 0 : i32
        %dma_wait3A_601 = tpu.memref_slice %arg12[%dma_wait3A_594, %add3A_548, %dma_wait3A_600] : memref<2x25x80xi32, #tpu.memory_space<vmem>> -> memref<1x1x80xi32, #tpu.memory_space<vmem>>
        %dma_wait3A_602 = tpu.memref_squeeze %dma_wait3A_601 : memref<1x1x80xi32, #tpu.memory_space<vmem>> -> memref<80xi32, #tpu.memory_space<vmem>>
        %dma_wait3A_603 = arith.constant 0 : i32
        %dma_wait3A_604 = arith.constant 0 : i32
        %dma_wait3A_605 = tpu.memref_slice %arg3[%dma_wait3A_603, %dma_wait3A_604] : memref<10000x128xf32, #tpu.memory_space<hbm>> -> memref<10000x128xf32, #tpu.memory_space<hbm>>
        tpu.wait_indirect_dma semaphore(%arg18 : memref<!tpu.dma_semaphore, #tpu.memory_space<semaphore_mem>>) src(%dma_wait3A_605 : memref<10000x128xf32, #tpu.memory_space<hbm>>) dst(%dma_wait3A_599 : memref<80x128xf32, #tpu.memory_space<vmem>>)
        %dma_wait3A_606 = arith.constant 0 : i32
        %dma_wait3A_607 = arith.constant 1 : i32
        %dma_wait3A_608 = arith.constant 0 : i32
        %dma_wait3A_609 = arith.constant 0 : i32
        %dma_wait3A_610 = tpu.memref_slice %arg13[%dma_wait3A_606, %dma_wait3A_608, %dma_wait3A_609] : memref<2x80x128xf32, #tpu.memory_space<vmem>> -> memref<1x80x128xf32, #tpu.memory_space<vmem>>
        %dma_wait3A_611 = tpu.memref_squeeze %dma_wait3A_610 : memref<1x80x128xf32, #tpu.memory_space<vmem>> -> memref<80x128xf32, #tpu.memory_space<vmem>>
        %dma_wait3A_612 = arith.constant 0 : i32
        %dma_wait3A_613 = tpu.memref_slice %arg12[%dma_wait3A_607, %mul3A_544, %dma_wait3A_612] : memref<2x25x80xi32, #tpu.memory_space<vmem>> -> memref<1x1x80xi32, #tpu.memory_space<vmem>>
        %dma_wait3A_614 = tpu.memref_squeeze %dma_wait3A_613 : memref<1x1x80xi32, #tpu.memory_space<vmem>> -> memref<80xi32, #tpu.memory_space<vmem>>
        %dma_wait3A_615 = arith.constant 0 : i32
        %dma_wait3A_616 = arith.constant 0 : i32
        %dma_wait3A_617 = tpu.memref_slice %arg10[%dma_wait3A_615, %dma_wait3A_616] : memref<10240x128xf32, #tpu.memory_space<vmem_shared>> -> memref<10240x128xf32, #tpu.memory_space<vmem_shared>>
        tpu.wait_indirect_dma semaphore(%arg19 : memref<!tpu.dma_semaphore, #tpu.memory_space<semaphore_mem>>) src(%dma_wait3A_611 : memref<80x128xf32, #tpu.memory_space<vmem>>) dst(%dma_wait3A_617 : memref<10240x128xf32, #tpu.memory_space<vmem_shared>>)
        %dma_wait3A_618 = arith.constant 1 : i32
        %dma_wait3A_619 = arith.constant 0 : i32
        %dma_wait3A_620 = tpu.memref_slice %arg12[%dma_wait3A_618, %mul3A_544, %dma_wait3A_619] : memref<2x25x80xi32, #tpu.memory_space<vmem>> -> memref<1x1x80xi32, #tpu.memory_space<vmem>>
        %dma_wait3A_621 = tpu.memref_squeeze %dma_wait3A_620 : memref<1x1x80xi32, #tpu.memory_space<vmem>> -> memref<80xi32, #tpu.memory_space<vmem>>
        %dma_wait3A_622 = arith.constant 0 : i32
        %dma_wait3A_623 = arith.constant 0 : i32
        %dma_wait3A_624 = tpu.memref_slice %arg11[%dma_wait3A_622, %dma_wait3A_623] : memref<10240x16xf32, #tpu.memory_space<vmem_shared>> -> memref<10240x16xf32, #tpu.memory_space<vmem_shared>>
        tpu.wait_indirect_dma semaphore(%arg19 : memref<!tpu.dma_semaphore, #tpu.memory_space<semaphore_mem>>) src(%arg14 : memref<80x16xf32, #tpu.memory_space<vmem>>) dst(%dma_wait3A_624 : memref<10240x16xf32, #tpu.memory_space<vmem_shared>>)
        %add3A_625 = arith.constant 2 : i32
        %add3A_626 = arith.addi %mul3A_544, %add3A_625 : i32
        %dma_start3A_627 = arith.constant 0 : i32
        %dma_start3A_628 = arith.constant 0 : i32
        %dma_start3A_629 = arith.constant 0 : i32
        %dma_start3A_630 = arith.constant 0 : i32
        %dma_start3A_631 = tpu.memref_slice %arg13[%dma_start3A_628, %dma_start3A_629, %dma_start3A_630] : memref<2x80x128xf32, #tpu.memory_space<vmem>> -> memref<1x80x128xf32, #tpu.memory_space<vmem>>
        %dma_start3A_632 = tpu.memref_squeeze %dma_start3A_631 : memref<1x80x128xf32, #tpu.memory_space<vmem>> -> memref<80x128xf32, #tpu.memory_space<vmem>>
        %dma_start3A_633 = arith.constant 0 : i32
        %dma_start3A_634 = tpu.memref_slice %arg12[%dma_start3A_627, %add3A_626, %dma_start3A_633] : memref<2x25x80xi32, #tpu.memory_space<vmem>> -> memref<1x1x80xi32, #tpu.memory_space<vmem>>
        %dma_start3A_635 = tpu.memref_squeeze %dma_start3A_634 : memref<1x1x80xi32, #tpu.memory_space<vmem>> -> memref<80xi32, #tpu.memory_space<vmem>>
        %dma_start3A_636 = arith.constant 0 : i32
        %dma_start3A_637 = arith.constant 0 : i32
        %dma_start3A_638 = tpu.memref_slice %arg3[%dma_start3A_636, %dma_start3A_637] : memref<10000x128xf32, #tpu.memory_space<hbm>> -> memref<10000x128xf32, #tpu.memory_space<hbm>>
        tpu.enqueue_indirect_dma source(%dma_start3A_638 : memref<10000x128xf32, #tpu.memory_space<hbm>>) target(%dma_start3A_632 : memref<80x128xf32, #tpu.memory_space<vmem>>) offsets(%dma_start3A_635 : memref<80xi32, #tpu.memory_space<vmem>>) semaphore(%arg17 : memref<!tpu.dma_semaphore, #tpu.memory_space<semaphore_mem>>)
        %dma_start3A_639 = arith.constant 1 : i32
        %dma_start3A_640 = arith.constant 1 : i32
        %dma_start3A_641 = arith.constant 0 : i32
        %dma_start3A_642 = arith.constant 0 : i32
        %dma_start3A_643 = tpu.memref_slice %arg13[%dma_start3A_639, %dma_start3A_641, %dma_start3A_642] : memref<2x80x128xf32, #tpu.memory_space<vmem>> -> memref<1x80x128xf32, #tpu.memory_space<vmem>>
        %dma_start3A_644 = tpu.memref_squeeze %dma_start3A_643 : memref<1x80x128xf32, #tpu.memory_space<vmem>> -> memref<80x128xf32, #tpu.memory_space<vmem>>
        %dma_start3A_645 = arith.constant 0 : i32
        %dma_start3A_646 = tpu.memref_slice %arg12[%dma_start3A_640, %add3A_548, %dma_start3A_645] : memref<2x25x80xi32, #tpu.memory_space<vmem>> -> memref<1x1x80xi32, #tpu.memory_space<vmem>>
        %dma_start3A_647 = tpu.memref_squeeze %dma_start3A_646 : memref<1x1x80xi32, #tpu.memory_space<vmem>> -> memref<80xi32, #tpu.memory_space<vmem>>
        %dma_start3A_648 = arith.constant 0 : i32
        %dma_start3A_649 = arith.constant 0 : i32
        %dma_start3A_650 = tpu.memref_slice %arg10[%dma_start3A_648, %dma_start3A_649] : memref<10240x128xf32, #tpu.memory_space<vmem_shared>> -> memref<10240x128xf32, #tpu.memory_space<vmem_shared>>
        tpu.enqueue_indirect_dma source(%dma_start3A_644 : memref<80x128xf32, #tpu.memory_space<vmem>>) target(%dma_start3A_650 : memref<10240x128xf32, #tpu.memory_space<vmem_shared>>) offsets(%dma_start3A_647 : memref<80xi32, #tpu.memory_space<vmem>>) semaphore(%arg19 : memref<!tpu.dma_semaphore, #tpu.memory_space<semaphore_mem>>) {add = true}
        %dma_start3A_651 = arith.constant 1 : i32
        %dma_start3A_652 = arith.constant 0 : i32
        %dma_start3A_653 = tpu.memref_slice %arg12[%dma_start3A_651, %add3A_548, %dma_start3A_652] : memref<2x25x80xi32, #tpu.memory_space<vmem>> -> memref<1x1x80xi32, #tpu.memory_space<vmem>>
        %dma_start3A_654 = tpu.memref_squeeze %dma_start3A_653 : memref<1x1x80xi32, #tpu.memory_space<vmem>> -> memref<80xi32, #tpu.memory_space<vmem>>
        %dma_start3A_655 = arith.constant 0 : i32
        %dma_start3A_656 = arith.constant 0 : i32
        %dma_start3A_657 = tpu.memref_slice %arg11[%dma_start3A_655, %dma_start3A_656] : memref<10240x16xf32, #tpu.memory_space<vmem_shared>> -> memref<10240x16xf32, #tpu.memory_space<vmem_shared>>
        tpu.enqueue_indirect_dma source(%arg14 : memref<80x16xf32, #tpu.memory_space<vmem>>) target(%dma_start3A_657 : memref<10240x16xf32, #tpu.memory_space<vmem_shared>>) offsets(%dma_start3A_654 : memref<80xi32, #tpu.memory_space<vmem>>) semaphore(%arg19 : memref<!tpu.dma_semaphore, #tpu.memory_space<semaphore_mem>>) {add = true}
      }
      %scan3A_465 = arith.constant 12 : i32
      %dma_wait3A_466 = arith.constant 1 : i32
      %dma_wait3A_467 = arith.constant 1 : i32
      %dma_wait3A_468 = arith.constant 23 : i32
      %dma_wait3A_469 = arith.constant 0 : i32
      %dma_wait3A_470 = arith.constant 0 : i32
      %dma_wait3A_471 = tpu.memref_slice %arg13[%dma_wait3A_466, %dma_wait3A_469, %dma_wait3A_470] : memref<2x80x128xf32, #tpu.memory_space<vmem>> -> memref<1x80x128xf32, #tpu.memory_space<vmem>>
      %dma_wait3A_472 = tpu.memref_squeeze %dma_wait3A_471 : memref<1x80x128xf32, #tpu.memory_space<vmem>> -> memref<80x128xf32, #tpu.memory_space<vmem>>
      %dma_wait3A_473 = arith.constant 0 : i32
      %dma_wait3A_474 = tpu.memref_slice %arg12[%dma_wait3A_467, %dma_wait3A_468, %dma_wait3A_473] : memref<2x25x80xi32, #tpu.memory_space<vmem>> -> memref<1x1x80xi32, #tpu.memory_space<vmem>>
      %dma_wait3A_475 = tpu.memref_squeeze %dma_wait3A_474 : memref<1x1x80xi32, #tpu.memory_space<vmem>> -> memref<80xi32, #tpu.memory_space<vmem>>
      %dma_wait3A_476 = arith.constant 0 : i32
      %dma_wait3A_477 = arith.constant 0 : i32
      %dma_wait3A_478 = tpu.memref_slice %arg10[%dma_wait3A_476, %dma_wait3A_477] : memref<10240x128xf32, #tpu.memory_space<vmem_shared>> -> memref<10240x128xf32, #tpu.memory_space<vmem_shared>>
      tpu.wait_indirect_dma semaphore(%arg19 : memref<!tpu.dma_semaphore, #tpu.memory_space<semaphore_mem>>) src(%dma_wait3A_472 : memref<80x128xf32, #tpu.memory_space<vmem>>) dst(%dma_wait3A_478 : memref<10240x128xf32, #tpu.memory_space<vmem_shared>>)
      %dma_wait3A_479 = arith.constant 1 : i32
      %dma_wait3A_480 = arith.constant 23 : i32
      %dma_wait3A_481 = arith.constant 0 : i32
      %dma_wait3A_482 = tpu.memref_slice %arg12[%dma_wait3A_479, %dma_wait3A_480, %dma_wait3A_481] : memref<2x25x80xi32, #tpu.memory_space<vmem>> -> memref<1x1x80xi32, #tpu.memory_space<vmem>>
      %dma_wait3A_483 = tpu.memref_squeeze %dma_wait3A_482 : memref<1x1x80xi32, #tpu.memory_space<vmem>> -> memref<80xi32, #tpu.memory_space<vmem>>
      %dma_wait3A_484 = arith.constant 0 : i32
      %dma_wait3A_485 = arith.constant 0 : i32
      %dma_wait3A_486 = tpu.memref_slice %arg11[%dma_wait3A_484, %dma_wait3A_485] : memref<10240x16xf32, #tpu.memory_space<vmem_shared>> -> memref<10240x16xf32, #tpu.memory_space<vmem_shared>>
      tpu.wait_indirect_dma semaphore(%arg19 : memref<!tpu.dma_semaphore, #tpu.memory_space<semaphore_mem>>) src(%arg14 : memref<80x16xf32, #tpu.memory_space<vmem>>) dst(%dma_wait3A_486 : memref<10240x16xf32, #tpu.memory_space<vmem_shared>>)
      %dma_wait3A_487 = arith.constant 0 : i32
      %dma_wait3A_488 = arith.constant 24 : i32
      %dma_wait3A_489 = arith.constant 0 : i32
      %dma_wait3A_490 = arith.constant 0 : i32
      %dma_wait3A_491 = arith.constant 0 : i32
      %dma_wait3A_492 = tpu.memref_slice %arg13[%dma_wait3A_489, %dma_wait3A_490, %dma_wait3A_491] : memref<2x80x128xf32, #tpu.memory_space<vmem>> -> memref<1x80x128xf32, #tpu.memory_space<vmem>>
      %dma_wait3A_493 = tpu.memref_squeeze %dma_wait3A_492 : memref<1x80x128xf32, #tpu.memory_space<vmem>> -> memref<80x128xf32, #tpu.memory_space<vmem>>
      %dma_wait3A_494 = arith.constant 0 : i32
      %dma_wait3A_495 = tpu.memref_slice %arg12[%dma_wait3A_487, %dma_wait3A_488, %dma_wait3A_494] : memref<2x25x80xi32, #tpu.memory_space<vmem>> -> memref<1x1x80xi32, #tpu.memory_space<vmem>>
      %dma_wait3A_496 = tpu.memref_squeeze %dma_wait3A_495 : memref<1x1x80xi32, #tpu.memory_space<vmem>> -> memref<80xi32, #tpu.memory_space<vmem>>
      %dma_wait3A_497 = arith.constant 0 : i32
      %dma_wait3A_498 = arith.constant 0 : i32
      %dma_wait3A_499 = tpu.memref_slice %arg3[%dma_wait3A_497, %dma_wait3A_498] : memref<10000x128xf32, #tpu.memory_space<hbm>> -> memref<10000x128xf32, #tpu.memory_space<hbm>>
      tpu.wait_indirect_dma semaphore(%arg17 : memref<!tpu.dma_semaphore, #tpu.memory_space<semaphore_mem>>) src(%dma_wait3A_499 : memref<10000x128xf32, #tpu.memory_space<hbm>>) dst(%dma_wait3A_493 : memref<80x128xf32, #tpu.memory_space<vmem>>)
      %dma_start3A_500 = arith.constant 0 : i32
      %dma_start3A_501 = arith.constant 1 : i32
      %dma_start3A_502 = arith.constant 24 : i32
      %dma_start3A_503 = arith.constant 0 : i32
      %dma_start3A_504 = arith.constant 0 : i32
      %dma_start3A_505 = tpu.memref_slice %arg13[%dma_start3A_500, %dma_start3A_503, %dma_start3A_504] : memref<2x80x128xf32, #tpu.memory_space<vmem>> -> memref<1x80x128xf32, #tpu.memory_space<vmem>>
      %dma_start3A_506 = tpu.memref_squeeze %dma_start3A_505 : memref<1x80x128xf32, #tpu.memory_space<vmem>> -> memref<80x128xf32, #tpu.memory_space<vmem>>
      %dma_start3A_507 = arith.constant 0 : i32
      %dma_start3A_508 = tpu.memref_slice %arg12[%dma_start3A_501, %dma_start3A_502, %dma_start3A_507] : memref<2x25x80xi32, #tpu.memory_space<vmem>> -> memref<1x1x80xi32, #tpu.memory_space<vmem>>
      %dma_start3A_509 = tpu.memref_squeeze %dma_start3A_508 : memref<1x1x80xi32, #tpu.memory_space<vmem>> -> memref<80xi32, #tpu.memory_space<vmem>>
      %dma_start3A_510 = arith.constant 0 : i32
      %dma_start3A_511 = arith.constant 0 : i32
      %dma_start3A_512 = tpu.memref_slice %arg10[%dma_start3A_510, %dma_start3A_511] : memref<10240x128xf32, #tpu.memory_space<vmem_shared>> -> memref<10240x128xf32, #tpu.memory_space<vmem_shared>>
      tpu.enqueue_indirect_dma source(%dma_start3A_506 : memref<80x128xf32, #tpu.memory_space<vmem>>) target(%dma_start3A_512 : memref<10240x128xf32, #tpu.memory_space<vmem_shared>>) offsets(%dma_start3A_509 : memref<80xi32, #tpu.memory_space<vmem>>) semaphore(%arg19 : memref<!tpu.dma_semaphore, #tpu.memory_space<semaphore_mem>>) {add = true}
      %dma_start3A_513 = arith.constant 1 : i32
      %dma_start3A_514 = arith.constant 24 : i32
      %dma_start3A_515 = arith.constant 0 : i32
      %dma_start3A_516 = tpu.memref_slice %arg12[%dma_start3A_513, %dma_start3A_514, %dma_start3A_515] : memref<2x25x80xi32, #tpu.memory_space<vmem>> -> memref<1x1x80xi32, #tpu.memory_space<vmem>>
      %dma_start3A_517 = tpu.memref_squeeze %dma_start3A_516 : memref<1x1x80xi32, #tpu.memory_space<vmem>> -> memref<80xi32, #tpu.memory_space<vmem>>
      %dma_start3A_518 = arith.constant 0 : i32
      %dma_start3A_519 = arith.constant 0 : i32
      %dma_start3A_520 = tpu.memref_slice %arg11[%dma_start3A_518, %dma_start3A_519] : memref<10240x16xf32, #tpu.memory_space<vmem_shared>> -> memref<10240x16xf32, #tpu.memory_space<vmem_shared>>
      tpu.enqueue_indirect_dma source(%arg14 : memref<80x16xf32, #tpu.memory_space<vmem>>) target(%dma_start3A_520 : memref<10240x16xf32, #tpu.memory_space<vmem_shared>>) offsets(%dma_start3A_517 : memref<80xi32, #tpu.memory_space<vmem>>) semaphore(%arg19 : memref<!tpu.dma_semaphore, #tpu.memory_space<semaphore_mem>>) {add = true}
      %dma_wait3A_521 = arith.constant 0 : i32
      %dma_wait3A_522 = arith.constant 1 : i32
      %dma_wait3A_523 = arith.constant 24 : i32
      %dma_wait3A_524 = arith.constant 0 : i32
      %dma_wait3A_525 = arith.constant 0 : i32
      %dma_wait3A_526 = tpu.memref_slice %arg13[%dma_wait3A_521, %dma_wait3A_524, %dma_wait3A_525] : memref<2x80x128xf32, #tpu.memory_space<vmem>> -> memref<1x80x128xf32, #tpu.memory_space<vmem>>
      %dma_wait3A_527 = tpu.memref_squeeze %dma_wait3A_526 : memref<1x80x128xf32, #tpu.memory_space<vmem>> -> memref<80x128xf32, #tpu.memory_space<vmem>>
      %dma_wait3A_528 = arith.constant 0 : i32
      %dma_wait3A_529 = tpu.memref_slice %arg12[%dma_wait3A_522, %dma_wait3A_523, %dma_wait3A_528] : memref<2x25x80xi32, #tpu.memory_space<vmem>> -> memref<1x1x80xi32, #tpu.memory_space<vmem>>
      %dma_wait3A_530 = tpu.memref_squeeze %dma_wait3A_529 : memref<1x1x80xi32, #tpu.memory_space<vmem>> -> memref<80xi32, #tpu.memory_space<vmem>>
      %dma_wait3A_531 = arith.constant 0 : i32
      %dma_wait3A_532 = arith.constant 0 : i32
      %dma_wait3A_533 = tpu.memref_slice %arg10[%dma_wait3A_531, %dma_wait3A_532] : memref<10240x128xf32, #tpu.memory_space<vmem_shared>> -> memref<10240x128xf32, #tpu.memory_space<vmem_shared>>
      tpu.wait_indirect_dma semaphore(%arg19 : memref<!tpu.dma_semaphore, #tpu.memory_space<semaphore_mem>>) src(%dma_wait3A_527 : memref<80x128xf32, #tpu.memory_space<vmem>>) dst(%dma_wait3A_533 : memref<10240x128xf32, #tpu.memory_space<vmem_shared>>)
      %dma_wait3A_534 = arith.constant 1 : i32
      %dma_wait3A_535 = arith.constant 24 : i32
      %dma_wait3A_536 = arith.constant 0 : i32
      %dma_wait3A_537 = tpu.memref_slice %arg12[%dma_wait3A_534, %dma_wait3A_535, %dma_wait3A_536] : memref<2x25x80xi32, #tpu.memory_space<vmem>> -> memref<1x1x80xi32, #tpu.memory_space<vmem>>
      %dma_wait3A_538 = tpu.memref_squeeze %dma_wait3A_537 : memref<1x1x80xi32, #tpu.memory_space<vmem>> -> memref<80xi32, #tpu.memory_space<vmem>>
      %dma_wait3A_539 = arith.constant 0 : i32
      %dma_wait3A_540 = arith.constant 0 : i32
      %dma_wait3A_541 = tpu.memref_slice %arg11[%dma_wait3A_539, %dma_wait3A_540] : memref<10240x16xf32, #tpu.memory_space<vmem_shared>> -> memref<10240x16xf32, #tpu.memory_space<vmem_shared>>
      tpu.wait_indirect_dma semaphore(%arg19 : memref<!tpu.dma_semaphore, #tpu.memory_space<semaphore_mem>>) src(%arg14 : memref<80x16xf32, #tpu.memory_space<vmem>>) dst(%dma_wait3A_541 : memref<10240x16xf32, #tpu.memory_space<vmem_shared>>)
    }
    %scan3A_441 = arith.constant 5 : i32
    %barrier3A_442 = arith.constant 0 : index
    tpu.barrier barrier_id(%barrier3A_442)
    "tpu.region"() ({
      %run_scoped3A = tpu.sem_alloc : memref<!tpu.dma_semaphore, #tpu.memory_space<semaphore_mem>>
      %dma_start3A_443 = arith.constant 0 : i32
      %dma_start3A_444 = tpu.memref_slice %arg8[%arg0, %mul3A_0, %dma_start3A_443] : memref<2x10240x128xf32, #tpu.memory_space<hbm>> -> memref<1x640x128xf32, #tpu.memory_space<hbm>>
      %dma_start3A_445 = tpu.memref_squeeze %dma_start3A_444 : memref<1x640x128xf32, #tpu.memory_space<hbm>> -> memref<640x128xf32, #tpu.memory_space<hbm>>
      %dma_start3A_446 = arith.constant 0 : i32
      %dma_start3A_447 = tpu.memref_slice %arg10[%mul3A_0, %dma_start3A_446] : memref<10240x128xf32, #tpu.memory_space<vmem_shared>> -> memref<640x128xf32, #tpu.memory_space<vmem_shared>>
      tpu.enqueue_dma source(%dma_start3A_447 : memref<640x128xf32, #tpu.memory_space<vmem_shared>>) target(%dma_start3A_445 : memref<640x128xf32, #tpu.memory_space<hbm>>) target_semaphore(%run_scoped3A : memref<!tpu.dma_semaphore, #tpu.memory_space<semaphore_mem>>)
      %dma_wait3A_448 = arith.constant 0 : i32
      %dma_wait3A_449 = tpu.memref_slice %arg8[%arg0, %mul3A_0, %dma_wait3A_448] : memref<2x10240x128xf32, #tpu.memory_space<hbm>> -> memref<1x640x128xf32, #tpu.memory_space<hbm>>
      %dma_wait3A_450 = tpu.memref_squeeze %dma_wait3A_449 : memref<1x640x128xf32, #tpu.memory_space<hbm>> -> memref<640x128xf32, #tpu.memory_space<hbm>>
      %dma_wait3A_451 = arith.constant 0 : i32
      %dma_wait3A_452 = tpu.memref_slice %arg10[%mul3A_0, %dma_wait3A_451] : memref<10240x128xf32, #tpu.memory_space<vmem_shared>> -> memref<640x128xf32, #tpu.memory_space<vmem_shared>>
      tpu.wait_dma2 semaphore(%run_scoped3A : memref<!tpu.dma_semaphore, #tpu.memory_space<semaphore_mem>>) src(%dma_wait3A_452 : memref<640x128xf32, #tpu.memory_space<vmem_shared>>) dst(%dma_wait3A_450 : memref<640x128xf32, #tpu.memory_space<hbm>>)
      tpu.yield
    }) : () -> ()
    "tpu.region"() ({
      %run_scoped3A = tpu.sem_alloc : memref<!tpu.dma_semaphore, #tpu.memory_space<semaphore_mem>>
      %dma_start3A_443 = arith.constant 0 : i32
      %dma_start3A_444 = tpu.memref_slice %arg9[%arg0, %mul3A_0, %dma_start3A_443] : memref<2x10240x16xf32, #tpu.memory_space<hbm>> -> memref<1x640x16xf32, #tpu.memory_space<hbm>>
      %dma_start3A_445 = tpu.memref_squeeze %dma_start3A_444 : memref<1x640x16xf32, #tpu.memory_space<hbm>> -> memref<640x16xf32, #tpu.memory_space<hbm>>
      %dma_start3A_446 = arith.constant 0 : i32
      %dma_start3A_447 = tpu.memref_slice %arg11[%mul3A_0, %dma_start3A_446] : memref<10240x16xf32, #tpu.memory_space<vmem_shared>> -> memref<640x16xf32, #tpu.memory_space<vmem_shared>>
      tpu.enqueue_dma source(%dma_start3A_447 : memref<640x16xf32, #tpu.memory_space<vmem_shared>>) target(%dma_start3A_445 : memref<640x16xf32, #tpu.memory_space<hbm>>) target_semaphore(%run_scoped3A : memref<!tpu.dma_semaphore, #tpu.memory_space<semaphore_mem>>)
      %dma_wait3A_448 = arith.constant 0 : i32
      %dma_wait3A_449 = tpu.memref_slice %arg9[%arg0, %mul3A_0, %dma_wait3A_448] : memref<2x10240x16xf32, #tpu.memory_space<hbm>> -> memref<1x640x16xf32, #tpu.memory_space<hbm>>
      %dma_wait3A_450 = tpu.memref_squeeze %dma_wait3A_449 : memref<1x640x16xf32, #tpu.memory_space<hbm>> -> memref<640x16xf32, #tpu.memory_space<hbm>>
      %dma_wait3A_451 = arith.constant 0 : i32
      %dma_wait3A_452 = tpu.memref_slice %arg11[%mul3A_0, %dma_wait3A_451] : memref<10240x16xf32, #tpu.memory_space<vmem_shared>> -> memref<640x16xf32, #tpu.memory_space<vmem_shared>>
      tpu.wait_dma2 semaphore(%run_scoped3A : memref<!tpu.dma_semaphore, #tpu.memory_space<semaphore_mem>>) src(%dma_wait3A_452 : memref<640x16xf32, #tpu.memory_space<vmem_shared>>) dst(%dma_wait3A_450 : memref<640x16xf32, #tpu.memory_space<hbm>>)
      tpu.yield
    }) : () -> ()
    return
  }
}

module attributes {stable_mosaic.version = 14 : i64} {
  func.func @_pre_body(%arg0: i32, %arg1: memref<1000x128xf32, #tpu.memory_space<vmem>>, %arg2: memref<1000x128xf32, #tpu.memory_space<vmem>>, %arg3: memref<128x128xf32, #tpu.memory_space<vmem>>, %arg4: memref<128x128xf32, #tpu.memory_space<vmem>>, %arg5: memref<1000x128xf32, #tpu.memory_space<vmem>>, %arg6: memref<1000x128xf32, #tpu.memory_space<vmem>>) attributes {dimension_semantics = [#tpu.dimension_semantics<arbitrary>], iteration_bounds = array<i64: 10>, scalar_prefetch = 0 : i64, scratch_operands = 0 : i64, tpu.core_type = #tpu.core_type<tc>, window_params = [{transform_indices = @transform_0, window_bounds = array<i64: 1000, 128>}, {transform_indices = @transform_1, window_bounds = array<i64: 1000, 128>}, {pipeline_mode = #tpu.pipeline_mode<synchronous>, transform_indices = @transform_2, window_bounds = array<i64: 128, 128>}, {pipeline_mode = #tpu.pipeline_mode<synchronous>, transform_indices = @transform_3, window_bounds = array<i64: 128, 128>}, {transform_indices = @transform_4, window_bounds = array<i64: 1000, 128>}, {transform_indices = @transform_5, window_bounds = array<i64: 1000, 128>}]} {
    %get3A = arith.constant 0 : index
    %get3A_0 = arith.constant 0 : index
    %get3A_1 = vector.load %arg1[%get3A, %get3A_0] : memref<1000x128xf32, #tpu.memory_space<vmem>>, vector<1000x128xf32>
    %get3A_2 = arith.constant 0 : index
    %get3A_3 = arith.constant 0 : index
    %get3A_4 = vector.load %arg3[%get3A_2, %get3A_3] : memref<128x128xf32, #tpu.memory_space<vmem>>, vector<128x128xf32>
    %dot_general3A = arith.constant dense<0.000000e+00> : vector<1000x128xf32>
    %dot_general3A_5 = tpu.matmul %get3A_1, %get3A_4, %dot_general3A {dimension_numbers = #tpu.dot_dimension_numbers<[1], [1], [0], [0], [0, 0, 1, 0], [], []>, transpose_lhs_hint = false} : vector<1000x128xf32>, vector<128x128xf32>, vector<1000x128xf32> -> vector<1000x128xf32>
    %swap3A = arith.constant 0 : index
    %swap3A_6 = arith.constant 0 : index
    %swap3A_7 = vector.load %arg5[%swap3A, %swap3A_6] : memref<1000x128xf32, #tpu.memory_space<vmem>>, vector<1000x128xf32>
    tpu.vector_store %arg5[%swap3A, %swap3A_6], %dot_general3A_5 {strides = array<i32>} : memref<1000x128xf32, #tpu.memory_space<vmem>>, vector<1000x128xf32>,
    %get3A_8 = arith.constant 0 : index
    %get3A_9 = arith.constant 0 : index
    %get3A_10 = vector.load %arg2[%get3A_8, %get3A_9] : memref<1000x128xf32, #tpu.memory_space<vmem>>, vector<1000x128xf32>
    %get3A_11 = arith.constant 0 : index
    %get3A_12 = arith.constant 0 : index
    %get3A_13 = vector.load %arg4[%get3A_11, %get3A_12] : memref<128x128xf32, #tpu.memory_space<vmem>>, vector<128x128xf32>
    %dot_general3A_14 = arith.constant dense<0.000000e+00> : vector<1000x128xf32>
    %dot_general3A_15 = tpu.matmul %get3A_10, %get3A_13, %dot_general3A_14 {dimension_numbers = #tpu.dot_dimension_numbers<[1], [1], [0], [0], [0, 0, 1, 0], [], []>, transpose_lhs_hint = false} : vector<1000x128xf32>, vector<128x128xf32>, vector<1000x128xf32> -> vector<1000x128xf32>
    %swap3A_16 = arith.constant 0 : index
    %swap3A_17 = arith.constant 0 : index
    %swap3A_18 = vector.load %arg6[%swap3A_16, %swap3A_17] : memref<1000x128xf32, #tpu.memory_space<vmem>>, vector<1000x128xf32>
    tpu.vector_store %arg6[%swap3A_16, %swap3A_17], %dot_general3A_15 {strides = array<i32>} : memref<1000x128xf32, #tpu.memory_space<vmem>>, vector<1000x128xf32>,
    return
  }
  func.func @transform_0(%arg0: i32) -> (i32, i32) {
    %c0_i32 = arith.constant 0 : i32
    %c0_i32_0 = arith.constant 0 : i32
    return %arg0, %c0_i32 : i32, i32
  }
  func.func @transform_1(%arg0: i32) -> (i32, i32) {
    %c0_i32 = arith.constant 0 : i32
    %c0_i32_0 = arith.constant 0 : i32
    return %arg0, %c0_i32 : i32, i32
  }
  func.func @transform_2(%arg0: i32) -> (i32, i32) {
    %c0_i32 = arith.constant 0 : i32
    %c0_i32_0 = arith.constant 0 : i32
    %c0_i32_1 = arith.constant 0 : i32
    return %c0_i32, %c0_i32_0 : i32, i32
  }
  func.func @transform_3(%arg0: i32) -> (i32, i32) {
    %c0_i32 = arith.constant 0 : i32
    %c0_i32_0 = arith.constant 0 : i32
    %c0_i32_1 = arith.constant 0 : i32
    return %c0_i32, %c0_i32_0 : i32, i32
  }
  func.func @transform_4(%arg0: i32) -> (i32, i32) {
    %c0_i32 = arith.constant 0 : i32
    %c0_i32_0 = arith.constant 0 : i32
    return %arg0, %c0_i32 : i32, i32
  }
  func.func @transform_5(%arg0: i32) -> (i32, i32) {
    %c0_i32 = arith.constant 0 : i32
    %c0_i32_0 = arith.constant 0 : i32
    return %arg0, %c0_i32 : i32, i32
  }
}

module attributes {stable_mosaic.version = 14 : i64} {
  func.func @_post_body(%arg0: i32, %arg1: memref<1000x128xf32, #tpu.memory_space<vmem>>, %arg2: memref<128x128xf32, #tpu.memory_space<vmem>>, %arg3: memref<1x128xf32, #tpu.memory_space<vmem>>, %arg4: memref<1x128xf32, #tpu.memory_space<vmem>>, %arg5: memref<2x1000x128xf32, #tpu.memory_space<vmem>>, %arg6: memref<2x1000x16xf32, #tpu.memory_space<vmem>>, %arg7: memref<1000x128xf32, #tpu.memory_space<vmem>>, %arg8: memref<128x128xf32, #tpu.memory_space<vmem>>, %arg9: memref<1x128xf32, #tpu.memory_space<vmem>>, %arg10: memref<1x128xf32, #tpu.memory_space<vmem>>, %arg11: memref<2x1000x128xf32, #tpu.memory_space<vmem>>, %arg12: memref<2x1000x16xf32, #tpu.memory_space<vmem>>, %arg13: memref<1000x128xf32, #tpu.memory_space<vmem>>, %arg14: memref<1000x128xf32, #tpu.memory_space<vmem>>) attributes {dimension_semantics = [#tpu.dimension_semantics<arbitrary>], iteration_bounds = array<i64: 10>, scalar_prefetch = 0 : i64, scratch_operands = 0 : i64, tpu.core_type = #tpu.core_type<tc>, window_params = [{transform_indices = @transform_0, window_bounds = array<i64: 1000, 128>}, {pipeline_mode = #tpu.pipeline_mode<synchronous>, transform_indices = @transform_1, window_bounds = array<i64: 128, 128>}, {pipeline_mode = #tpu.pipeline_mode<synchronous>, transform_indices = @transform_2, window_bounds = array<i64: 1, 128>}, {pipeline_mode = #tpu.pipeline_mode<synchronous>, transform_indices = @transform_3, window_bounds = array<i64: 1, 128>}, {transform_indices = @transform_4, window_bounds = array<i64: 2, 1000, 128>}, {transform_indices = @transform_5, window_bounds = array<i64: 2, 1000, 16>}, {transform_indices = @transform_6, window_bounds = array<i64: 1000, 128>}, {pipeline_mode = #tpu.pipeline_mode<synchronous>, transform_indices = @transform_7, window_bounds = array<i64: 128, 128>}, {pipeline_mode = #tpu.pipeline_mode<synchronous>, transform_indices = @transform_8, window_bounds = array<i64: 1, 128>}, {pipeline_mode = #tpu.pipeline_mode<synchronous>, transform_indices = @transform_9, window_bounds = array<i64: 1, 128>}, {transform_indices = @transform_10, window_bounds = array<i64: 2, 1000, 128>}, {transform_indices = @transform_11, window_bounds = array<i64: 2, 1000, 16>}, {transform_indices = @transform_12, window_bounds = array<i64: 1000, 128>}, {transform_indices = @transform_13, window_bounds = array<i64: 1000, 128>}]} {
    %get3A = arith.constant 0 : index
    %get3A_0 = arith.constant 0 : index
    %get3A_1 = arith.constant 0 : index
    %get3A_2 = vector.load %arg5[%get3A, %get3A_0, %get3A_1] : memref<2x1000x128xf32, #tpu.memory_space<vmem>>, vector<1x1000x128xf32>
    %get3A_3 = vector.shape_cast %get3A_2 : vector<1x1000x128xf32> to vector<1000x128xf32>
    %get3A_4 = arith.constant 1 : index
    %get3A_5 = arith.constant 0 : index
    %get3A_6 = arith.constant 0 : index
    %get3A_7 = vector.load %arg5[%get3A_4, %get3A_5, %get3A_6] : memref<2x1000x128xf32, #tpu.memory_space<vmem>>, vector<1x1000x128xf32>
    %get3A_8 = vector.shape_cast %get3A_7 : vector<1x1000x128xf32> to vector<1000x128xf32>
    %add3A = arith.addf %get3A_3, %get3A_8 : vector<1000x128xf32>
    %get3A_9 = arith.constant 0 : index
    %get3A_10 = arith.constant 0 : index
    %get3A_11 = arith.constant 0 : index
    %get3A_12 = vector.load %arg6[%get3A_9, %get3A_10, %get3A_11] : memref<2x1000x16xf32, #tpu.memory_space<vmem>>, vector<1x1000x1xf32>
    %get3A_13 = vector.shape_cast %get3A_12 : vector<1x1000x1xf32> to vector<1000x1xf32>
    %get3A_14 = arith.constant 1 : index
    %get3A_15 = arith.constant 0 : index
    %get3A_16 = arith.constant 0 : index
    %get3A_17 = vector.load %arg6[%get3A_14, %get3A_15, %get3A_16] : memref<2x1000x16xf32, #tpu.memory_space<vmem>>, vector<1x1000x1xf32>
    %get3A_18 = vector.shape_cast %get3A_17 : vector<1x1000x1xf32> to vector<1000x1xf32>
    %add3A_19 = arith.addf %get3A_13, %get3A_18 : vector<1000x1xf32>
    %max3A = arith.constant 1.000000e+00 : f32
    %max3A_20 = vector.broadcast %max3A : f32 to vector<1000x1xf32>
    %max3A_21 = arith.maximumf %add3A_19, %max3A_20 : vector<1000x1xf32>
    %get3A_22 = arith.constant 0 : index
    %get3A_23 = arith.constant 0 : index
    %get3A_24 = vector.load %arg1[%get3A_22, %get3A_23] : memref<1000x128xf32, #tpu.memory_space<vmem>>, vector<1000x128xf32>
    %get3A_25 = arith.constant 0 : index
    %get3A_26 = arith.constant 0 : index
    %get3A_27 = vector.load %arg2[%get3A_25, %get3A_26] : memref<128x128xf32, #tpu.memory_space<vmem>>, vector<128x128xf32>
    %dot_general3A = arith.constant dense<0.000000e+00> : vector<1000x128xf32>
    %dot_general3A_28 = tpu.matmul %get3A_24, %get3A_27, %dot_general3A {dimension_numbers = #tpu.dot_dimension_numbers<[1], [1], [0], [0], [0, 0, 1, 0], [], []>, transpose_lhs_hint = false} : vector<1000x128xf32>, vector<128x128xf32>, vector<1000x128xf32> -> vector<1000x128xf32>
    %get3A_29 = arith.constant 0 : index
    %get3A_30 = arith.constant 0 : index
    %get3A_31 = vector.load %arg3[%get3A_29, %get3A_30] : memref<1x128xf32, #tpu.memory_space<vmem>>, vector<1x128xf32>
    %add3A_32 = vector.broadcast %get3A_31 : vector<1x128xf32> to vector<1000x128xf32>
    %add3A_33 = arith.addf %dot_general3A_28, %add3A_32 : vector<1000x128xf32>
    %div3A = vector.broadcast %max3A_21 : vector<1000x1xf32> to vector<1000x128xf32>
    %div3A_34 = arith.divf %add3A, %div3A : vector<1000x128xf32>
    %add3A_35 = arith.addf %add3A_33, %div3A_34 : vector<1000x128xf32>
    %get3A_36 = arith.constant 0 : index
    %get3A_37 = arith.constant 0 : index
    %get3A_38 = vector.load %arg4[%get3A_36, %get3A_37] : memref<1x128xf32, #tpu.memory_space<vmem>>, vector<1x128xf32>
    %add3A_39 = vector.broadcast %get3A_38 : vector<1x128xf32> to vector<1000x128xf32>
    %add3A_40 = arith.addf %add3A_35, %add3A_39 : vector<1000x128xf32>
    %max3A_41 = arith.constant 0.000000e+00 : f32
    %max3A_42 = vector.broadcast %max3A_41 : f32 to vector<1000x128xf32>
    %max3A_43 = arith.maximumf %add3A_40, %max3A_42 : vector<1000x128xf32>
    %swap3A = arith.constant 0 : index
    %swap3A_44 = arith.constant 0 : index
    %swap3A_45 = vector.load %arg13[%swap3A, %swap3A_44] : memref<1000x128xf32, #tpu.memory_space<vmem>>, vector<1000x128xf32>
    tpu.vector_store %arg13[%swap3A, %swap3A_44], %max3A_43 {strides = array<i32>} : memref<1000x128xf32, #tpu.memory_space<vmem>>, vector<1000x128xf32>,
    %get3A_46 = arith.constant 0 : index
    %get3A_47 = arith.constant 0 : index
    %get3A_48 = arith.constant 0 : index
    %get3A_49 = vector.load %arg11[%get3A_46, %get3A_47, %get3A_48] : memref<2x1000x128xf32, #tpu.memory_space<vmem>>, vector<1x1000x128xf32>
    %get3A_50 = vector.shape_cast %get3A_49 : vector<1x1000x128xf32> to vector<1000x128xf32>
    %get3A_51 = arith.constant 1 : index
    %get3A_52 = arith.constant 0 : index
    %get3A_53 = arith.constant 0 : index
    %get3A_54 = vector.load %arg11[%get3A_51, %get3A_52, %get3A_53] : memref<2x1000x128xf32, #tpu.memory_space<vmem>>, vector<1x1000x128xf32>
    %get3A_55 = vector.shape_cast %get3A_54 : vector<1x1000x128xf32> to vector<1000x128xf32>
    %add3A_56 = arith.addf %get3A_50, %get3A_55 : vector<1000x128xf32>
    %get3A_57 = arith.constant 0 : index
    %get3A_58 = arith.constant 0 : index
    %get3A_59 = arith.constant 0 : index
    %get3A_60 = vector.load %arg12[%get3A_57, %get3A_58, %get3A_59] : memref<2x1000x16xf32, #tpu.memory_space<vmem>>, vector<1x1000x1xf32>
    %get3A_61 = vector.shape_cast %get3A_60 : vector<1x1000x1xf32> to vector<1000x1xf32>
    %get3A_62 = arith.constant 1 : index
    %get3A_63 = arith.constant 0 : index
    %get3A_64 = arith.constant 0 : index
    %get3A_65 = vector.load %arg12[%get3A_62, %get3A_63, %get3A_64] : memref<2x1000x16xf32, #tpu.memory_space<vmem>>, vector<1x1000x1xf32>
    %get3A_66 = vector.shape_cast %get3A_65 : vector<1x1000x1xf32> to vector<1000x1xf32>
    %add3A_67 = arith.addf %get3A_61, %get3A_66 : vector<1000x1xf32>
    %max3A_68 = arith.constant 1.000000e+00 : f32
    %max3A_69 = vector.broadcast %max3A_68 : f32 to vector<1000x1xf32>
    %max3A_70 = arith.maximumf %add3A_67, %max3A_69 : vector<1000x1xf32>
    %get3A_71 = arith.constant 0 : index
    %get3A_72 = arith.constant 0 : index
    %get3A_73 = vector.load %arg7[%get3A_71, %get3A_72] : memref<1000x128xf32, #tpu.memory_space<vmem>>, vector<1000x128xf32>
    %get3A_74 = arith.constant 0 : index
    %get3A_75 = arith.constant 0 : index
    %get3A_76 = vector.load %arg8[%get3A_74, %get3A_75] : memref<128x128xf32, #tpu.memory_space<vmem>>, vector<128x128xf32>
    %dot_general3A_77 = arith.constant dense<0.000000e+00> : vector<1000x128xf32>
    %dot_general3A_78 = tpu.matmul %get3A_73, %get3A_76, %dot_general3A_77 {dimension_numbers = #tpu.dot_dimension_numbers<[1], [1], [0], [0], [0, 0, 1, 0], [], []>, transpose_lhs_hint = false} : vector<1000x128xf32>, vector<128x128xf32>, vector<1000x128xf32> -> vector<1000x128xf32>
    %get3A_79 = arith.constant 0 : index
    %get3A_80 = arith.constant 0 : index
    %get3A_81 = vector.load %arg9[%get3A_79, %get3A_80] : memref<1x128xf32, #tpu.memory_space<vmem>>, vector<1x128xf32>
    %add3A_82 = vector.broadcast %get3A_81 : vector<1x128xf32> to vector<1000x128xf32>
    %add3A_83 = arith.addf %dot_general3A_78, %add3A_82 : vector<1000x128xf32>
    %div3A_84 = vector.broadcast %max3A_70 : vector<1000x1xf32> to vector<1000x128xf32>
    %div3A_85 = arith.divf %add3A_56, %div3A_84 : vector<1000x128xf32>
    %add3A_86 = arith.addf %add3A_83, %div3A_85 : vector<1000x128xf32>
    %get3A_87 = arith.constant 0 : index
    %get3A_88 = arith.constant 0 : index
    %get3A_89 = vector.load %arg10[%get3A_87, %get3A_88] : memref<1x128xf32, #tpu.memory_space<vmem>>, vector<1x128xf32>
    %add3A_90 = vector.broadcast %get3A_89 : vector<1x128xf32> to vector<1000x128xf32>
    %add3A_91 = arith.addf %add3A_86, %add3A_90 : vector<1000x128xf32>
    %max3A_92 = arith.constant 0.000000e+00 : f32
    %max3A_93 = vector.broadcast %max3A_92 : f32 to vector<1000x128xf32>
    %max3A_94 = arith.maximumf %add3A_91, %max3A_93 : vector<1000x128xf32>
    %swap3A_95 = arith.constant 0 : index
    %swap3A_96 = arith.constant 0 : index
    %swap3A_97 = vector.load %arg14[%swap3A_95, %swap3A_96] : memref<1000x128xf32, #tpu.memory_space<vmem>>, vector<1000x128xf32>
    tpu.vector_store %arg14[%swap3A_95, %swap3A_96], %max3A_94 {strides = array<i32>} : memref<1000x128xf32, #tpu.memory_space<vmem>>, vector<1000x128xf32>,
    return
  }
  func.func @transform_0(%arg0: i32) -> (i32, i32) {
    %c0_i32 = arith.constant 0 : i32
    %c0_i32_0 = arith.constant 0 : i32
    return %arg0, %c0_i32 : i32, i32
  }
  func.func @transform_1(%arg0: i32) -> (i32, i32) {
    %c0_i32 = arith.constant 0 : i32
    %c0_i32_0 = arith.constant 0 : i32
    %c0_i32_1 = arith.constant 0 : i32
    return %c0_i32, %c0_i32_0 : i32, i32
  }
  func.func @transform_2(%arg0: i32) -> (i32, i32) {
    %c0_i32 = arith.constant 0 : i32
    %c0_i32_0 = arith.constant 0 : i32
    %c0_i32_1 = arith.constant 0 : i32
    return %c0_i32, %c0_i32_0 : i32, i32
  }
  func.func @transform_3(%arg0: i32) -> (i32, i32) {
    %c0_i32 = arith.constant 0 : i32
    %c0_i32_0 = arith.constant 0 : i32
    %c0_i32_1 = arith.constant 0 : i32
    return %c0_i32, %c0_i32_0 : i32, i32
  }
  func.func @transform_4(%arg0: i32) -> (i32, i32, i32) {
    %c0_i32 = arith.constant 0 : i32
    %c0_i32_0 = arith.constant 0 : i32
    %c0_i32_1 = arith.constant 0 : i32
    return %c0_i32, %arg0, %c0_i32_0 : i32, i32, i32
  }
  func.func @transform_5(%arg0: i32) -> (i32, i32, i32) {
    %c0_i32 = arith.constant 0 : i32
    %c0_i32_0 = arith.constant 0 : i32
    %c0_i32_1 = arith.constant 0 : i32
    return %c0_i32, %arg0, %c0_i32_0 : i32, i32, i32
  }
  func.func @transform_6(%arg0: i32) -> (i32, i32) {
    %c0_i32 = arith.constant 0 : i32
    %c0_i32_0 = arith.constant 0 : i32
    return %arg0, %c0_i32 : i32, i32
  }
  func.func @transform_7(%arg0: i32) -> (i32, i32) {
    %c0_i32 = arith.constant 0 : i32
    %c0_i32_0 = arith.constant 0 : i32
    %c0_i32_1 = arith.constant 0 : i32
    return %c0_i32, %c0_i32_0 : i32, i32
  }
  func.func @transform_8(%arg0: i32) -> (i32, i32) {
    %c0_i32 = arith.constant 0 : i32
    %c0_i32_0 = arith.constant 0 : i32
    %c0_i32_1 = arith.constant 0 : i32
    return %c0_i32, %c0_i32_0 : i32, i32
  }
  func.func @transform_9(%arg0: i32) -> (i32, i32) {
    %c0_i32 = arith.constant 0 : i32
    %c0_i32_0 = arith.constant 0 : i32
    %c0_i32_1 = arith.constant 0 : i32
    return %c0_i32, %c0_i32_0 : i32, i32
  }
  func.func @transform_10(%arg0: i32) -> (i32, i32, i32) {
    %c0_i32 = arith.constant 0 : i32
    %c0_i32_0 = arith.constant 0 : i32
    %c0_i32_1 = arith.constant 0 : i32
    return %c0_i32, %arg0, %c0_i32_0 : i32, i32, i32
  }
  func.func @transform_11(%arg0: i32) -> (i32, i32, i32) {
    %c0_i32 = arith.constant 0 : i32
    %c0_i32_0 = arith.constant 0 : i32
    %c0_i32_1 = arith.constant 0 : i32
    return %c0_i32, %arg0, %c0_i32_0 : i32, i32, i32
  }
  func.func @transform_12(%arg0: i32) -> (i32, i32) {
    %c0_i32 = arith.constant 0 : i32
    %c0_i32_0 = arith.constant 0 : i32
    return %arg0, %c0_i32 : i32, i32
  }
  func.func @transform_13(%arg0: i32) -> (i32, i32) {
    %c0_i32 = arith.constant 0 : i32
    %c0_i32_0 = arith.constant 0 : i32
    return %arg0, %c0_i32 : i32, i32
  }
}

</mosaic_0001>

<sc_bundles>
// kernel: kernel.5.cloned.1.call-start
scs
__scs_entry_jumppad:
0x0: {  	(pc) =	sbr.rel $0x88, $3  }
0x1: {  	(tag) =	ssettag $0x0;
	lr =	simm.s32 $0x1  }
0x2: {  	[smem:$0x3F95] =	sst lr;
	_ =	strace $0xD0000000  }
0x3: {  	_ = 	snop  }
0x4: {  	_ = 	snop  }
0x5: {  	_ = 	snop  }
0x6: {  	_ = 	snop  }
0x7: {  	_ = 	snop  }
__scs_overlays_trampoline_lowered:
0x8: {  	[smem:$0x3FA4] =	sst s0  }
0x9: {  	[smem:$0x3FA5] =	sst s1  }
0xa: {  	[smem:$0x3FA6] =	sst s2  }
0xb: {  	[smem:$0x3FA7] =	sst s3  }
0xc: {  	[smem:$0x3FA8] =	sst s4  }
0xd: {  	[smem:$0x3FA9] =	sst s5  }
0xe: {  	[smem:$0x3FAA] =	sst s6  }
0xf: {  	[smem:$0x3FAB] =	sst s7  }
0x10: {  	[smem:$0x3FAC] =	sst s8  }
0x11: {  	[smem:$0x3FAD] =	sst s9;
	s0 =	simm.s32 @!p0 $0x0  }
0x12: {  	s1 =	sld [smem:$0x3F93];
	s0 =	simm.s32 @p0 $0x1  }
0x13: {  	[smem:$0x3FAE] =	sst s0;
	s0 =	simm.s32 @!p1 $0x0  }
0x14: {  	s2 =	sld [smem:$0x3F92];
	s0 =	simm.s32 @p1 $0x1  }
0x15: {  	[smem:$0x3FAF] =	sst s0;
	s0 =	simm.s32 @!p2 $0x0  }
0x16: {  	s3 =	sld [smem:$0x3FDB];
	s0 =	simm.s32 @p2 $0x1  }
0x17: {  	s4 =	simm.s32 $0x1BF5;
	[smem:$0x3FB1] =	sst s0  }
0x18: {  	s0 =	sld [smem:$0x3F94];
	_ =	swait.ge [sflag:s4], $0x0  }
0x19: {  	s7 =	sld [smem:$0x3F95]  }
0x1a: {  	s8 =	sadd.s32 $0xFFFFE003, lr  }
0x1b: {  	s9 =	sadd.s32 $0xFFFFFEF7, lr;
	s5 =	simm.s32 $0xFFFFFFFF;
	p2 =	slt.u32 s8, $0xFFFFF086  }
0x1c: {  	p1 =	slt.u32 s9, $0xF7A;
	s5 =	simm.s32 @!p2 $0x0  }
0x1d: {  	s5 =	simm.s32 @p1 $0x1;
	p0 =	seq.s32 s7, s2  }
0x1e: {  	s7 =	smul.u32 @!p0 $0xF7A, s2;
	p2 =	seq.s32 @!p0 s5, $0x0  }
0x1f: {  	s9 =	smul.u32 $0xF7A, s1;
	s8 =	simm.s32 @!p0 $0x1BF5;
	p2 =	por !p2, p0  }
0x20: {  	[sflag:s8] =	ssyncset.s32 @!p0 $0xFFFFF086;
	s6 =	sadd.s32 @!p0 s3, s7;
	s7 =	simm.s32 @!p0 $0x108  }
0x21: {  	s3 =	sadd.s32 s3, s9;
	s6 =	sadd.s32 @!p0 $0x88, s6;
	s7 =	simm.s32 @p2 $0x1082  }
0x22: {  	[simem:s7], [sflag:s8] =	dma.local @!p0 [hbm:s6], $0xF7A  }
0x23: {  	s9 =	sor.u32 $0xD0000000, s2;
	s6 =	simm.s32 $0x108;
	_ =	swait.ge @!p0 [sflag:s8], $0x0  }
0x24: {  	s3 =	sadd.s32 $0x88, s3;
	s6 =	simm.s32 @!p1 $0x1082;
	[sflag:s4] =	ssyncset.s32 $0xFFFFF086  }
0x25: {  	[simem:s6], [sflag:s4] =	dma.local [hbm:s3], $0xF7A  }
0x26: {  	[smem:$0x3F95] =	sst s1;
	(tag) =	ssettag s2;
	_ =	strace s9  }
0x27: {  	s1 =	sld [smem:$0x3FA5]  }
0x28: {  	s2 =	sld [smem:$0x3FA6]  }
0x29: {  	s4 =	sld [smem:$0x3FA8]  }
0x2a: {  	p0 =	seq.s32 s5, $0x0;
	s5 =	sld [smem:$0x3FA9]  }
0x2b: {  	s6 =	sld [smem:$0x3FAA]  }
0x2c: {  	s7 =	sld [smem:$0x3FAB]  }
0x2d: {  	s3 =	simm.s32 $0x108;
	s8 =	sld [smem:$0x3FAC]  }
0x2e: {  	s3 =	simm.s32 @!p0 $0x1082;
	s9 =	sld [smem:$0x3FAD]  }
0x2f: {  	lr =	sadd.s32 s0, s3;
	s0 =	sld [smem:$0x3FA4]  }
0x30: {  	s3 =	sld [smem:$0x3FA7]  }
0x31: {  	[smem:$0x3FB0] =	sst s10  }
0x32: {  	s10 =	sld [smem:$0x3FAE];
	_ =	sdelay $0x3  }
0x33: {  	p0 =	seq.s32 s10, $0x1;
	s10 =	sld [smem:$0x3FB0];
	_ =	sdelay $0x3  }
0x34: {  	[smem:$0x3FB0] =	sst s10  }
0x35: {  	s10 =	sld [smem:$0x3FAF];
	_ =	sdelay $0x3  }
0x36: {  	p1 =	seq.s32 s10, $0x1;
	s10 =	sld [smem:$0x3FB0];
	_ =	sdelay $0x3  }
0x37: {  	[smem:$0x3FB0] =	sst s10  }
0x38: {  	s10 =	sld [smem:$0x3FB1]  }
0x39: {  	_ = 	snop;
	(pc) =	sbr.ind lr, $3  }
0x3a: {  	_ = 	snop  }
0x3b: {  	_ = 	snop  }
0x3c: {  	p2 =	seq.s32 s10, $0x1;
	s10 =	sld [smem:$0x3FB0]  }
0x3d: {  	_ =	shalt  }
0x3e: {  	_ =	shalt  }
0x3f: {  	_ =	shalt  }
0x40: {  	_ =	shalt  }
0x41: {  	_ =	shalt  }
0x42: {  	_ =	shalt  }
0x43: {  	_ =	shalt  }
0x44: {  	_ =	shalt  }
0x45: {  	_ =	shalt  }
0x46: {  	_ =	shalt  }
0x47: {  	_ =	shalt  }
0x48: {  	_ =	shalt  }
0x49: {  	_ =	shalt  }
0x4a: {  	_ =	shalt  }
0x4b: {  	_ =	shalt  }
0x4c: {  	_ =	shalt  }
0x4d: {  	_ =	shalt  }
0x4e: {  	_ =	shalt  }
0x4f: {  	_ =	shalt  }
0x50: {  	_ =	shalt  }
0x51: {  	_ =	shalt  }
0x52: {  	_ =	shalt  }
0x53: {  	_ =	shalt  }
0x54: {  	_ =	shalt  }
0x55: {  	_ =	shalt  }
0x56: {  	_ =	shalt  }
0x57: {  	_ =	shalt  }
0x58: {  	_ =	shalt  }
0x59: {  	_ =	shalt  }
0x5a: {  	_ =	shalt  }
0x5b: {  	_ =	shalt  }
0x5c: {  	_ =	shalt  }
0x5d: {  	_ =	shalt  }
0x5e: {  	_ =	shalt  }
0x5f: {  	_ =	shalt  }
0x60: {  	_ =	shalt  }
0x61: {  	_ =	shalt  }
0x62: {  	_ =	shalt  }
0x63: {  	_ =	shalt  }
0x64: {  	_ =	shalt  }
0x65: {  	_ =	shalt  }
0x66: {  	_ =	shalt  }
0x67: {  	_ =	shalt  }
0x68: {  	_ =	shalt  }
0x69: {  	_ =	shalt  }
0x6a: {  	_ =	shalt  }
0x6b: {  	_ =	shalt  }
0x6c: {  	_ =	shalt  }
0x6d: {  	_ =	shalt  }
0x6e: {  	_ =	shalt  }
0x6f: {  	_ =	shalt  }
0x70: {  	_ =	shalt  }
0x71: {  	_ =	shalt  }
0x72: {  	_ =	shalt  }
0x73: {  	_ =	shalt  }
0x74: {  	_ =	shalt  }
0x75: {  	_ =	shalt  }
0x76: {  	_ =	shalt  }
0x77: {  	_ =	shalt  }
0x78: {  	_ =	shalt  }
0x79: {  	_ =	shalt  }
0x7a: {  	_ =	shalt  }
0x7b: {  	_ =	shalt  }
0x7c: {  	_ =	shalt  }
0x7d: {  	_ =	shalt  }
0x7e: {  	_ =	shalt  }
0x7f: {  	_ =	shalt  }
0x80: {  	_ =	shalt  }
0x81: {  	_ =	shalt  }
0x82: {  	_ =	shalt  }
0x83: {  	_ =	shalt  }
0x84: {  	_ =	shalt  }
0x85: {  	_ =	shalt  }
0x86: {  	_ =	shalt  }
0x87: {  	_ =	shalt  }
.Lfunc_end0:
.L_simem_size_0:
called_computation_lowered:
.L_overlay_start_0:
0x88: {  	s2 =	sld [smem:$0x3FD9]  }
0x89: {  	s3 =	sld [smem:$0x3FFE];
	_ =	sdelay $0x1  }
0x8a: {  	s1 =	srdreg.scid  }
0x8b: {  	s0 =	sand.u32 $0x1, s1  }
0x8c: {  	s14 =	sshll.u32 s0, $0xA;
	s2 =	sadd.s32 s3, s2  }
0x8d: {  	s2 =	sadd.s32 s2, s14  }
0x8e: {  	[smem:$0x3FBC] =	sst s2  }
0x8f: {  	_ = 	snop  }
0x90: {  	s2 =	sld [smem:$0x3FD0];
	_ =	sdelay $0x2  }
0x91: {  	s15 =	simm.s32 $0xA;
	s4 =	simm.s32 $0x10  }
0x92: {  	[smem:s4], [sflag:s15] =	dma.local [hbm:s2], $0x1  }
0x93: {  	_ =	swait.eq [sflag:s15], $0x1  }
0x94: {  	[sflag:s15] =	ssyncset.done $0x0  }
0x95: {  	s16 =	sld [smem:$0x10];
	[sflag:s15] =	ssyncadd.s32 $0xFFFFFFFF  }
0x96: {  	s17 =	sld [smem:$0x11];
	(tm) =	ssettm $0x1  }
0x97: {  	s18 =	sld [smem:$0x3FFB];
	_ =	sdelay $0x3  }
0x98: {  	_ =	strace s18  }
0x99: {  	s4 =	sld [smem:$0x3FFC];
	_ =	sdelay $0x3  }
0x9a: {  	_ =	strace s4  }
0x9b: {  	s4 =	sld [smem:$0x3FFD];
	_ =	sdelay $0x3  }
0x9c: {  	_ =	strace s4  }
0x9d: {  	_ =	strace $0x8FFFFFFF  }
0x9e: {  	s19 =	sld [smem:$0x3FDB];
	_ =	sdelay $0x1  }
0x9f: {  	s5 =	simm.s32 $_scs_section_size  }
0xa0: {  	s6 =	simm.s32 $_size__tile_overlayer_lowered;
	s7 =	simm.s32 $_tile_overlayer_lowered  }
0xa1: {  	s22 =	simm.s32 $0x1BFF;
	s21 =	sshll.u32 s7, $0x1;
	s4 =	sadd.s32 s5, s19  }
0xa2: {  	s8 =	simm.s32 $0x0;
	s20 =	sshll.u32 s6, $0x1;
	s6 =	sadd.s32 s21, s4  }
0xa3: {  	[timem:s8], [sflag:s22] =	dma.local [hbm:s6], s20  }
0xa4: {  	_ =	swait.ge [sflag:s22], s20  }
0xa5: {  	s5 =	ssub.s32 $0x0, s20;
	[sflag:s22] =	ssyncset.done $0x0  }
0xa6: {  	[sflag:s22] =	ssyncadd.s32 s5;
	_ =	sdelay $0x1  }
0xa7: {  	s23 =	simm.s32 $0x1B8B  }
0xa8: {  	_ =	swait.ge [sflag:s23], $0x1  }
0xa9: {  	[sflag:s23] =	ssyncset.done $0x0  }
0xaa: {  	s25 =	simm.s32 $0x1B8E;
	s24 =	sld [smem:$0x3FFE];
	[sflag:s23] =	ssyncadd.s32 $0xFFFFFFFF  }
0xab: {  	s26 =	simm.s32 $execute0_lowered;
	[smem:$0x3FD2] =	sst s25  }
0xac: {  	s6 =	sshll.u32 s26, $0x1;
	_ =	strace $0x80000046;
	[dreg:$0x1] =	wrdreg $0xFFFFFFFF  }
0xad: {  	s28 =	simm.s32 $_size_execute0_lowered;
	s4 =	sadd.s32 s4, s6;
	[dreg:$0x0] =	wrdreg $0x0  }
0xae: {  	s6 =	sshll.u32 s28, $0x1;
	[dreg:$0x2] =	wrdreg s4  }
0xaf: {  	[dreg:$0x3] =	wrdreg s6  }
0xb0: {  	[dreg:$0x4] =	wrdreg $0xC0  }
0xb1: {  	_ =	task [dreg:s8], $0x5FFFF  }
0xb2: {  	[dreg:$0x1] =	wrdreg $0xFFFFFFFF  }
0xb3: {  	[dreg:$0x0] =	wrdreg $0x60  }
0xb4: {  	[dreg:$0x2] =	wrdreg s17  }
0xb5: {  	[dreg:$0x3] =	wrdreg s16  }
0xb6: {  	[dreg:$0x4] =	wrdreg s24  }
0xb7: {  	[dreg:$0x5] =	wrdreg $0x0  }
0xb8: {  	[dreg:$0x6] =	wrdreg $0x140000  }
0xb9: {  	[dreg:$0x7] =	wrdreg $0x9  }
0xba: {  	_ =	task.clear_ibuf [dreg:s8], $0x8FFFF;
	_ =	strace $0x90000046  }
0xbb: {  	s29 =	simm.s32 $0x9;
	_ =	strace $0x80000048  }
0xbc: {  	_ =	swait.ge [sflag:s29], $0x1  }
0xbd: {  	[sflag:s29] =	ssyncadd.s32 $0xFFFFFFFF  }
0xbe: {  	_ =	strace $0x90000048  }
0xbf: {  	_ =	sfence  }
0xc0: {  	s30 =	sld [smem:$0x0];
	_ =	sdelay $0x2  }
0xc1: {  	s31 =	sshll.u32 s1, $0xD;
	s1 =	sshrl.u32 s1, $0x2  }
0xc2: {  	s3 =	sand.u32 $0x4000, s31;
	s1 =	sadd.s32 s1, s30  }
0xc3: {  	s0 =	sor.u32 s3, s0;
	s1 =	sshll.u32 s1, $0x11  }
0xc4: {  	s0 =	sor.u32 s1, s0  }
0xc5: {  	s0 =	sadd.s32 $0x8F2B, s0  }
0xc6: {  	[sflag:s0] =	ssyncadd.remote.s32 $0x1  }
0xc7: {  	_ =	sfence.sel $0xFFFF  }
0xc8: {  	[dreg:$0x0] =	wrdreg $0xFFFFFFFF;
	(pc) =	sbr.abs _section_cstart, $3  }
0xc9: {  	[dreg:$0x1] =	wrdreg $0xFFFFFFFF  }
0xca: {  	_ =	task.clear_ibuf [dreg:s8], $0x2FFFF;
	_ =	strace $0x9FFFFFFF  }
0xcb: {  	(tm) =	ssettm $0x7FFFFFFF  }
tec
execute0_lowered:
.L_overlay_start_1:
0x0: {  	(tag) =	ssettag $0x1  }
0x1: {  	s0 =	rddreg [dreg:$0x0]  }
0x2: {  	s2 =	rddreg [dreg:$0x1]  }
0x3: {  	s1 =	rddreg [dreg:$0x2];
	s15 =	stileid.u32  }
0x4: {  	s4 =	rddreg [dreg:$0x3];
	s6 =	smul.u32 $0x14000, s15  }
0x5: {  	s3 =	srdreg.scid;
	s9 =	smul.u32 $0x2800, s15  }
0x6: {  	s5 =	rddreg [dreg:$0x4];
	s28 =	simm.s32 $0x0;
	s13 =	smul.u32 $0x280, s15  }
0x7: {  	s31 =	simm.s32 $0x1ECA0;
	s3 =	sand.u32 $0x1, s3;
	s25 =	smul.u32 $0x7D, s15  }
0x8: {  	[smem:$0x7FF] =	sst s28;
	s8 =	sadd.s32 $0x16600, s1;
	s7 =	smul.u32 $0x140000, s3  }
0x9: {  	_ =	strace $0x80000047;
	s11 =	smul.u32 $0x28000, s3;
	s12 =	ssub.s32 $0x2, s3  }
0xa: {  	s3 =	smul.u32 $0x7D0, s3;
	s14 =	sshrl.u32 s12, $0x1;
	s26 =	sor.u32 $0x40, s13  }
0xb: {  	s29 =	sadd.s32 s6, s4;
	s30 =	sadd.s32 s9, s5;
	s16 =	sadd.s32 $0x80, s13  }
0xc: {  	s18 =	sadd.s32 $0xC0, s13;
	s23 =	sadd.s32 $0x100, s13;
	s15 =	sadd.s32 $0x1C0, s13  }
0xd: {  	s10 =	sadd.s32 s6, s7;
	s7 =	sadd.s32 $0x2C00, s1;
	s11 =	sadd.s32 s9, s11  }
0xe: {  	[dreg:$0x8] =	wrdreg s30;
	s9 =	sshll.u32 s26, $0x7;
	s17 =	sshll.u32 s16, $0x7  }
0xf: {  	s19 =	sshll.u32 s16, $0x4;
	s20 =	sshll.u32 s18, $0x7;
	s22 =	sshll.u32 s18, $0x4  }
0x10: {  	s24 =	sshll.u32 s23, $0x7;
	s16 =	sshll.u32 s15, $0x7;
	s18 =	sadd.s32 $0x200, s13  }
0x11: {  	[dreg:$0x7] =	wrdreg s29;
	s10 =	sshrl.u32 s10, $0x3;
	s11 =	sshrl.u32 s11, $0x3  }
0x12: {  	s6 =	sadd.s32 s9, s4;
	s21 =	sadd.s32 s20, s4;
	s9 =	sadd.s32 s24, s4  }
0x13: {  	s20 =	sadd.s32 $0x240, s13;
	s10 =	sadd.s32 s10, s1;
	[dreg:$0x9] =	wrdreg s6  }
0x14: {  	s1 =	sadd.s32 s11, s1;
	s11 =	ssub.s32 s12, s14;
	[dreg:$0xd] =	wrdreg s21  }
0x15: {  	s14 =	sshll.u32 s26, $0x4;
	[dreg:$0xf] =	wrdreg s9;
	s26 =	sadd.s32 $0x140, s13  }
0x16: {  	s12 =	sadd.s32 $0x180, s13;
	s21 =	sshll.u32 s18, $0x7;
	s13 =	simm.s32 $0x16800  }
0x17: {  	s6 =	sadd.s32 s14, s5;
	s30 =	sshll.u32 s26, $0x7;
	s14 =	sshll.u32 s12, $0x7  }
0x18: {  	s24 =	sadd.s32 $0x8E000, s10;
	[dreg:$0xa] =	wrdreg s6;
	s6 =	sadd.s32 s17, s4  }
0x19: {  	s17 =	sshll.u32 s15, $0x4;
	[dreg:$0x1b] =	wrdreg s24;
	s15 =	simm.s32 $0x50  }
0x1a: {  	s24 =	simm.s32 $0x168A0;
	[dreg:$0xb] =	wrdreg s6;
	s6 =	sadd.s32 s19, s5  }
0x1b: {  	s19 =	sadd.s32 s25, s3;
	s3 =	sadd.s32 s30, s4;
	[dreg:$0xc] =	wrdreg s6  }
0x1c: {  	s25 =	sadd.s32 $0x3E000, s10;
	s30 =	smax.u32 s11, $0x1;
	[dreg:$0x11] =	wrdreg s3  }
0x1d: {  	s11 =	simm.s32 $0x7D0;
	s6 =	sadd.s32 s22, s5;
	[dreg:$0x1c] =	wrdreg s25  }
0x1e: {  	s3 =	sshll.u32 s12, $0x4;
	s22 =	sshll.u32 s20, $0x7;
	[dreg:$0x1f] =	wrdreg s30  }
0x1f: {  	s12 =	simm.s32 $0x4E200;
	s25 =	simm.s32 $0x17020;
	[dreg:$0xe] =	wrdreg s6  }
0x20: {  	s6 =	sshll.u32 s23, $0x4;
	s3 =	sadd.s32 s3, s5;
	s23 =	sadd.s32 s22, s4  }
0x21: {  	s22 =	simm.s32 $0x2;
	s6 =	sadd.s32 s6, s5;
	[dreg:$0x14] =	wrdreg s3  }
0x22: {  	s3 =	sadd.s32 s16, s4;
	[dreg:$0x19] =	wrdreg s23;
	s16 =	simm.s32 $0x177A0  }
0x23: {  	s23 =	simm.s32 $0x3;
	[dreg:$0x10] =	wrdreg s6;
	s6 =	sshll.u32 s26, $0x4  }
0x24: {  	[dreg:$0x15] =	wrdreg s3;
	s3 =	sadd.s32 s17, s5;
	s26 =	sadd.s32 $0x34000, s1  }
0x25: {  	s1 =	sadd.s32 $0x2A000, s1;
	s17 =	simm.s32 $0x16850;
	[dreg:$0x16] =	wrdreg s3  }
0x26: {  	s9 =	sadd.s32 s6, s5;
	s6 =	sadd.s32 s14, s4;
	[dreg:$0x1d] =	wrdreg s26  }
0x27: {  	s3 =	sshll.u32 s20, $0x4;
	[dreg:$0x1e] =	wrdreg s1;
	s1 =	simm.s32 $0x1CCA0  }
0x28: {  	s14 =	simm.s32 $0x4;
	s20 =	simm.s32 $0x16FD0;
	[dreg:$0x12] =	wrdreg s9  }
0x29: {  	s26 =	simm.s32 $0x17750;
	[dreg:$0x13] =	wrdreg s6;
	s9 =	sadd.s32 s21, s4  }
0x2a: {  	s6 =	sshll.u32 s18, $0x4;
	s3 =	sadd.s32 s3, s5;
	[dreg:$0x17] =	wrdreg s9  }
0x2b: {  	s18 =	simm.s32 $0x19FA0;
	s6 =	sadd.s32 s6, s5;
	[dreg:$0x1a] =	wrdreg s3  }
0x2c: {  	v0 =	vimm.f32 $0.0e+00;
	v1 =	vimm.f32 $1.000000000e+00;
	s21 =	simm.s32 $0x1C7A0;
	s3 =	simm.s32 $0x1;
	[dreg:$0x18] =	wrdreg s6  }
.LBB2_1:
0x2d: {  	s9 =	simm.s32 $0x0;
	s10 =	simm.s32 $0x200  }
.LBB2_2:
0x2e: {  	p0 =	sne.s32 s10, $0x7E00;
	[tilespmem:s9+$0x1CD10] =	vst v0  }
0x2f: {  	[tilespmem:s9+$0x1CCA0] =	vst v0  }
0x30: {  	[tilespmem:s9+$0x1CCB0] =	vst v0  }
.Ltmp0:
0x31: {  	[tilespmem:s9+$0x1CCC0] =	vst v0;
	(pc) =	sbr.rel @p0 .LBB2_2-.Ltmp0, $4  }
0x32: {  	[tilespmem:s9+$0x1CCD0] =	vst v0  }
0x33: {  	[tilespmem:s9+$0x1CCE0] =	vst v0  }
0x34: {  	[tilespmem:s9+$0x1CCF0] =	vst v0  }
0x35: {  	[tilespmem:s9+$0x1CD00] =	vst v0;
	s9 =	sshra.s32 s10, $0x2;
	s10 =	sadd.s32 $0x200, s10  }
0x36: {  	[tilespmem:s9+$0x1CD10] =	vst v0  }
0x37: {  	[tilespmem:s9+$0x1CCA0] =	vst v0  }
0x38: {  	[tilespmem:s9+$0x1CCB0] =	vst v0  }
0x39: {  	[tilespmem:s9+$0x1CCC0] =	vst v0  }
0x3a: {  	[tilespmem:s9+$0x1CCD0] =	vst v0  }
0x3b: {  	[tilespmem:s9+$0x1CCE0] =	vst v0  }
0x3c: {  	[tilespmem:s9+$0x1CCF0] =	vst v0  }
0x3d: {  	[tilespmem:s9+$0x1CD00] =	vst v0;
	s9 =	simm.s32 $0x40;
	s6 =	simm.s32 $0x0  }
.LBB2_4:
0x3e: {  	p0 =	sne.s32 s9, $0xFC0;
	[tilespmem:s6+$0x1ECA0] =	vst v0;
	s6 =	smov.u32 s9;
	s9 =	sadd.s32 $0x40, s9  }
.Ltmp1:
0x3f: {  	(pc) =	sbr.rel @p0 .LBB2_4-.Ltmp1, $2  }
0x40: {  	_ =	sdelay $0x2  }
0x41: {  	s6 =	sshra.s32 s6, $0x2  }
0x42: {  	[dreg:$0x6] =	wrdreg s28;
	[tilespmem:s6+$0x1ECA0] =	vst v0;
	s9 =	simm.s32 $0x40;
	s6 =	simm.s32 $0x0  }
.LBB2_6:
0x43: {  	p0 =	sne.s32 s9, $0x13C0;
	[tilespmem:s6+$0x1C7A0] =	vst v1;
	s6 =	smov.u32 s9;
	s9 =	sadd.s32 $0x40, s9  }
.Ltmp2:
0x44: {  	(pc) =	sbr.rel @p0 .LBB2_6-.Ltmp2, $2  }
0x45: {  	_ =	sdelay $0x2  }
0x46: {  	s6 =	sshra.s32 s6, $0x2  }
0x47: {  	[tilespmem:s6+$0x1C7A0] =	vst v1  }
0x48: {  	[spmem:s29] =	stream.linear.scatter [tilespmem:s1], [sflag:$0x1], $0x2000, $0x38;
	[tilespmem:$0x1F0A0] =	vst v63  }
0x49: {  	s30 =	rddreg [dreg:$0x8]  }
0x4a: {  	[spmem:s30] =	stream.linear.scatter [tilespmem:s31], [sflag:$0x1], $0x400, $0x38;
	[tilespmem:$0x1F0A0] =	vst v63  }
0x4b: {  	s9 =	rddreg [dreg:$0x9]  }
0x4c: {  	[spmem:s9] =	stream.linear.scatter [tilespmem:s1], [sflag:$0x1], $0x2000, $0x38;
	[tilespmem:$0x1F0A0] =	vst v63  }
0x4d: {  	s10 =	rddreg [dreg:$0xa]  }
0x4e: {  	[spmem:s10] =	stream.linear.scatter [tilespmem:s31], [sflag:$0x1], $0x400, $0x38;
	[tilespmem:$0x1F0A0] =	vst v63  }
0x4f: {  	s30 =	rddreg [dreg:$0xb]  }
0x50: {  	[spmem:s30] =	stream.linear.scatter [tilespmem:s1], [sflag:$0x1], $0x2000, $0x38;
	[tilespmem:$0x1F0A0] =	vst v63  }
0x51: {  	s9 =	rddreg [dreg:$0xc]  }
0x52: {  	[spmem:s9] =	stream.linear.scatter [tilespmem:s31], [sflag:$0x1], $0x400, $0x38;
	[tilespmem:$0x1F0A0] =	vst v63  }
0x53: {  	s10 =	rddreg [dreg:$0xd]  }
0x54: {  	[spmem:s10] =	stream.linear.scatter [tilespmem:s1], [sflag:$0x1], $0x2000, $0x38;
	[tilespmem:$0x1F0A0] =	vst v63  }
0x55: {  	s30 =	rddreg [dreg:$0xe]  }
0x56: {  	[spmem:s30] =	stream.linear.scatter [tilespmem:s31], [sflag:$0x1], $0x400, $0x38;
	[tilespmem:$0x1F0A0] =	vst v63  }
0x57: {  	s9 =	rddreg [dreg:$0xf]  }
0x58: {  	[spmem:s9] =	stream.linear.scatter [tilespmem:s1], [sflag:$0x1], $0x2000, $0x38;
	[tilespmem:$0x1F0A0] =	vst v63  }
0x59: {  	s10 =	rddreg [dreg:$0x10]  }
0x5a: {  	[spmem:s10] =	stream.linear.scatter [tilespmem:s31], [sflag:$0x1], $0x400, $0x38;
	[tilespmem:$0x1F0A0] =	vst v63  }
0x5b: {  	s30 =	rddreg [dreg:$0x11]  }
0x5c: {  	[spmem:s30] =	stream.linear.scatter [tilespmem:s1], [sflag:$0x1], $0x2000, $0x38;
	[tilespmem:$0x1F0A0] =	vst v63  }
0x5d: {  	s9 =	rddreg [dreg:$0x12]  }
0x5e: {  	[spmem:s9] =	stream.linear.scatter [tilespmem:s31], [sflag:$0x1], $0x400, $0x38;
	[tilespmem:$0x1F0A0] =	vst v63  }
0x5f: {  	s10 =	rddreg [dreg:$0x13]  }
0x60: {  	[spmem:s10] =	stream.linear.scatter [tilespmem:s1], [sflag:$0x1], $0x2000, $0x38;
	[tilespmem:$0x1F0A0] =	vst v63  }
0x61: {  	s30 =	rddreg [dreg:$0x14]  }
0x62: {  	[spmem:s30] =	stream.linear.scatter [tilespmem:s31], [sflag:$0x1], $0x400, $0x38;
	[tilespmem:$0x1F0A0] =	vst v63  }
0x63: {  	s9 =	rddreg [dreg:$0x15]  }
0x64: {  	[spmem:s9] =	stream.linear.scatter [tilespmem:s1], [sflag:$0x1], $0x2000, $0x38;
	[tilespmem:$0x1F0A0] =	vst v63  }
0x65: {  	s10 =	rddreg [dreg:$0x16]  }
0x66: {  	[spmem:s10] =	stream.linear.scatter [tilespmem:s31], [sflag:$0x1], $0x400, $0x38;
	[tilespmem:$0x1F0A0] =	vst v63  }
0x67: {  	s30 =	rddreg [dreg:$0x17]  }
0x68: {  	[spmem:s30] =	stream.linear.scatter [tilespmem:s1], [sflag:$0x1], $0x2000, $0x38;
	[tilespmem:$0x1F0A0] =	vst v63  }
0x69: {  	s9 =	rddreg [dreg:$0x18]  }
0x6a: {  	[spmem:s9] =	stream.linear.scatter [tilespmem:s31], [sflag:$0x1], $0x400, $0x38;
	[tilespmem:$0x1F0A0] =	vst v63  }
0x6b: {  	s10 =	rddreg [dreg:$0x19]  }
0x6c: {  	[spmem:s10] =	stream.linear.scatter [tilespmem:s1], [sflag:$0x1], $0x2000, $0x38;
	[tilespmem:$0x1F0A0] =	vst v63  }
0x6d: {  	s30 =	rddreg [dreg:$0x1a]  }
0x6e: {  	[spmem:s30] =	stream.linear.scatter [tilespmem:s31], [sflag:$0x1], $0x400, $0x38;
	[tilespmem:$0x1F0A0] =	vst v63  }
0x6f: {  	_ =	swait.ge [sflag:s3], $0x2000  }
0x70: {  	[sflag:s3] =	ssyncset.done $0x0  }
0x71: {  	[sflag:s3] =	ssyncadd.s32 $0xFFFFE000  }
0x72: {  	_ =	swait.ge [sflag:s3], $0x400  }
0x73: {  	[sflag:s3] =	ssyncset.done $0x0  }
0x74: {  	[sflag:s3] =	ssyncadd.s32 $0xFFFFFC00  }
0x75: {  	_ =	swait.ge [sflag:s3], $0x2000  }
0x76: {  	[sflag:s3] =	ssyncset.done $0x0  }
0x77: {  	[sflag:s3] =	ssyncadd.s32 $0xFFFFE000  }
0x78: {  	_ =	swait.ge [sflag:s3], $0x400  }
0x79: {  	[sflag:s3] =	ssyncset.done $0x0  }
0x7a: {  	[sflag:s3] =	ssyncadd.s32 $0xFFFFFC00  }
0x7b: {  	_ =	swait.ge [sflag:s3], $0x2000  }
0x7c: {  	[sflag:s3] =	ssyncset.done $0x0  }
0x7d: {  	[sflag:s3] =	ssyncadd.s32 $0xFFFFE000  }
0x7e: {  	_ =	swait.ge [sflag:s3], $0x400  }
0x7f: {  	[sflag:s3] =	ssyncset.done $0x0  }
0x80: {  	[sflag:s3] =	ssyncadd.s32 $0xFFFFFC00  }
0x81: {  	_ =	swait.ge [sflag:s3], $0x2000  }
0x82: {  	[sflag:s3] =	ssyncset.done $0x0  }
0x83: {  	[sflag:s3] =	ssyncadd.s32 $0xFFFFE000  }
0x84: {  	_ =	swait.ge [sflag:s3], $0x400  }
0x85: {  	[sflag:s3] =	ssyncset.done $0x0  }
0x86: {  	[sflag:s3] =	ssyncadd.s32 $0xFFFFFC00  }
0x87: {  	_ =	swait.ge [sflag:s3], $0x2000  }
0x88: {  	[sflag:s3] =	ssyncset.done $0x0  }
0x89: {  	[sflag:s3] =	ssyncadd.s32 $0xFFFFE000  }
0x8a: {  	_ =	swait.ge [sflag:s3], $0x400  }
0x8b: {  	[sflag:s3] =	ssyncset.done $0x0  }
0x8c: {  	[sflag:s3] =	ssyncadd.s32 $0xFFFFFC00  }
0x8d: {  	_ =	swait.ge [sflag:s3], $0x2000  }
0x8e: {  	[sflag:s3] =	ssyncset.done $0x0  }
0x8f: {  	[sflag:s3] =	ssyncadd.s32 $0xFFFFE000  }
0x90: {  	_ =	swait.ge [sflag:s3], $0x400  }
0x91: {  	[sflag:s3] =	ssyncset.done $0x0  }
0x92: {  	[sflag:s3] =	ssyncadd.s32 $0xFFFFFC00  }
0x93: {  	_ =	swait.ge [sflag:s3], $0x2000  }
0x94: {  	[sflag:s3] =	ssyncset.done $0x0  }
0x95: {  	[sflag:s3] =	ssyncadd.s32 $0xFFFFE000  }
0x96: {  	_ =	swait.ge [sflag:s3], $0x400  }
0x97: {  	[sflag:s3] =	ssyncset.done $0x0  }
0x98: {  	[sflag:s3] =	ssyncadd.s32 $0xFFFFFC00  }
0x99: {  	_ =	swait.ge [sflag:s3], $0x2000  }
0x9a: {  	[sflag:s3] =	ssyncset.done $0x0  }
0x9b: {  	[sflag:s3] =	ssyncadd.s32 $0xFFFFE000  }
0x9c: {  	_ =	swait.ge [sflag:s3], $0x400  }
0x9d: {  	[sflag:s3] =	ssyncset.done $0x0  }
0x9e: {  	[sflag:s3] =	ssyncadd.s32 $0xFFFFFC00  }
0x9f: {  	_ =	swait.ge [sflag:s3], $0x2000  }
0xa0: {  	[sflag:s3] =	ssyncset.done $0x0  }
0xa1: {  	[sflag:s3] =	ssyncadd.s32 $0xFFFFE000  }
0xa2: {  	_ =	swait.ge [sflag:s3], $0x400  }
0xa3: {  	[sflag:s3] =	ssyncset.done $0x0  }
0xa4: {  	[sflag:s3] =	ssyncadd.s32 $0xFFFFFC00  }
0xa5: {  	_ =	swait.ge [sflag:s3], $0x2000  }
0xa6: {  	[sflag:s3] =	ssyncset.done $0x0  }
0xa7: {  	[sflag:s3] =	ssyncadd.s32 $0xFFFFE000  }
0xa8: {  	_ =	swait.ge [sflag:s3], $0x400  }
0xa9: {  	[sflag:s3] =	ssyncset.done $0x0  }
0xaa: {  	[sflag:s3] =	ssyncadd.s32 $0xFFFFFC00  }
0xab: {  	s28 =	simm.s32 $0x0;
	[bflag:$0x0] =	sbarrier.arrive $0xFFFF  }
.LBB2_8:
0xac: {  	s6 =	smul.u32 $0x19, s28;
	_ =	sdelay $0x1  }
0xad: {  	s6 =	sadd.s32 s19, s6  }
0xae: {  	s6 =	smul.u32 $0xA, s6;
	_ =	sdelay $0x1  }
0xaf: {  	s6 =	sadd.s32 s7, s6  }
0xb0: {  	[tilespmem:s13], [sflag:$0x4] =	stream.strided.gather [hbm4b:s6+s11], $0xFA0, s12, s11, $0x38;
	[tilespmem:$0x1F0A0] =	vst v63  }
0xb1: {  	_ =	swait.ge [sflag:s14], $0xFA0  }
0xb2: {  	[sflag:s14] =	ssyncset.done $0x0  }
0xb3: {  	[sflag:s14] =	ssyncadd.s32 $0xFFFFF060  }
0xb4: {  	[tilespmem:s16], [sflag:$0x1] =	stream.indirect.gather [hbm4b:s0+s15], $0x80, s13, s15, $0xb8;
	[tilespmem:$0x1F0A0] =	vst v63  }
0xb5: {  	_ = 	snop  }
0xb6: {  	[tilespmem:s18], [sflag:$0x2] =	stream.indirect.gather [hbm4b:s0+s15], $0x80, s17, s15, $0xb8;
	[tilespmem:$0x1F0A0] =	vst v63  }
0xb7: {  	_ =	swait.ge [sflag:s3], $0x2800  }
0xb8: {  	[sflag:s3] =	ssyncset.done $0x0  }
0xb9: {  	[sflag:s3] =	ssyncadd.s32 $0xFFFFD800  }
0xba: {  	[spmem:s4] =	stream.indirect.scatter.add.f32 [tilespmem:s16], [sflag:$0x3], $0x80, s20, s15, $0xb8;
	[tilespmem:$0x1F0A0] =	vst v63  }
0xbb: {  	_ = 	snop  }
0xbc: {  	[spmem:s5] =	stream.indirect.scatter.add.f32 [tilespmem:s21], [sflag:$0x3], $0x10, s20, s15, $0xb8;
	[tilespmem:$0x1F0A0] =	vst v63  }
0xbd: {  	_ =	swait.ge [sflag:s22], $0x2800  }
0xbe: {  	[sflag:s22] =	ssyncset.done $0x0  }
0xbf: {  	[sflag:s22] =	ssyncadd.s32 $0xFFFFD800  }
0xc0: {  	_ =	swait.ge [sflag:s23], $0x2800  }
0xc1: {  	[sflag:s23] =	ssyncset.done $0x0  }
0xc2: {  	[sflag:s23] =	ssyncadd.s32 $0xFFFFD800  }
0xc3: {  	_ =	swait.ge [sflag:s23], $0x500  }
0xc4: {  	[sflag:s23] =	ssyncset.done $0x0  }
0xc5: {  	[sflag:s23] =	ssyncadd.s32 $0xFFFFFB00  }
0xc6: {  	[tilespmem:s16], [sflag:$0x1] =	stream.indirect.gather [hbm4b:s0+s15], $0x80, s24, s15, $0xb8;
	[tilespmem:$0x1F0A0] =	vst v63  }
0xc7: {  	_ = 	snop  }
0xc8: {  	[spmem:s4] =	stream.indirect.scatter.add.f32 [tilespmem:s18], [sflag:$0x3], $0x80, s25, s15, $0xb8;
	[tilespmem:$0x1F0A0] =	vst v63  }
0xc9: {  	_ = 	snop  }
0xca: {  	[spmem:s5] =	stream.indirect.scatter.add.f32 [tilespmem:s21], [sflag:$0x3], $0x10, s25, s15, $0xb8;
	[tilespmem:$0x1F0A0] =	vst v63  }
0xcb: {  	_ =	swait.ge [sflag:s23], $0x2800  }
0xcc: {  	[sflag:s23] =	ssyncset.done $0x0  }
0xcd: {  	[sflag:s23] =	ssyncadd.s32 $0xFFFFD800  }
0xce: {  	_ =	swait.ge [sflag:s23], $0x500  }
0xcf: {  	[sflag:s23] =	ssyncset.done $0x0  }
0xd0: {  	s9 =	simm.s32 $0x168F0;
	[sflag:s23] =	ssyncadd.s32 $0xFFFFFB00  }
0xd1: {  	[tilespmem:s18], [sflag:$0x2] =	stream.indirect.gather [hbm4b:s0+s15], $0x80, s9, s15, $0xb8;
	[tilespmem:$0x1F0A0] =	vst v63  }
0xd2: {  	_ =	swait.ge [sflag:s3], $0x2800  }
0xd3: {  	[sflag:s3] =	ssyncset.done $0x0  }
0xd4: {  	s10 =	simm.s32 $0x17070;
	[sflag:s3] =	ssyncadd.s32 $0xFFFFD800  }
0xd5: {  	[spmem:s4] =	stream.indirect.scatter.add.f32 [tilespmem:s16], [sflag:$0x3], $0x80, s10, s15, $0xb8;
	[tilespmem:$0x1F0A0] =	vst v63  }
0xd6: {  	_ = 	snop  }
0xd7: {  	[spmem:s5] =	stream.indirect.scatter.add.f32 [tilespmem:s21], [sflag:$0x3], $0x10, s10, s15, $0xb8;
	[tilespmem:$0x1F0A0] =	vst v63  }
0xd8: {  	_ =	swait.ge [sflag:s22], $0x2800  }
0xd9: {  	[sflag:s22] =	ssyncset.done $0x0  }
0xda: {  	[sflag:s22] =	ssyncadd.s32 $0xFFFFD800  }
0xdb: {  	_ =	swait.ge [sflag:s23], $0x2800  }
0xdc: {  	[sflag:s23] =	ssyncset.done $0x0  }
0xdd: {  	[sflag:s23] =	ssyncadd.s32 $0xFFFFD800  }
0xde: {  	_ =	swait.ge [sflag:s23], $0x500  }
0xdf: {  	[sflag:s23] =	ssyncset.done $0x0  }
0xe0: {  	s30 =	simm.s32 $0x16940;
	[sflag:s23] =	ssyncadd.s32 $0xFFFFFB00  }
0xe1: {  	[tilespmem:s16], [sflag:$0x1] =	stream.indirect.gather [hbm4b:s0+s15], $0x80, s30, s15, $0xb8;
	[tilespmem:$0x1F0A0] =	vst v63  }
0xe2: {  	s9 =	simm.s32 $0x640;
	s10 =	simm.s32 $0x170C0  }
0xe3: {  	[spmem:s4] =	stream.indirect.scatter.add.f32 [tilespmem:s18], [sflag:$0x3], $0x80, s10, s15, $0xb8;
	[tilespmem:$0x1F0A0] =	vst v63  }
.LBB2_9:
0xe4: {  	[spmem:s5] =	stream.indirect.scatter.add.f32 [tilespmem:s21], [sflag:$0x3], $0x10, s10, s15, $0xb8;
	[tilespmem:$0x1F0A0] =	vst v63  }
0xe5: {  	s6 =	smov.u32 s9  }
0xe6: {  	p0 =	sne.s32 s9, $0x1CC0;
	s9 =	sadd.s32 $0x280, s9;
	_ =	swait.ge [sflag:s23], $0x2800  }
0xe7: {  	[sflag:s23] =	ssyncset.done $0x0  }
0xe8: {  	[sflag:s23] =	ssyncadd.s32 $0xFFFFD800  }
0xe9: {  	_ =	swait.ge [sflag:s23], $0x500  }
0xea: {  	s6 =	sshra.s32 s6, $0x2;
	[sflag:s23] =	ssyncset.done $0x0  }
0xeb: {  	s10 =	sadd.s32 $0x16800, s6;
	[sflag:s23] =	ssyncadd.s32 $0xFFFFFB00  }
0xec: {  	[tilespmem:s18], [sflag:$0x2] =	stream.indirect.gather [hbm4b:s0+s15], $0x80, s10, s15, $0xb8;
	[tilespmem:$0x1F0A0] =	vst v63  }
0xed: {  	_ =	swait.ge [sflag:s3], $0x2800  }
0xee: {  	[sflag:s3] =	ssyncset.done $0x0  }
0xef: {  	s10 =	sadd.s32 $0x16F80, s6;
	[sflag:s3] =	ssyncadd.s32 $0xFFFFD800  }
0xf0: {  	[spmem:s4] =	stream.indirect.scatter.add.f32 [tilespmem:s16], [sflag:$0x3], $0x80, s10, s15, $0xb8;
	[tilespmem:$0x1F0A0] =	vst v63  }
0xf1: {  	_ = 	snop  }
0xf2: {  	[spmem:s5] =	stream.indirect.scatter.add.f32 [tilespmem:s21], [sflag:$0x3], $0x10, s10, s15, $0xb8;
	[tilespmem:$0x1F0A0] =	vst v63  }
0xf3: {  	_ =	swait.ge [sflag:s22], $0x2800  }
0xf4: {  	[sflag:s22] =	ssyncset.done $0x0  }
0xf5: {  	[sflag:s22] =	ssyncadd.s32 $0xFFFFD800  }
0xf6: {  	_ =	swait.ge [sflag:s23], $0x2800  }
0xf7: {  	[sflag:s23] =	ssyncset.done $0x0  }
0xf8: {  	[sflag:s23] =	ssyncadd.s32 $0xFFFFD800  }
0xf9: {  	_ =	swait.ge [sflag:s23], $0x500  }
.Ltmp3:
0xfa: {  	[sflag:s23] =	ssyncset.done $0x0;
	(pc) =	sbr.rel @p0 .LBB2_9-.Ltmp3, $4  }
0xfb: {  	s10 =	sadd.s32 $0x16850, s6;
	[sflag:s23] =	ssyncadd.s32 $0xFFFFFB00  }
0xfc: {  	[tilespmem:s16], [sflag:$0x1] =	stream.indirect.gather [hbm4b:s0+s15], $0x80, s10, s15, $0xb8;
	[tilespmem:$0x1F0A0] =	vst v63  }
0xfd: {  	s10 =	sadd.s32 $0x16FD0, s6  }
0xfe: {  	[spmem:s4] =	stream.indirect.scatter.add.f32 [tilespmem:s18], [sflag:$0x3], $0x80, s10, s15, $0xb8;
	[tilespmem:$0x1F0A0] =	vst v63  }
0xff: {  	[spmem:s5] =	stream.indirect.scatter.add.f32 [tilespmem:s21], [sflag:$0x3], $0x10, s10, s15, $0xb8;
	[tilespmem:$0x1F0A0] =	vst v63  }
0x100: {  	_ =	swait.ge [sflag:s23], $0x2800  }
0x101: {  	[sflag:s23] =	ssyncset.done $0x0  }
0x102: {  	[sflag:s23] =	ssyncadd.s32 $0xFFFFD800  }
0x103: {  	_ =	swait.ge [sflag:s23], $0x500  }
0x104: {  	[sflag:s23] =	ssyncset.done $0x0  }
0x105: {  	[sflag:s23] =	ssyncadd.s32 $0xFFFFFB00  }
0x106: {  	_ =	swait.ge [sflag:s3], $0x2800  }
0x107: {  	[sflag:s3] =	ssyncset.done $0x0  }
0x108: {  	[sflag:s3] =	ssyncadd.s32 $0xFFFFD800  }
0x109: {  	[spmem:s4] =	stream.indirect.scatter.add.f32 [tilespmem:s16], [sflag:$0x3], $0x80, s26, s15, $0xb8;
	[tilespmem:$0x1F0A0] =	vst v63  }
0x10a: {  	s28 =	sadd.s32 $0x1, s28  }
0x10b: {  	[spmem:s5] =	stream.indirect.scatter.add.f32 [tilespmem:s21], [sflag:$0x3], $0x10, s26, s15, $0xb8;
	[tilespmem:$0x1F0A0] =	vst v63  }
0x10c: {  	p0 =	sne.s32 s28, $0x5;
	_ =	swait.ge [sflag:s23], $0x2800  }
.Ltmp4:
0x10d: {  	[sflag:s23] =	ssyncset.done $0x0;
	(pc) =	sbr.rel @p0 .LBB2_8-.Ltmp4, $4  }
0x10e: {  	[sflag:s23] =	ssyncadd.s32 $0xFFFFD800  }
0x10f: {  	_ =	swait.ge [sflag:s23], $0x500  }
0x110: {  	[sflag:s23] =	ssyncset.done $0x0  }
0x111: {  	[sflag:s23] =	ssyncadd.s32 $0xFFFFFB00  }
0x112: {  	s6 =	stileid.u32;
	[bflag:$0x0] =	sbarrier.arrive $0xFFFF  }
0x113: {  	s9 =	sshrl.u32 s29, $0x3;
	s6 =	sshll.u32 s6, $0x6;
	s10 =	rddreg [dreg:$0x1b]  }
0x114: {  	[smem:$0x7FD] =	sst s9;
	s28 =	sor.u32 $0x1C04, s6  }
0x115: {  	[hbm:s10], [sflag:s28] =	dma.local [spmem:s9], $0x2800  }
0x116: {  	_ =	swait.ge [sflag:s14], $0x2800  }
0x117: {  	[sflag:s14] =	ssyncset.done $0x0;
	s6 =	rddreg [dreg:$0x8]  }
0x118: {  	s10 =	rddreg [dreg:$0x1d];
	[sflag:s14] =	ssyncadd.s32 $0xFFFFD800;
	s30 =	sshrl.u32 s6, $0x3  }
0x119: {  	[hbm:s10], [sflag:s28] =	dma.local [spmem:s30], $0x500  }
0x11a: {  	_ =	swait.ge [sflag:s14], $0x500  }
0x11b: {  	[sflag:s14] =	ssyncset.done $0x0  }
0x11c: {  	[sflag:s14] =	ssyncadd.s32 $0xFFFFFB00  }
0x11d: {  	[spmem:s29] =	stream.linear.scatter [tilespmem:s1], [sflag:$0x1], $0x2000, $0x38;
	[tilespmem:$0x1F0A0] =	vst v63  }
0x11e: {  	_ = 	snop  }
0x11f: {  	[spmem:s6] =	stream.linear.scatter [tilespmem:s31], [sflag:$0x1], $0x400, $0x38;
	[tilespmem:$0x1F0A0] =	vst v63  }
0x120: {  	s9 =	rddreg [dreg:$0x9]  }
0x121: {  	[spmem:s9] =	stream.linear.scatter [tilespmem:s1], [sflag:$0x1], $0x2000, $0x38;
	[tilespmem:$0x1F0A0] =	vst v63  }
0x122: {  	s10 =	rddreg [dreg:$0xa]  }
0x123: {  	[spmem:s10] =	stream.linear.scatter [tilespmem:s31], [sflag:$0x1], $0x400, $0x38;
	[tilespmem:$0x1F0A0] =	vst v63  }
0x124: {  	s29 =	rddreg [dreg:$0xb]  }
0x125: {  	[spmem:s29] =	stream.linear.scatter [tilespmem:s1], [sflag:$0x1], $0x2000, $0x38;
	[tilespmem:$0x1F0A0] =	vst v63  }
0x126: {  	s9 =	rddreg [dreg:$0xc]  }
0x127: {  	[spmem:s9] =	stream.linear.scatter [tilespmem:s31], [sflag:$0x1], $0x400, $0x38;
	[tilespmem:$0x1F0A0] =	vst v63  }
0x128: {  	s10 =	rddreg [dreg:$0xd]  }
0x129: {  	[spmem:s10] =	stream.linear.scatter [tilespmem:s1], [sflag:$0x1], $0x2000, $0x38;
	[tilespmem:$0x1F0A0] =	vst v63  }
0x12a: {  	s29 =	rddreg [dreg:$0xe]  }
0x12b: {  	[spmem:s29] =	stream.linear.scatter [tilespmem:s31], [sflag:$0x1], $0x400, $0x38;
	[tilespmem:$0x1F0A0] =	vst v63  }
0x12c: {  	s9 =	rddreg [dreg:$0xf]  }
0x12d: {  	[spmem:s9] =	stream.linear.scatter [tilespmem:s1], [sflag:$0x1], $0x2000, $0x38;
	[tilespmem:$0x1F0A0] =	vst v63  }
0x12e: {  	s10 =	rddreg [dreg:$0x10]  }
0x12f: {  	[spmem:s10] =	stream.linear.scatter [tilespmem:s31], [sflag:$0x1], $0x400, $0x38;
	[tilespmem:$0x1F0A0] =	vst v63  }
0x130: {  	s29 =	rddreg [dreg:$0x11]  }
0x131: {  	[spmem:s29] =	stream.linear.scatter [tilespmem:s1], [sflag:$0x1], $0x2000, $0x38;
	[tilespmem:$0x1F0A0] =	vst v63  }
0x132: {  	s9 =	rddreg [dreg:$0x12]  }
0x133: {  	[spmem:s9] =	stream.linear.scatter [tilespmem:s31], [sflag:$0x1], $0x400, $0x38;
	[tilespmem:$0x1F0A0] =	vst v63  }
0x134: {  	s10 =	rddreg [dreg:$0x13]  }
0x135: {  	[spmem:s10] =	stream.linear.scatter [tilespmem:s1], [sflag:$0x1], $0x2000, $0x38;
	[tilespmem:$0x1F0A0] =	vst v63  }
0x136: {  	s29 =	rddreg [dreg:$0x14]  }
0x137: {  	[spmem:s29] =	stream.linear.scatter [tilespmem:s31], [sflag:$0x1], $0x400, $0x38;
	[tilespmem:$0x1F0A0] =	vst v63  }
0x138: {  	s9 =	rddreg [dreg:$0x15]  }
0x139: {  	[spmem:s9] =	stream.linear.scatter [tilespmem:s1], [sflag:$0x1], $0x2000, $0x38;
	[tilespmem:$0x1F0A0] =	vst v63  }
0x13a: {  	s10 =	rddreg [dreg:$0x16]  }
0x13b: {  	[spmem:s10] =	stream.linear.scatter [tilespmem:s31], [sflag:$0x1], $0x400, $0x38;
	[tilespmem:$0x1F0A0] =	vst v63  }
0x13c: {  	s29 =	rddreg [dreg:$0x17]  }
0x13d: {  	[spmem:s29] =	stream.linear.scatter [tilespmem:s1], [sflag:$0x1], $0x2000, $0x38;
	[tilespmem:$0x1F0A0] =	vst v63  }
0x13e: {  	s9 =	rddreg [dreg:$0x18]  }
0x13f: {  	[spmem:s9] =	stream.linear.scatter [tilespmem:s31], [sflag:$0x1], $0x400, $0x38;
	[tilespmem:$0x1F0A0] =	vst v63  }
0x140: {  	s10 =	rddreg [dreg:$0x19]  }
0x141: {  	[spmem:s10] =	stream.linear.scatter [tilespmem:s1], [sflag:$0x1], $0x2000, $0x38;
	[tilespmem:$0x1F0A0] =	vst v63  }
0x142: {  	s29 =	rddreg [dreg:$0x1a]  }
0x143: {  	[spmem:s29] =	stream.linear.scatter [tilespmem:s31], [sflag:$0x1], $0x400, $0x38;
	[tilespmem:$0x1F0A0] =	vst v63  }
0x144: {  	_ =	swait.ge [sflag:s3], $0x2000  }
0x145: {  	[sflag:s3] =	ssyncset.done $0x0  }
0x146: {  	[sflag:s3] =	ssyncadd.s32 $0xFFFFE000  }
0x147: {  	_ =	swait.ge [sflag:s3], $0x400  }
0x148: {  	[sflag:s3] =	ssyncset.done $0x0  }
0x149: {  	[sflag:s3] =	ssyncadd.s32 $0xFFFFFC00  }
0x14a: {  	_ =	swait.ge [sflag:s3], $0x2000  }
0x14b: {  	[sflag:s3] =	ssyncset.done $0x0  }
0x14c: {  	[sflag:s3] =	ssyncadd.s32 $0xFFFFE000  }
0x14d: {  	_ =	swait.ge [sflag:s3], $0x400  }
0x14e: {  	[sflag:s3] =	ssyncset.done $0x0  }
0x14f: {  	[sflag:s3] =	ssyncadd.s32 $0xFFFFFC00  }
0x150: {  	_ =	swait.ge [sflag:s3], $0x2000  }
0x151: {  	[sflag:s3] =	ssyncset.done $0x0  }
0x152: {  	[sflag:s3] =	ssyncadd.s32 $0xFFFFE000  }
0x153: {  	_ =	swait.ge [sflag:s3], $0x400  }
0x154: {  	[sflag:s3] =	ssyncset.done $0x0  }
0x155: {  	[sflag:s3] =	ssyncadd.s32 $0xFFFFFC00  }
0x156: {  	_ =	swait.ge [sflag:s3], $0x2000  }
0x157: {  	[sflag:s3] =	ssyncset.done $0x0  }
0x158: {  	[sflag:s3] =	ssyncadd.s32 $0xFFFFE000  }
0x159: {  	_ =	swait.ge [sflag:s3], $0x400  }
0x15a: {  	[sflag:s3] =	ssyncset.done $0x0  }
0x15b: {  	[sflag:s3] =	ssyncadd.s32 $0xFFFFFC00  }
0x15c: {  	_ =	swait.ge [sflag:s3], $0x2000  }
0x15d: {  	[sflag:s3] =	ssyncset.done $0x0  }
0x15e: {  	[sflag:s3] =	ssyncadd.s32 $0xFFFFE000  }
0x15f: {  	_ =	swait.ge [sflag:s3], $0x400  }
0x160: {  	[sflag:s3] =	ssyncset.done $0x0  }
0x161: {  	[sflag:s3] =	ssyncadd.s32 $0xFFFFFC00  }
0x162: {  	_ =	swait.ge [sflag:s3], $0x2000  }
0x163: {  	[sflag:s3] =	ssyncset.done $0x0  }
0x164: {  	[sflag:s3] =	ssyncadd.s32 $0xFFFFE000  }
0x165: {  	_ =	swait.ge [sflag:s3], $0x400  }
0x166: {  	[sflag:s3] =	ssyncset.done $0x0  }
0x167: {  	[sflag:s3] =	ssyncadd.s32 $0xFFFFFC00  }
0x168: {  	_ =	swait.ge [sflag:s3], $0x2000  }
0x169: {  	[sflag:s3] =	ssyncset.done $0x0  }
0x16a: {  	[sflag:s3] =	ssyncadd.s32 $0xFFFFE000  }
0x16b: {  	_ =	swait.ge [sflag:s3], $0x400  }
0x16c: {  	[sflag:s3] =	ssyncset.done $0x0  }
0x16d: {  	[sflag:s3] =	ssyncadd.s32 $0xFFFFFC00  }
0x16e: {  	_ =	swait.ge [sflag:s3], $0x2000  }
0x16f: {  	[sflag:s3] =	ssyncset.done $0x0  }
0x170: {  	[sflag:s3] =	ssyncadd.s32 $0xFFFFE000  }
0x171: {  	_ =	swait.ge [sflag:s3], $0x400  }
0x172: {  	[sflag:s3] =	ssyncset.done $0x0  }
0x173: {  	[sflag:s3] =	ssyncadd.s32 $0xFFFFFC00  }
0x174: {  	_ =	swait.ge [sflag:s3], $0x2000  }
0x175: {  	[sflag:s3] =	ssyncset.done $0x0  }
0x176: {  	[sflag:s3] =	ssyncadd.s32 $0xFFFFE000  }
0x177: {  	_ =	swait.ge [sflag:s3], $0x400  }
0x178: {  	[sflag:s3] =	ssyncset.done $0x0  }
0x179: {  	[sflag:s3] =	ssyncadd.s32 $0xFFFFFC00  }
0x17a: {  	_ =	swait.ge [sflag:s3], $0x2000  }
0x17b: {  	[sflag:s3] =	ssyncset.done $0x0  }
0x17c: {  	[sflag:s3] =	ssyncadd.s32 $0xFFFFE000  }
0x17d: {  	_ =	swait.ge [sflag:s3], $0x400  }
0x17e: {  	[sflag:s3] =	ssyncset.done $0x0  }
0x17f: {  	[sflag:s3] =	ssyncadd.s32 $0xFFFFFC00  }
0x180: {  	s9 =	simm.s32 $0x0;
	[bflag:$0x0] =	sbarrier.arrive $0xFFFF  }
.LBB2_12:
0x181: {  	s6 =	smul.u32 $0x19, s9;
	_ =	sdelay $0x1  }
0x182: {  	s6 =	sadd.s32 s19, s6  }
0x183: {  	s6 =	smul.u32 $0xA, s6;
	_ =	sdelay $0x1  }
0x184: {  	s6 =	sadd.s32 s8, s6  }
0x185: {  	[tilespmem:s13], [sflag:$0x4] =	stream.strided.gather [hbm4b:s6+s11], $0xFA0, s12, s11, $0x38;
	[tilespmem:$0x1F0A0] =	vst v63  }
0x186: {  	_ =	swait.ge [sflag:s14], $0xFA0  }
0x187: {  	[sflag:s14] =	ssyncset.done $0x0  }
0x188: {  	[sflag:s14] =	ssyncadd.s32 $0xFFFFF060  }
0x189: {  	[tilespmem:s16], [sflag:$0x1] =	stream.indirect.gather [hbm4b:s2+s15], $0x80, s13, s15, $0xb8;
	[tilespmem:$0x1F0A0] =	vst v63  }
0x18a: {  	_ = 	snop  }
0x18b: {  	[tilespmem:s18], [sflag:$0x2] =	stream.indirect.gather [hbm4b:s2+s15], $0x80, s17, s15, $0xb8;
	[tilespmem:$0x1F0A0] =	vst v63  }
0x18c: {  	_ =	swait.ge [sflag:s3], $0x2800  }
0x18d: {  	[sflag:s3] =	ssyncset.done $0x0  }
0x18e: {  	[sflag:s3] =	ssyncadd.s32 $0xFFFFD800  }
0x18f: {  	[spmem:s4] =	stream.indirect.scatter.add.f32 [tilespmem:s16], [sflag:$0x3], $0x80, s20, s15, $0xb8;
	[tilespmem:$0x1F0A0] =	vst v63  }
0x190: {  	_ = 	snop  }
0x191: {  	[spmem:s5] =	stream.indirect.scatter.add.f32 [tilespmem:s21], [sflag:$0x3], $0x10, s20, s15, $0xb8;
	[tilespmem:$0x1F0A0] =	vst v63  }
0x192: {  	_ =	swait.ge [sflag:s22], $0x2800  }
0x193: {  	[sflag:s22] =	ssyncset.done $0x0  }
0x194: {  	[sflag:s22] =	ssyncadd.s32 $0xFFFFD800  }
0x195: {  	_ =	swait.ge [sflag:s23], $0x2800  }
0x196: {  	[sflag:s23] =	ssyncset.done $0x0  }
0x197: {  	[sflag:s23] =	ssyncadd.s32 $0xFFFFD800  }
0x198: {  	_ =	swait.ge [sflag:s23], $0x500  }
0x199: {  	[sflag:s23] =	ssyncset.done $0x0  }
0x19a: {  	[sflag:s23] =	ssyncadd.s32 $0xFFFFFB00  }
0x19b: {  	[tilespmem:s16], [sflag:$0x1] =	stream.indirect.gather [hbm4b:s2+s15], $0x80, s24, s15, $0xb8;
	[tilespmem:$0x1F0A0] =	vst v63  }
0x19c: {  	_ = 	snop  }
0x19d: {  	[spmem:s4] =	stream.indirect.scatter.add.f32 [tilespmem:s18], [sflag:$0x3], $0x80, s25, s15, $0xb8;
	[tilespmem:$0x1F0A0] =	vst v63  }
0x19e: {  	_ = 	snop  }
0x19f: {  	[spmem:s5] =	stream.indirect.scatter.add.f32 [tilespmem:s21], [sflag:$0x3], $0x10, s25, s15, $0xb8;
	[tilespmem:$0x1F0A0] =	vst v63  }
0x1a0: {  	_ =	swait.ge [sflag:s23], $0x2800  }
0x1a1: {  	[sflag:s23] =	ssyncset.done $0x0  }
0x1a2: {  	[sflag:s23] =	ssyncadd.s32 $0xFFFFD800  }
0x1a3: {  	_ =	swait.ge [sflag:s23], $0x500  }
0x1a4: {  	[sflag:s23] =	ssyncset.done $0x0  }
0x1a5: {  	s29 =	simm.s32 $0x168F0;
	[sflag:s23] =	ssyncadd.s32 $0xFFFFFB00  }
0x1a6: {  	[tilespmem:s18], [sflag:$0x2] =	stream.indirect.gather [hbm4b:s2+s15], $0x80, s29, s15, $0xb8;
	[tilespmem:$0x1F0A0] =	vst v63  }
0x1a7: {  	_ =	swait.ge [sflag:s3], $0x2800  }
0x1a8: {  	[sflag:s3] =	ssyncset.done $0x0  }
0x1a9: {  	s10 =	simm.s32 $0x17070;
	[sflag:s3] =	ssyncadd.s32 $0xFFFFD800  }
0x1aa: {  	[spmem:s4] =	stream.indirect.scatter.add.f32 [tilespmem:s16], [sflag:$0x3], $0x80, s10, s15, $0xb8;
	[tilespmem:$0x1F0A0] =	vst v63  }
0x1ab: {  	_ = 	snop  }
0x1ac: {  	[spmem:s5] =	stream.indirect.scatter.add.f32 [tilespmem:s21], [sflag:$0x3], $0x10, s10, s15, $0xb8;
	[tilespmem:$0x1F0A0] =	vst v63  }
0x1ad: {  	_ =	swait.ge [sflag:s22], $0x2800  }
0x1ae: {  	[sflag:s22] =	ssyncset.done $0x0  }
0x1af: {  	[sflag:s22] =	ssyncadd.s32 $0xFFFFD800  }
0x1b0: {  	_ =	swait.ge [sflag:s23], $0x2800  }
0x1b1: {  	[sflag:s23] =	ssyncset.done $0x0  }
0x1b2: {  	[sflag:s23] =	ssyncadd.s32 $0xFFFFD800  }
0x1b3: {  	_ =	swait.ge [sflag:s23], $0x500  }
0x1b4: {  	[sflag:s23] =	ssyncset.done $0x0  }
0x1b5: {  	s29 =	simm.s32 $0x16940;
	[sflag:s23] =	ssyncadd.s32 $0xFFFFFB00  }
0x1b6: {  	[tilespmem:s16], [sflag:$0x1] =	stream.indirect.gather [hbm4b:s2+s15], $0x80, s29, s15, $0xb8;
	[tilespmem:$0x1F0A0] =	vst v63  }
0x1b7: {  	s6 =	simm.s32 $0x170C0;
	s10 =	simm.s32 $0x640  }
0x1b8: {  	[spmem:s4] =	stream.indirect.scatter.add.f32 [tilespmem:s18], [sflag:$0x3], $0x80, s6, s15, $0xb8;
	[tilespmem:$0x1F0A0] =	vst v63  }
.LBB2_13:
0x1b9: {  	[spmem:s5] =	stream.indirect.scatter.add.f32 [tilespmem:s21], [sflag:$0x3], $0x10, s6, s15, $0xb8;
	[tilespmem:$0x1F0A0] =	vst v63  }
0x1ba: {  	s6 =	smov.u32 s10  }
0x1bb: {  	p0 =	sne.s32 s10, $0x1CC0;
	s10 =	sadd.s32 $0x280, s10;
	_ =	swait.ge [sflag:s23], $0x2800  }
0x1bc: {  	[sflag:s23] =	ssyncset.done $0x0  }
0x1bd: {  	[sflag:s23] =	ssyncadd.s32 $0xFFFFD800  }
0x1be: {  	_ =	swait.ge [sflag:s23], $0x500  }
0x1bf: {  	s6 =	sshra.s32 s6, $0x2;
	[sflag:s23] =	ssyncset.done $0x0  }
0x1c0: {  	s29 =	sadd.s32 $0x16800, s6;
	[sflag:s23] =	ssyncadd.s32 $0xFFFFFB00  }
0x1c1: {  	[tilespmem:s18], [sflag:$0x2] =	stream.indirect.gather [hbm4b:s2+s15], $0x80, s29, s15, $0xb8;
	[tilespmem:$0x1F0A0] =	vst v63  }
0x1c2: {  	_ =	swait.ge [sflag:s3], $0x2800  }
0x1c3: {  	[sflag:s3] =	ssyncset.done $0x0  }
0x1c4: {  	s29 =	sadd.s32 $0x16F80, s6;
	[sflag:s3] =	ssyncadd.s32 $0xFFFFD800  }
0x1c5: {  	[spmem:s4] =	stream.indirect.scatter.add.f32 [tilespmem:s16], [sflag:$0x3], $0x80, s29, s15, $0xb8;
	[tilespmem:$0x1F0A0] =	vst v63  }
0x1c6: {  	_ = 	snop  }
0x1c7: {  	[spmem:s5] =	stream.indirect.scatter.add.f32 [tilespmem:s21], [sflag:$0x3], $0x10, s29, s15, $0xb8;
	[tilespmem:$0x1F0A0] =	vst v63  }
0x1c8: {  	_ =	swait.ge [sflag:s22], $0x2800  }
0x1c9: {  	[sflag:s22] =	ssyncset.done $0x0  }
0x1ca: {  	[sflag:s22] =	ssyncadd.s32 $0xFFFFD800  }
0x1cb: {  	_ =	swait.ge [sflag:s23], $0x2800  }
0x1cc: {  	[sflag:s23] =	ssyncset.done $0x0  }
0x1cd: {  	[sflag:s23] =	ssyncadd.s32 $0xFFFFD800  }
0x1ce: {  	_ =	swait.ge [sflag:s23], $0x500  }
.Ltmp5:
0x1cf: {  	[sflag:s23] =	ssyncset.done $0x0;
	(pc) =	sbr.rel @p0 .LBB2_13-.Ltmp5, $4  }
0x1d0: {  	s29 =	sadd.s32 $0x16850, s6;
	[sflag:s23] =	ssyncadd.s32 $0xFFFFFB00  }
0x1d1: {  	[tilespmem:s16], [sflag:$0x1] =	stream.indirect.gather [hbm4b:s2+s15], $0x80, s29, s15, $0xb8;
	[tilespmem:$0x1F0A0] =	vst v63  }
0x1d2: {  	s6 =	sadd.s32 $0x16FD0, s6  }
0x1d3: {  	[spmem:s4] =	stream.indirect.scatter.add.f32 [tilespmem:s18], [sflag:$0x3], $0x80, s6, s15, $0xb8;
	[tilespmem:$0x1F0A0] =	vst v63  }
0x1d4: {  	[spmem:s5] =	stream.indirect.scatter.add.f32 [tilespmem:s21], [sflag:$0x3], $0x10, s6, s15, $0xb8;
	[tilespmem:$0x1F0A0] =	vst v63  }
0x1d5: {  	_ =	swait.ge [sflag:s23], $0x2800  }
0x1d6: {  	[sflag:s23] =	ssyncset.done $0x0  }
0x1d7: {  	[sflag:s23] =	ssyncadd.s32 $0xFFFFD800  }
0x1d8: {  	_ =	swait.ge [sflag:s23], $0x500  }
0x1d9: {  	[sflag:s23] =	ssyncset.done $0x0  }
0x1da: {  	[sflag:s23] =	ssyncadd.s32 $0xFFFFFB00  }
0x1db: {  	_ =	swait.ge [sflag:s3], $0x2800  }
0x1dc: {  	[sflag:s3] =	ssyncset.done $0x0  }
0x1dd: {  	[sflag:s3] =	ssyncadd.s32 $0xFFFFD800  }
0x1de: {  	[spmem:s4] =	stream.indirect.scatter.add.f32 [tilespmem:s16], [sflag:$0x3], $0x80, s26, s15, $0xb8;
	[tilespmem:$0x1F0A0] =	vst v63  }
0x1df: {  	s9 =	sadd.s32 $0x1, s9  }
0x1e0: {  	[spmem:s5] =	stream.indirect.scatter.add.f32 [tilespmem:s21], [sflag:$0x3], $0x10, s26, s15, $0xb8;
	[tilespmem:$0x1F0A0] =	vst v63  }
0x1e1: {  	p0 =	sne.s32 s9, $0x5;
	_ =	swait.ge [sflag:s23], $0x2800  }
.Ltmp6:
0x1e2: {  	[sflag:s23] =	ssyncset.done $0x0;
	(pc) =	sbr.rel @p0 .LBB2_12-.Ltmp6, $4  }
0x1e3: {  	[sflag:s23] =	ssyncadd.s32 $0xFFFFD800  }
0x1e4: {  	_ =	swait.ge [sflag:s23], $0x500  }
0x1e5: {  	[sflag:s23] =	ssyncset.done $0x0  }
0x1e6: {  	[sflag:s23] =	ssyncadd.s32 $0xFFFFFB00  }
0x1e7: {  	[bflag:$0x0] =	sbarrier.arrive $0xFFFF  }
0x1e8: {  	s9 =	sld [smem:$0x7FD];
	_ =	sdelay $0x1  }
0x1e9: {  	s6 =	rddreg [dreg:$0x1c]  }
0x1ea: {  	[hbm:s6], [sflag:s28] =	dma.local [spmem:s9], $0x2800  }
0x1eb: {  	_ =	swait.ge [sflag:s14], $0x2800  }
0x1ec: {  	[sflag:s14] =	ssyncset.done $0x0  }
0x1ed: {  	s10 =	rddreg [dreg:$0x1e];
	[sflag:s14] =	ssyncadd.s32 $0xFFFFD800  }
0x1ee: {  	[hbm:s10], [sflag:s28] =	dma.local [spmem:s30], $0x500  }
0x1ef: {  	_ =	swait.ge [sflag:s14], $0x500  }
0x1f0: {  	s28 =	rddreg [dreg:$0x6]  }
0x1f1: {  	s30 =	rddreg [dreg:$0x1f];
	s28 =	sadd.s32 $0x1, s28  }
0x1f2: {  	p0 =	sne.s32 s28, s30  }
.Ltmp7:
0x1f3: {  	_ = 	snop;
	(pc) =	sbr.rel @p0 .LBB2_1-.Ltmp7, $3  }
0x1f4: {  	_ =	sdelay $0x1  }
0x1f5: {  	[sflag:s14] =	ssyncset.done $0x0  }
0x1f6: {  	s29 =	rddreg [dreg:$0x7];
	[sflag:s14] =	ssyncadd.s32 $0xFFFFFB00  }
0x1f7: {  	_ =	sfence.sel $0x180000  }
0x1f8: {  	[bflag:$0x0] =	sbarrier.arrive $0xFFFF  }
0x1f9: {  	_ =	strace $0x90000047  }
0x1fa: {  	s0 =	stileid.u32;
	[bflag:$0x2] =	sbarrier.arrive $0xFFFF  }
0x1fb: {  	p0 =	sne.s32 s0, $0x0;
	s0 =	rddreg [dreg:$0x5]  }
0x1fc: {  	s0 =	sadd.s32 @!p0 $0x100000, s0  }
0x1fd: {  	[sflag:s0] =	ssyncadd.tile.s32 @!p0 $0x1;
	_ =	shalt  }
.Lfunc_end2:
_tile_overlayer_lowered:
.L_overlay_start_2:
0x1fe: {  	(tag) =	ssettag $0x2  }
0x1ff: {  	s0 =	rddreg [dreg:$0x0];
	s2 =	stileid.u32  }
0x200: {  	s1 =	rddreg [dreg:$0x1];
	p0 =	sne.s32 s2, $0x0  }
0x201: {  	s3 =	rddreg [dreg:$0x2];
	[bflag:$0x3] =	sbarrier.arrive $0xFFFF;
	s2 =	simm.s32 @!p0 $0x1C04  }
0x202: {  	[timem:s3], [sflag:s2] =	dma.local @!p0 [hbm:s0], s1  }
0x203: {  	s0 =	simm.s32 @!p0 $0x4  }
0x204: {  	_ =	swait.ge @!p0 [sflag:s0], s1  }
0x205: {  	s1 =	ssub.s32 @!p0 $0x0, s1;
	[sflag:s0] =	ssyncset.done @!p0 $0x0  }
0x206: {  	[sflag:s0] =	ssyncadd.s32 @!p0 s1  }
0x207: {  	[bflag:$0x3] =	sbarrier.arrive $0xFFFF  }
0x208: {  	_ =	shalt  }

</sc_bundles>
